<compile_context>
chip_gen: v7x
topology: tpu7x:2x2x1
jax: 0.10.2.dev20260603
libtpu: 0.0.44.dev20260713+nightly
codegen_flags: <defaults>
</compile_context>

<pallas_src>
import dataclasses
import functools

import jax
import jax.numpy as jnp
from jax import lax
from jax.experimental import pallas as pl
from jax.experimental.pallas import tpu as pltpu
from jax.experimental.pallas import tpu_sc as plsc

_N = 10000
_E = 320000
_NC, _NS = 2, 16
_NW = _NC * _NS
_CHUNK = 128
_CPT = 80
_EPAD = _NW * _CPT * _CHUNK
_CAP = _CPT * _CHUNK
_TRASH = _N
_NACC = _N + 112
_HALF = 5056
_LTRASH = _HALF
_NLOC = _HALF + 64
_LSTRIPE = _NLOC // _NS
_D = 128
_GRP = 1
_RB = 2000

_mesh = plsc.VectorSubcoreMesh(core_axis_name="c", subcore_axis_name="s")

_cp = pltpu.CompilerParams()
if "needs_layout_passes" in pltpu.CompilerParams.__dataclass_fields__:
    _cp = dataclasses.replace(_cp, needs_layout_passes=False)


@functools.partial(
    pl.kernel,
    out_type=[
        jax.ShapeDtypeStruct((_NW, _NACC), jnp.float32),
        jax.ShapeDtypeStruct((_NW, 2, _CAP), jnp.int32),
        jax.ShapeDtypeStruct((_NW, 2, _CAP), jnp.int32),
        jax.ShapeDtypeStruct((_NW, 16), jnp.int32),
    ],
    mesh=_mesh,
    compiler_params=_cp,
    scratch_types=[
        pltpu.VMEM((_CPT, _CHUNK), jnp.int32),
        pltpu.VMEM((_CPT, _CHUNK), jnp.int32),
        pltpu.VMEM((_NACC,), jnp.float32),
        pltpu.VMEM((_CAP,), jnp.int32),
        pltpu.VMEM((_CAP,), jnp.int32),
        pltpu.VMEM((_CAP,), jnp.int32),
        pltpu.VMEM((_CAP,), jnp.int32),
        pltpu.VMEM((16,), jnp.int32),
        pltpu.SMEM((2,), jnp.int32),
    ],
)
def _prep_sc(src_hbm, dst_hbm, degp_hbm, bsrc_hbm, bdst_hbm, cnt_hbm,
             src_v, dst_v, dacc_v, bsrc0_v, bsrc1_v, bdst0_v, bdst1_v,
             cvec_v, offs):
    bsrc_b = (bsrc0_v, bsrc1_v)
    bdst_b = (bdst0_v, bdst1_v)
    c = lax.axis_index("c")
    s = lax.axis_index("s")
    wid = c * _NS + s

    pltpu.sync_copy(src_hbm.at[wid], src_v)
    pltpu.sync_copy(dst_hbm.at[wid], dst_v)

    @pl.loop(0, _NACC, step=16)
    def _(i):
        dacc_v[pl.ds(i, 16)] = jnp.zeros((16,), jnp.float32)

    offs[0] = 0
    offs[1] = 0
    ones = jnp.ones((16,), jnp.float32)

    @pl.loop(0, _CPT)
    def _(j):
        @pl.loop(0, _CHUNK, step=16)
        def _(k):
            d = dst_v[j, pl.ds(k, 16)]
            sv = src_v[j, pl.ds(k, 16)]
            plsc.addupdate_scatter(dacc_v, [d], ones)
            hi = d >= _HALF
            real = d < _N
            for b in range(2):
                mb = (hi & real) if b else jnp.logical_not(hi)
                dl = d - b * _HALF
                off = offs[b]
                plsc.store_compressed(bsrc_b[b].at[pl.ds(off, 16)], sv,
                                      mask=mb)
                plsc.store_compressed(bdst_b[b].at[pl.ds(off, 16)], dl,
                                      mask=mb)
                offs[b] = off + jnp.sum(mb.astype(jnp.int32))

    pltpu.sync_copy(dacc_v, degp_hbm.at[wid])

    iota16 = lax.iota(jnp.int32, 16)
    trash16 = _LTRASH + iota16
    for b in range(2):
        off = offs[b]
        tgt = ((off + _CHUNK - 1) // _CHUNK) * _CHUNK

        bs, bd = bsrc_b[b], bdst_b[b]

        @pl.loop(off, tgt, step=16)
        def _(i):
            lane = ((i // 16) % 4) * 16
            bs[pl.ds(i, 16)] = iota16 + lane
            bd[pl.ds(i, 16)] = trash16 + lane

        offs[b] = tgt // _CHUNK

    iota = lax.iota(jnp.int32, 16)
    cvec_v[...] = jnp.where(iota == 0, offs[0],
                            jnp.where(iota == 1, offs[1], 0))

    pltpu.sync_copy(bsrc0_v, bsrc_hbm.at[wid].at[0])
    pltpu.sync_copy(bsrc1_v, bsrc_hbm.at[wid].at[1])
    pltpu.sync_copy(bdst0_v, bdst_hbm.at[wid].at[0])
    pltpu.sync_copy(bdst1_v, bdst_hbm.at[wid].at[1])
    pltpu.sync_copy(cvec_v, cnt_hbm.at[wid])


@functools.partial(
    pl.kernel,
    out_type=jax.ShapeDtypeStruct((_NC, _NLOC, _D), jnp.float32),
    mesh=_mesh,
    compiler_params=_cp,
    scratch_types=[
        pltpu.VMEM((2, _CPT, _CHUNK), jnp.int32),
        pltpu.VMEM((2, _CPT, _CHUNK), jnp.int32),
        pltpu.VMEM((_CHUNK, _D), jnp.float32),
        pltpu.VMEM((16,), jnp.int32),
        pltpu.VMEM_SHARED((_NLOC, _D), jnp.float32),
        pltpu.SMEM((2,), jnp.int32),
    ],
)
def _agg_sc(tab_hbm, bsrc_hbm, bdst_hbm, cnt_hbm, zeros_hbm, part_hbm,
            src_v, dst_v, rows_v, cvec_v, acc_sh, nch):
    c = lax.axis_index("c")
    s = lax.axis_index("s")

    pltpu.sync_copy(zeros_hbm.at[pl.ds(s * _LSTRIPE, _LSTRIPE)],
                    acc_sh.at[pl.ds(s * _LSTRIPE, _LSTRIPE)])

    for pi in range(2):
        p = 2 * s + pi
        pltpu.sync_copy(bsrc_hbm.at[p].at[c], src_v.at[pi])
        pltpu.sync_copy(bdst_hbm.at[p].at[c], dst_v.at[pi])
        pltpu.sync_copy(cnt_hbm.at[p], cvec_v)
        n0 = jnp.sum(jnp.where(lax.iota(jnp.int32, 16) == 0, cvec_v[...], 0))
        n1 = jnp.sum(jnp.where(lax.iota(jnp.int32, 16) == 1, cvec_v[...], 0))
        nch[pi] = n0 * (1 - c) + n1 * c

    plsc.subcore_barrier()

    for pi in range(2):
        n = nch[pi]

        @pl.loop(0, n)
        def _(j):
            pltpu.sync_copy(tab_hbm.at[src_v.at[pi].at[j]], rows_v)
            pltpu.sync_copy(rows_v, acc_sh.at[dst_v.at[pi].at[j]], add=True)

    plsc.subcore_barrier()
    pltpu.sync_copy(acc_sh.at[pl.ds(s * _LSTRIPE, _LSTRIPE)],
                    part_hbm.at[c].at[pl.ds(s * _LSTRIPE, _LSTRIPE)])


def _dinv_body(dp_ref, o_ref):
    o_ref[...] = lax.rsqrt(jnp.sum(dp_ref[...], axis=0, keepdims=True) + 1.0)


def _tc_dinv(degp):
    return pl.pallas_call(
        _dinv_body,
        grid=(1,),
        in_specs=[pl.BlockSpec((_NW, _NACC), lambda i: (0, 0))],
        out_specs=pl.BlockSpec((1, _NACC), lambda i: (0, 0)),
        out_shape=jax.ShapeDtypeStruct((1, _NACC), jnp.float32),
    )(degp)


def _mm_scale_body(x_ref, w_ref, dv_ref, o_ref):
    h = jnp.dot(x_ref[...], w_ref[...], preferred_element_type=jnp.float32)
    hs = h * dv_ref[...]
    o_ref[...] = jnp.concatenate(
        [hs, jnp.zeros((hs.shape[0], _D - hs.shape[1]), jnp.float32)], axis=1)


def _tc_mm_scale_pad(x, wt, dinv):
    n, din = x.shape
    return pl.pallas_call(
        _mm_scale_body,
        grid=(n // _RB,),
        in_specs=[pl.BlockSpec((_RB, din), lambda i: (i, 0)),
                  pl.BlockSpec((din, wt.shape[1]), lambda i: (0, 0)),
                  pl.BlockSpec((_RB, 1), lambda i: (i, 0))],
        out_specs=pl.BlockSpec((_RB, _D), lambda i: (i, 0)),
        out_shape=jax.ShapeDtypeStruct((n, _D), jnp.float32),
    )(x, wt, dinv)


def _stage2_body(p_ref, hs1_ref, dv_ref, wt_ref, b1_ref, o_ref):
    dinv = dv_ref[...]
    dh = wt_ref.shape[0]
    h = (p_ref[...][:, :dh] + hs1_ref[...][:, :dh]) * dinv + b1_ref[...]
    h = jnp.maximum(h, 0.0)
    o_ref[...] = jnp.dot(h, wt_ref[...],
                         preferred_element_type=jnp.float32) * dinv


def _tc_stage2(p, hs1, dinv, wt, b1):
    n = hs1.shape[0]
    dh, do = wt.shape
    return pl.pallas_call(
        _stage2_body,
        grid=(n // _RB,),
        in_specs=[pl.BlockSpec((_RB, _D), lambda i: (i, 0)),
                  pl.BlockSpec((_RB, _D), lambda i: (i, 0)),
                  pl.BlockSpec((_RB, 1), lambda i: (i, 0)),
                  pl.BlockSpec((dh, do), lambda i: (0, 0)),
                  pl.BlockSpec((1, dh), lambda i: (0, 0))],
        out_specs=pl.BlockSpec((_RB, do), lambda i: (i, 0)),
        out_shape=jax.ShapeDtypeStruct((n, do), jnp.float32),
    )(p, hs1, dinv, wt, b1)


def _stage3_body(q_ref, hs2_ref, dv_ref, b2_ref, o_ref):
    o_ref[...] = ((q_ref[...] + hs2_ref[...]) * dv_ref[...] + b2_ref[...])


def _tc_stage3(q, hs2, dinv, b2):
    n, do = hs2.shape
    return pl.pallas_call(
        _stage3_body,
        grid=(n // _RB,),
        in_specs=[pl.BlockSpec((_RB, do), lambda i: (i, 0)),
                  pl.BlockSpec((_RB, do), lambda i: (i, 0)),
                  pl.BlockSpec((_RB, 1), lambda i: (i, 0)),
                  pl.BlockSpec((1, do), lambda i: (0, 0))],
        out_specs=pl.BlockSpec((_RB, do), lambda i: (i, 0)),
        out_shape=jax.ShapeDtypeStruct((n, do), jnp.float32),
    )(q, hs2, dinv, b2)


def _assemble(p):
    return jnp.concatenate([p[0, :_HALF], p[1, :_N - _HALF]], axis=0)


def kernel(x, edge_index, W1, b1, W2, b2):
    src = edge_index[0]
    dst = edge_index[1]
    pad_s = jnp.zeros((_EPAD - _E,), jnp.int32)
    pad_d = jnp.full((_EPAD - _E,), _TRASH, jnp.int32)
    src_p = jnp.concatenate([src, pad_s]).reshape(_NW, _CPT, _CHUNK)
    dst_p = jnp.concatenate([dst, pad_d]).reshape(_NW, _CPT, _CHUNK)

    degp, bsrc, bdst, cnt = _prep_sc(src_p, dst_p)
    bsrc = bsrc.reshape(_NW, 2, _CPT, _CHUNK)
    bdst = bdst.reshape(_NW, 2, _CPT, _CHUNK)
    dinv = _tc_dinv(degp).reshape(_NACC, 1)[:_N]

    zeros = jnp.zeros((_NLOC, _D), jnp.float32)
    hs1 = _tc_mm_scale_pad(x, W1.T, dinv)
    p = _assemble(_agg_sc(hs1, bsrc, bdst, cnt, zeros))
    hs2 = _tc_stage2(p, hs1, dinv, W2.T, b1.reshape(1, -1))
    q = _assemble(_agg_sc(hs2, bsrc, bdst, cnt, zeros))
    out = _tc_stage3(q, hs2, dinv, b2.reshape(1, -1))
    return out

# --- scband reference (transcript-rebuilt; emitter-appended) ---
"""Pipeline reference for scband-mini-gnn-80496277061654 (READ-ONLY COPY).

The authoritative reference and input builder live on the scoring server;
editing this copy changes nothing except your own understanding.
"""

import jax, jax.numpy as jnp
import numpy as np

N_NODES = 10000
N_EDGES = 320000
D_IN = 128
D_HID = 64
D_OUT = 128


def gcn_conv(x, src, dst, W, b):
    # PyG GCNConv with add_self_loops=True (self loops already appended in src/dst):
    # h = x @ W^T; out[dst] += dinv[src]*dinv[dst] * h[src]; out += b
    N = x.shape[0]
    h = x @ W.T
    deg = jnp.zeros((N,), x.dtype).at[dst].add(jnp.ones((src.shape[0],), x.dtype))
    dinv = jax.lax.rsqrt(deg)  # deg >= 1 because of self loops
    norm = dinv[src] * dinv[dst]
    out = jnp.zeros((N, h.shape[1]), h.dtype).at[dst].add(h[src] * norm[:, None])
    return out + b


def setup_inputs(seed: int = 0):
    key = jax.random.key(seed)
    ks = jax.random.split(key, 6)
    x = jax.random.normal(ks[0], (N_NODES, D_IN), dtype=jnp.float32)
    edge_index = jax.random.randint(ks[1], (2, N_EDGES), 0, N_NODES, dtype=jnp.int32)
    W1 = jax.random.normal(ks[2], (D_HID, D_IN), dtype=jnp.float32) * (1.0 / np.sqrt(D_IN))
    b1 = jnp.zeros((D_HID,), dtype=jnp.float32)
    W2 = jax.random.normal(ks[3], (D_OUT, D_HID), dtype=jnp.float32) * (1.0 / np.sqrt(D_HID))
    b2 = jnp.zeros((D_OUT,), dtype=jnp.float32)
    return {"x": x, "edge_index": edge_index, "W1": W1, "b1": b1, "W2": W2, "b2": b2}


def reference(x, edge_index, W1, b1, W2, b2):
    N = x.shape[0]
    loop = jnp.arange(N, dtype=edge_index.dtype)
    src = jnp.concatenate([edge_index[0], loop])
    dst = jnp.concatenate([edge_index[1], loop])
    h = jax.nn.relu(gcn_conv(x, src, dst, W1, b1))
    out = gcn_conv(h, src, dst, W2, b2)
    return out

if __name__ == "__main__":
    import jax
    _d = setup_inputs()
    print(jax.jit(kernel)(*tuple(_d.values())))

</pallas_src>

<mosaic_0001>
#map = affine_map<(d0, d1) -> (0, 0)>
#map1 = affine_map<(d0, d1) -> (0, 0, 0, 0)>
#map2 = affine_map<(d0, d1) -> (0, 0, 0)>
module attributes {stable_mosaic.version = 14 : i64} {
  func.func @_agg_sc(%arg0: i32, %arg1: i32, %arg2: memref<10000x128xf32, #tpu.memory_space<hbm>>, %arg3: memref<32x2x80x128xi32, #tpu.memory_space<hbm>>, %arg4: memref<32x2x80x128xi32, #tpu.memory_space<hbm>>, %arg5: memref<32x16xi32, #tpu.memory_space<hbm>>, %arg6: memref<5120x128xf32, #tpu.memory_space<hbm>>, %arg7: memref<2x5120x128xf32, #tpu.memory_space<hbm>>, %arg8: memref<2x80x128xi32, #tpu.memory_space<vmem>>, %arg9: memref<2x80x128xi32, #tpu.memory_space<vmem>>, %arg10: memref<128x128xf32, #tpu.memory_space<vmem>>, %arg11: memref<16xi32, #tpu.memory_space<vmem>>, %arg12: memref<5120x128xf32, #tpu.memory_space<vmem_shared>>, %arg13: memref<2xi32, #tpu.memory_space<smem>>) attributes {dimension_semantics = [#tpu.dimension_semantics<core_parallel>, #tpu.dimension_semantics<subcore_parallel>], iteration_bounds = array<i64: 2, 16>, scalar_prefetch = 0 : i64, scratch_operands = 6 : i64, tpu.core_type = #tpu.core_type<sc_vector_subcore>, window_params = [{transform_indices = #map}, {transform_indices = #map1}, {transform_indices = #map1}, {transform_indices = #map}, {transform_indices = #map}, {transform_indices = #map2}]} {
    %mul3A = arith.constant 320 : i32
    %mul3A_0 = arith.muli %arg1, %mul3A : i32
    %mul3A_1 = arith.constant 320 : i32
    %mul3A_2 = arith.muli %arg1, %mul3A_1 : i32
    "tpu.region"() ({
      %run_scoped3A_119 = tpu.sem_alloc : memref<!tpu.dma_semaphore, #tpu.memory_space<semaphore_mem>>
      %dma_start3A = arith.constant 0 : i32
      %dma_start3A_120 = tpu.memref_slice %arg12[%mul3A_2, %dma_start3A] : memref<5120x128xf32, #tpu.memory_space<vmem_shared>> -> memref<320x128xf32, #tpu.memory_space<vmem_shared>>
      %dma_start3A_121 = arith.constant 0 : i32
      %dma_start3A_122 = tpu.memref_slice %arg6[%mul3A_0, %dma_start3A_121] : memref<5120x128xf32, #tpu.memory_space<hbm>> -> memref<320x128xf32, #tpu.memory_space<hbm>>
      tpu.enqueue_dma source(%dma_start3A_122 : memref<320x128xf32, #tpu.memory_space<hbm>>) target(%dma_start3A_120 : memref<320x128xf32, #tpu.memory_space<vmem_shared>>) target_semaphore(%run_scoped3A_119 : memref<!tpu.dma_semaphore, #tpu.memory_space<semaphore_mem>>)
      %dma_wait3A = arith.constant 0 : i32
      %dma_wait3A_123 = tpu.memref_slice %arg12[%mul3A_2, %dma_wait3A] : memref<5120x128xf32, #tpu.memory_space<vmem_shared>> -> memref<320x128xf32, #tpu.memory_space<vmem_shared>>
      %dma_wait3A_124 = arith.constant 0 : i32
      %dma_wait3A_125 = tpu.memref_slice %arg6[%mul3A_0, %dma_wait3A_124] : memref<5120x128xf32, #tpu.memory_space<hbm>> -> memref<320x128xf32, #tpu.memory_space<hbm>>
      tpu.wait_dma2 semaphore(%run_scoped3A_119 : memref<!tpu.dma_semaphore, #tpu.memory_space<semaphore_mem>>) src(%dma_wait3A_125 : memref<320x128xf32, #tpu.memory_space<hbm>>) dst(%dma_wait3A_123 : memref<320x128xf32, #tpu.memory_space<vmem_shared>>)
      tpu.yield
    }) : () -> ()
    %mul3A_3 = arith.constant 2 : i32
    %mul3A_4 = arith.muli %mul3A_3, %arg1 : i32
    %add3A = arith.constant 0 : i32
    %add3A_5 = arith.addi %mul3A_4, %add3A : i32
    %run_scoped3A = arith.constant 0 : i32
    "tpu.region"() ({
      %run_scoped3A_119 = tpu.sem_alloc : memref<!tpu.dma_semaphore, #tpu.memory_space<semaphore_mem>>
      %dma_start3A = arith.constant 0 : i32
      %dma_start3A_120 = arith.constant 0 : i32
      %dma_start3A_121 = tpu.memref_slice %arg8[%run_scoped3A, %dma_start3A, %dma_start3A_120] : memref<2x80x128xi32, #tpu.memory_space<vmem>> -> memref<1x80x128xi32, #tpu.memory_space<vmem>>
      %dma_start3A_122 = tpu.memref_squeeze %dma_start3A_121 : memref<1x80x128xi32, #tpu.memory_space<vmem>> -> memref<80x128xi32, #tpu.memory_space<vmem>>
      %dma_start3A_123 = arith.constant 0 : i32
      %dma_start3A_124 = arith.constant 0 : i32
      %dma_start3A_125 = arith.constant 0 : i32
      %dma_start3A_126 = tpu.memref_slice %arg3[%add3A_5, %dma_start3A_123, %dma_start3A_124, %dma_start3A_125] : memref<32x2x80x128xi32, #tpu.memory_space<hbm>> -> memref<1x2x80x128xi32, #tpu.memory_space<hbm>>
      %dma_start3A_127 = tpu.memref_squeeze %dma_start3A_126 : memref<1x2x80x128xi32, #tpu.memory_space<hbm>> -> memref<2x80x128xi32, #tpu.memory_space<hbm>>
      %dma_start3A_128 = arith.constant 0 : i32
      %dma_start3A_129 = arith.constant 0 : i32
      %dma_start3A_130 = tpu.memref_slice %dma_start3A_127[%arg0, %dma_start3A_128, %dma_start3A_129] : memref<2x80x128xi32, #tpu.memory_space<hbm>> -> memref<1x80x128xi32, #tpu.memory_space<hbm>>
      %dma_start3A_131 = tpu.memref_squeeze %dma_start3A_130 : memref<1x80x128xi32, #tpu.memory_space<hbm>> -> memref<80x128xi32, #tpu.memory_space<hbm>>
      %dma_start3A_132 = arith.constant 0 : i32
      %dma_start3A_133 = arith.constant 0 : i32
      %dma_start3A_134 = tpu.memref_slice %arg8[%run_scoped3A, %dma_start3A_132, %dma_start3A_133] : memref<2x80x128xi32, #tpu.memory_space<vmem>> -> memref<1x80x128xi32, #tpu.memory_space<vmem>>
      %dma_start3A_135 = tpu.memref_squeeze %dma_start3A_134 : memref<1x80x128xi32, #tpu.memory_space<vmem>> -> memref<80x128xi32, #tpu.memory_space<vmem>>
      %dma_start3A_136 = arith.constant 0 : i32
      %dma_start3A_137 = arith.constant 0 : i32
      %dma_start3A_138 = arith.constant 0 : i32
      %dma_start3A_139 = tpu.memref_slice %arg3[%add3A_5, %dma_start3A_136, %dma_start3A_137, %dma_start3A_138] : memref<32x2x80x128xi32, #tpu.memory_space<hbm>> -> memref<1x2x80x128xi32, #tpu.memory_space<hbm>>
      %dma_start3A_140 = tpu.memref_squeeze %dma_start3A_139 : memref<1x2x80x128xi32, #tpu.memory_space<hbm>> -> memref<2x80x128xi32, #tpu.memory_space<hbm>>
      %dma_start3A_141 = arith.constant 0 : i32
      %dma_start3A_142 = arith.constant 0 : i32
      %dma_start3A_143 = tpu.memref_slice %dma_start3A_140[%arg0, %dma_start3A_141, %dma_start3A_142] : memref<2x80x128xi32, #tpu.memory_space<hbm>> -> memref<1x80x128xi32, #tpu.memory_space<hbm>>
      %dma_start3A_144 = tpu.memref_squeeze %dma_start3A_143 : memref<1x80x128xi32, #tpu.memory_space<hbm>> -> memref<80x128xi32, #tpu.memory_space<hbm>>
      tpu.enqueue_dma source(%dma_start3A_144 : memref<80x128xi32, #tpu.memory_space<hbm>>) target(%dma_start3A_135 : memref<80x128xi32, #tpu.memory_space<vmem>>) target_semaphore(%run_scoped3A_119 : memref<!tpu.dma_semaphore, #tpu.memory_space<semaphore_mem>>)
      %dma_wait3A = arith.constant 0 : i32
      %dma_wait3A_145 = arith.constant 0 : i32
      %dma_wait3A_146 = tpu.memref_slice %arg8[%run_scoped3A, %dma_wait3A, %dma_wait3A_145] : memref<2x80x128xi32, #tpu.memory_space<vmem>> -> memref<1x80x128xi32, #tpu.memory_space<vmem>>
      %dma_wait3A_147 = tpu.memref_squeeze %dma_wait3A_146 : memref<1x80x128xi32, #tpu.memory_space<vmem>> -> memref<80x128xi32, #tpu.memory_space<vmem>>
      %dma_wait3A_148 = arith.constant 0 : i32
      %dma_wait3A_149 = arith.constant 0 : i32
      %dma_wait3A_150 = arith.constant 0 : i32
      %dma_wait3A_151 = tpu.memref_slice %arg3[%add3A_5, %dma_wait3A_148, %dma_wait3A_149, %dma_wait3A_150] : memref<32x2x80x128xi32, #tpu.memory_space<hbm>> -> memref<1x2x80x128xi32, #tpu.memory_space<hbm>>
      %dma_wait3A_152 = tpu.memref_squeeze %dma_wait3A_151 : memref<1x2x80x128xi32, #tpu.memory_space<hbm>> -> memref<2x80x128xi32, #tpu.memory_space<hbm>>
      %dma_wait3A_153 = arith.constant 0 : i32
      %dma_wait3A_154 = arith.constant 0 : i32
      %dma_wait3A_155 = tpu.memref_slice %dma_wait3A_152[%arg0, %dma_wait3A_153, %dma_wait3A_154] : memref<2x80x128xi32, #tpu.memory_space<hbm>> -> memref<1x80x128xi32, #tpu.memory_space<hbm>>
      %dma_wait3A_156 = tpu.memref_squeeze %dma_wait3A_155 : memref<1x80x128xi32, #tpu.memory_space<hbm>> -> memref<80x128xi32, #tpu.memory_space<hbm>>
      %dma_wait3A_157 = arith.constant 0 : i32
      %dma_wait3A_158 = arith.constant 0 : i32
      %dma_wait3A_159 = tpu.memref_slice %arg8[%run_scoped3A, %dma_wait3A_157, %dma_wait3A_158] : memref<2x80x128xi32, #tpu.memory_space<vmem>> -> memref<1x80x128xi32, #tpu.memory_space<vmem>>
      %dma_wait3A_160 = tpu.memref_squeeze %dma_wait3A_159 : memref<1x80x128xi32, #tpu.memory_space<vmem>> -> memref<80x128xi32, #tpu.memory_space<vmem>>
      %dma_wait3A_161 = arith.constant 0 : i32
      %dma_wait3A_162 = arith.constant 0 : i32
      %dma_wait3A_163 = arith.constant 0 : i32
      %dma_wait3A_164 = tpu.memref_slice %arg3[%add3A_5, %dma_wait3A_161, %dma_wait3A_162, %dma_wait3A_163] : memref<32x2x80x128xi32, #tpu.memory_space<hbm>> -> memref<1x2x80x128xi32, #tpu.memory_space<hbm>>
      %dma_wait3A_165 = tpu.memref_squeeze %dma_wait3A_164 : memref<1x2x80x128xi32, #tpu.memory_space<hbm>> -> memref<2x80x128xi32, #tpu.memory_space<hbm>>
      %dma_wait3A_166 = arith.constant 0 : i32
      %dma_wait3A_167 = arith.constant 0 : i32
      %dma_wait3A_168 = tpu.memref_slice %dma_wait3A_165[%arg0, %dma_wait3A_166, %dma_wait3A_167] : memref<2x80x128xi32, #tpu.memory_space<hbm>> -> memref<1x80x128xi32, #tpu.memory_space<hbm>>
      %dma_wait3A_169 = tpu.memref_squeeze %dma_wait3A_168 : memref<1x80x128xi32, #tpu.memory_space<hbm>> -> memref<80x128xi32, #tpu.memory_space<hbm>>
      tpu.wait_dma2 semaphore(%run_scoped3A_119 : memref<!tpu.dma_semaphore, #tpu.memory_space<semaphore_mem>>) src(%dma_wait3A_169 : memref<80x128xi32, #tpu.memory_space<hbm>>) dst(%dma_wait3A_160 : memref<80x128xi32, #tpu.memory_space<vmem>>)
      tpu.yield
    }) : () -> ()
    %run_scoped3A_6 = arith.constant 0 : i32
    "tpu.region"() ({
      %run_scoped3A_119 = tpu.sem_alloc : memref<!tpu.dma_semaphore, #tpu.memory_space<semaphore_mem>>
      %dma_start3A = arith.constant 0 : i32
      %dma_start3A_120 = arith.constant 0 : i32
      %dma_start3A_121 = tpu.memref_slice %arg9[%run_scoped3A_6, %dma_start3A, %dma_start3A_120] : memref<2x80x128xi32, #tpu.memory_space<vmem>> -> memref<1x80x128xi32, #tpu.memory_space<vmem>>
      %dma_start3A_122 = tpu.memref_squeeze %dma_start3A_121 : memref<1x80x128xi32, #tpu.memory_space<vmem>> -> memref<80x128xi32, #tpu.memory_space<vmem>>
      %dma_start3A_123 = arith.constant 0 : i32
      %dma_start3A_124 = arith.constant 0 : i32
      %dma_start3A_125 = arith.constant 0 : i32
      %dma_start3A_126 = tpu.memref_slice %arg4[%add3A_5, %dma_start3A_123, %dma_start3A_124, %dma_start3A_125] : memref<32x2x80x128xi32, #tpu.memory_space<hbm>> -> memref<1x2x80x128xi32, #tpu.memory_space<hbm>>
      %dma_start3A_127 = tpu.memref_squeeze %dma_start3A_126 : memref<1x2x80x128xi32, #tpu.memory_space<hbm>> -> memref<2x80x128xi32, #tpu.memory_space<hbm>>
      %dma_start3A_128 = arith.constant 0 : i32
      %dma_start3A_129 = arith.constant 0 : i32
      %dma_start3A_130 = tpu.memref_slice %dma_start3A_127[%arg0, %dma_start3A_128, %dma_start3A_129] : memref<2x80x128xi32, #tpu.memory_space<hbm>> -> memref<1x80x128xi32, #tpu.memory_space<hbm>>
      %dma_start3A_131 = tpu.memref_squeeze %dma_start3A_130 : memref<1x80x128xi32, #tpu.memory_space<hbm>> -> memref<80x128xi32, #tpu.memory_space<hbm>>
      %dma_start3A_132 = arith.constant 0 : i32
      %dma_start3A_133 = arith.constant 0 : i32
      %dma_start3A_134 = tpu.memref_slice %arg9[%run_scoped3A_6, %dma_start3A_132, %dma_start3A_133] : memref<2x80x128xi32, #tpu.memory_space<vmem>> -> memref<1x80x128xi32, #tpu.memory_space<vmem>>
      %dma_start3A_135 = tpu.memref_squeeze %dma_start3A_134 : memref<1x80x128xi32, #tpu.memory_space<vmem>> -> memref<80x128xi32, #tpu.memory_space<vmem>>
      %dma_start3A_136 = arith.constant 0 : i32
      %dma_start3A_137 = arith.constant 0 : i32
      %dma_start3A_138 = arith.constant 0 : i32
      %dma_start3A_139 = tpu.memref_slice %arg4[%add3A_5, %dma_start3A_136, %dma_start3A_137, %dma_start3A_138] : memref<32x2x80x128xi32, #tpu.memory_space<hbm>> -> memref<1x2x80x128xi32, #tpu.memory_space<hbm>>
      %dma_start3A_140 = tpu.memref_squeeze %dma_start3A_139 : memref<1x2x80x128xi32, #tpu.memory_space<hbm>> -> memref<2x80x128xi32, #tpu.memory_space<hbm>>
      %dma_start3A_141 = arith.constant 0 : i32
      %dma_start3A_142 = arith.constant 0 : i32
      %dma_start3A_143 = tpu.memref_slice %dma_start3A_140[%arg0, %dma_start3A_141, %dma_start3A_142] : memref<2x80x128xi32, #tpu.memory_space<hbm>> -> memref<1x80x128xi32, #tpu.memory_space<hbm>>
      %dma_start3A_144 = tpu.memref_squeeze %dma_start3A_143 : memref<1x80x128xi32, #tpu.memory_space<hbm>> -> memref<80x128xi32, #tpu.memory_space<hbm>>
      tpu.enqueue_dma source(%dma_start3A_144 : memref<80x128xi32, #tpu.memory_space<hbm>>) target(%dma_start3A_135 : memref<80x128xi32, #tpu.memory_space<vmem>>) target_semaphore(%run_scoped3A_119 : memref<!tpu.dma_semaphore, #tpu.memory_space<semaphore_mem>>)
      %dma_wait3A = arith.constant 0 : i32
      %dma_wait3A_145 = arith.constant 0 : i32
      %dma_wait3A_146 = tpu.memref_slice %arg9[%run_scoped3A_6, %dma_wait3A, %dma_wait3A_145] : memref<2x80x128xi32, #tpu.memory_space<vmem>> -> memref<1x80x128xi32, #tpu.memory_space<vmem>>
      %dma_wait3A_147 = tpu.memref_squeeze %dma_wait3A_146 : memref<1x80x128xi32, #tpu.memory_space<vmem>> -> memref<80x128xi32, #tpu.memory_space<vmem>>
      %dma_wait3A_148 = arith.constant 0 : i32
      %dma_wait3A_149 = arith.constant 0 : i32
      %dma_wait3A_150 = arith.constant 0 : i32
      %dma_wait3A_151 = tpu.memref_slice %arg4[%add3A_5, %dma_wait3A_148, %dma_wait3A_149, %dma_wait3A_150] : memref<32x2x80x128xi32, #tpu.memory_space<hbm>> -> memref<1x2x80x128xi32, #tpu.memory_space<hbm>>
      %dma_wait3A_152 = tpu.memref_squeeze %dma_wait3A_151 : memref<1x2x80x128xi32, #tpu.memory_space<hbm>> -> memref<2x80x128xi32, #tpu.memory_space<hbm>>
      %dma_wait3A_153 = arith.constant 0 : i32
      %dma_wait3A_154 = arith.constant 0 : i32
      %dma_wait3A_155 = tpu.memref_slice %dma_wait3A_152[%arg0, %dma_wait3A_153, %dma_wait3A_154] : memref<2x80x128xi32, #tpu.memory_space<hbm>> -> memref<1x80x128xi32, #tpu.memory_space<hbm>>
      %dma_wait3A_156 = tpu.memref_squeeze %dma_wait3A_155 : memref<1x80x128xi32, #tpu.memory_space<hbm>> -> memref<80x128xi32, #tpu.memory_space<hbm>>
      %dma_wait3A_157 = arith.constant 0 : i32
      %dma_wait3A_158 = arith.constant 0 : i32
      %dma_wait3A_159 = tpu.memref_slice %arg9[%run_scoped3A_6, %dma_wait3A_157, %dma_wait3A_158] : memref<2x80x128xi32, #tpu.memory_space<vmem>> -> memref<1x80x128xi32, #tpu.memory_space<vmem>>
      %dma_wait3A_160 = tpu.memref_squeeze %dma_wait3A_159 : memref<1x80x128xi32, #tpu.memory_space<vmem>> -> memref<80x128xi32, #tpu.memory_space<vmem>>
      %dma_wait3A_161 = arith.constant 0 : i32
      %dma_wait3A_162 = arith.constant 0 : i32
      %dma_wait3A_163 = arith.constant 0 : i32
      %dma_wait3A_164 = tpu.memref_slice %arg4[%add3A_5, %dma_wait3A_161, %dma_wait3A_162, %dma_wait3A_163] : memref<32x2x80x128xi32, #tpu.memory_space<hbm>> -> memref<1x2x80x128xi32, #tpu.memory_space<hbm>>
      %dma_wait3A_165 = tpu.memref_squeeze %dma_wait3A_164 : memref<1x2x80x128xi32, #tpu.memory_space<hbm>> -> memref<2x80x128xi32, #tpu.memory_space<hbm>>
      %dma_wait3A_166 = arith.constant 0 : i32
      %dma_wait3A_167 = arith.constant 0 : i32
      %dma_wait3A_168 = tpu.memref_slice %dma_wait3A_165[%arg0, %dma_wait3A_166, %dma_wait3A_167] : memref<2x80x128xi32, #tpu.memory_space<hbm>> -> memref<1x80x128xi32, #tpu.memory_space<hbm>>
      %dma_wait3A_169 = tpu.memref_squeeze %dma_wait3A_168 : memref<1x80x128xi32, #tpu.memory_space<hbm>> -> memref<80x128xi32, #tpu.memory_space<hbm>>
      tpu.wait_dma2 semaphore(%run_scoped3A_119 : memref<!tpu.dma_semaphore, #tpu.memory_space<semaphore_mem>>) src(%dma_wait3A_169 : memref<80x128xi32, #tpu.memory_space<hbm>>) dst(%dma_wait3A_160 : memref<80x128xi32, #tpu.memory_space<vmem>>)
      tpu.yield
    }) : () -> ()
    "tpu.region"() ({
      %run_scoped3A_119 = tpu.sem_alloc : memref<!tpu.dma_semaphore, #tpu.memory_space<semaphore_mem>>
      %dma_start3A = arith.constant 0 : i32
      %dma_start3A_120 = tpu.memref_slice %arg5[%add3A_5, %dma_start3A] : memref<32x16xi32, #tpu.memory_space<hbm>> -> memref<1x16xi32, #tpu.memory_space<hbm>>
      %dma_start3A_121 = tpu.memref_squeeze %dma_start3A_120 : memref<1x16xi32, #tpu.memory_space<hbm>> -> memref<16xi32, #tpu.memory_space<hbm>>
      %dma_start3A_122 = arith.constant 0 : i32
      %dma_start3A_123 = tpu.memref_slice %arg5[%add3A_5, %dma_start3A_122] : memref<32x16xi32, #tpu.memory_space<hbm>> -> memref<1x16xi32, #tpu.memory_space<hbm>>
      %dma_start3A_124 = tpu.memref_squeeze %dma_start3A_123 : memref<1x16xi32, #tpu.memory_space<hbm>> -> memref<16xi32, #tpu.memory_space<hbm>>
      tpu.enqueue_dma source(%dma_start3A_124 : memref<16xi32, #tpu.memory_space<hbm>>) target(%arg11 : memref<16xi32, #tpu.memory_space<vmem>>) target_semaphore(%run_scoped3A_119 : memref<!tpu.dma_semaphore, #tpu.memory_space<semaphore_mem>>)
      %dma_wait3A = arith.constant 0 : i32
      %dma_wait3A_125 = tpu.memref_slice %arg5[%add3A_5, %dma_wait3A] : memref<32x16xi32, #tpu.memory_space<hbm>> -> memref<1x16xi32, #tpu.memory_space<hbm>>
      %dma_wait3A_126 = tpu.memref_squeeze %dma_wait3A_125 : memref<1x16xi32, #tpu.memory_space<hbm>> -> memref<16xi32, #tpu.memory_space<hbm>>
      %dma_wait3A_127 = arith.constant 0 : i32
      %dma_wait3A_128 = tpu.memref_slice %arg5[%add3A_5, %dma_wait3A_127] : memref<32x16xi32, #tpu.memory_space<hbm>> -> memref<1x16xi32, #tpu.memory_space<hbm>>
      %dma_wait3A_129 = tpu.memref_squeeze %dma_wait3A_128 : memref<1x16xi32, #tpu.memory_space<hbm>> -> memref<16xi32, #tpu.memory_space<hbm>>
      tpu.wait_dma2 semaphore(%run_scoped3A_119 : memref<!tpu.dma_semaphore, #tpu.memory_space<semaphore_mem>>) src(%dma_wait3A_129 : memref<16xi32, #tpu.memory_space<hbm>>) dst(%arg11 : memref<16xi32, #tpu.memory_space<vmem>>)
      tpu.yield
    }) : () -> ()
    %iota3A = tpu.iota {dimensions = array<i32: 0>} : vector<16xi32>
    %eq3A = arith.constant 0 : i32
    %eq3A_7 = vector.broadcast %eq3A : i32 to vector<16xi32>
    %eq3A_8 = arith.cmpi eq, %iota3A, %eq3A_7 : vector<16xi32>
    %get3A = arith.constant 0 : index
    %get3A_9 = tpu.vector_load %arg11[%get3A] {strides = array<i32>} : memref<16xi32, #tpu.memory_space<vmem>>, vector<16xi32>,
    %jit3A = arith.constant 0 : i32
    %broadcast_in_dim3A = vector.broadcast %jit3A : i32 to vector<16xi32>
    %select_n3A = arith.select %eq3A_8, %get3A_9, %broadcast_in_dim3A : vector<16xi1>, vector<16xi32>
    %reduce_sum3A = arith.constant true
    %reduce_sum3A_10 = vector.broadcast %reduce_sum3A : i1 to vector<16xi1>
    %reduce_sum3A_11 = tpu.scan <sum>, %select_n3A masked %reduce_sum3A_10 : vector<16xi32>, vector<16xi1> -> vector<16xi32>
    %reduce_sum3A_12 = vector.extract %reduce_sum3A_11[15] : i32 from vector<16xi32>
    %iota3A_13 = tpu.iota {dimensions = array<i32: 0>} : vector<16xi32>
    %eq3A_14 = arith.constant 1 : i32
    %eq3A_15 = vector.broadcast %eq3A_14 : i32 to vector<16xi32>
    %eq3A_16 = arith.cmpi eq, %iota3A_13, %eq3A_15 : vector<16xi32>
    %get3A_17 = arith.constant 0 : index
    %get3A_18 = tpu.vector_load %arg11[%get3A_17] {strides = array<i32>} : memref<16xi32, #tpu.memory_space<vmem>>, vector<16xi32>,
    %jit3A_19 = arith.constant 0 : i32
    %broadcast_in_dim3A_20 = vector.broadcast %jit3A_19 : i32 to vector<16xi32>
    %select_n3A_21 = arith.select %eq3A_16, %get3A_18, %broadcast_in_dim3A_20 : vector<16xi1>, vector<16xi32>
    %reduce_sum3A_22 = arith.constant true
    %reduce_sum3A_23 = vector.broadcast %reduce_sum3A_22 : i1 to vector<16xi1>
    %reduce_sum3A_24 = tpu.scan <sum>, %select_n3A_21 masked %reduce_sum3A_23 : vector<16xi32>, vector<16xi1> -> vector<16xi32>
    %reduce_sum3A_25 = vector.extract %reduce_sum3A_24[15] : i32 from vector<16xi32>
    %sub3A = arith.constant 1 : i32
    %sub3A_26 = arith.subi %sub3A, %arg0 : i32
    %mul3A_27 = arith.muli %reduce_sum3A_12, %sub3A_26 : i32
    %mul3A_28 = arith.muli %reduce_sum3A_25, %arg0 : i32
    %add3A_29 = arith.addi %mul3A_27, %mul3A_28 : i32
    %swap3A = arith.constant 0 : i32
    %swap3A_30 = arith.index_cast %swap3A : i32 to index
    %swap3A_31 = memref.load %arg13[%swap3A_30] : memref<2xi32, #tpu.memory_space<smem>>
    memref.store %add3A_29, %arg13[%swap3A_30] : memref<2xi32, #tpu.memory_space<smem>>
    %mul3A_32 = arith.constant 2 : i32
    %mul3A_33 = arith.muli %mul3A_32, %arg1 : i32
    %add3A_34 = arith.constant 1 : i32
    %add3A_35 = arith.addi %mul3A_33, %add3A_34 : i32
    %run_scoped3A_36 = arith.constant 1 : i32
    "tpu.region"() ({
      %run_scoped3A_119 = tpu.sem_alloc : memref<!tpu.dma_semaphore, #tpu.memory_space<semaphore_mem>>
      %dma_start3A = arith.constant 0 : i32
      %dma_start3A_120 = arith.constant 0 : i32
      %dma_start3A_121 = tpu.memref_slice %arg8[%run_scoped3A_36, %dma_start3A, %dma_start3A_120] : memref<2x80x128xi32, #tpu.memory_space<vmem>> -> memref<1x80x128xi32, #tpu.memory_space<vmem>>
      %dma_start3A_122 = tpu.memref_squeeze %dma_start3A_121 : memref<1x80x128xi32, #tpu.memory_space<vmem>> -> memref<80x128xi32, #tpu.memory_space<vmem>>
      %dma_start3A_123 = arith.constant 0 : i32
      %dma_start3A_124 = arith.constant 0 : i32
      %dma_start3A_125 = arith.constant 0 : i32
      %dma_start3A_126 = tpu.memref_slice %arg3[%add3A_35, %dma_start3A_123, %dma_start3A_124, %dma_start3A_125] : memref<32x2x80x128xi32, #tpu.memory_space<hbm>> -> memref<1x2x80x128xi32, #tpu.memory_space<hbm>>
      %dma_start3A_127 = tpu.memref_squeeze %dma_start3A_126 : memref<1x2x80x128xi32, #tpu.memory_space<hbm>> -> memref<2x80x128xi32, #tpu.memory_space<hbm>>
      %dma_start3A_128 = arith.constant 0 : i32
      %dma_start3A_129 = arith.constant 0 : i32
      %dma_start3A_130 = tpu.memref_slice %dma_start3A_127[%arg0, %dma_start3A_128, %dma_start3A_129] : memref<2x80x128xi32, #tpu.memory_space<hbm>> -> memref<1x80x128xi32, #tpu.memory_space<hbm>>
      %dma_start3A_131 = tpu.memref_squeeze %dma_start3A_130 : memref<1x80x128xi32, #tpu.memory_space<hbm>> -> memref<80x128xi32, #tpu.memory_space<hbm>>
      %dma_start3A_132 = arith.constant 0 : i32
      %dma_start3A_133 = arith.constant 0 : i32
      %dma_start3A_134 = tpu.memref_slice %arg8[%run_scoped3A_36, %dma_start3A_132, %dma_start3A_133] : memref<2x80x128xi32, #tpu.memory_space<vmem>> -> memref<1x80x128xi32, #tpu.memory_space<vmem>>
      %dma_start3A_135 = tpu.memref_squeeze %dma_start3A_134 : memref<1x80x128xi32, #tpu.memory_space<vmem>> -> memref<80x128xi32, #tpu.memory_space<vmem>>
      %dma_start3A_136 = arith.constant 0 : i32
      %dma_start3A_137 = arith.constant 0 : i32
      %dma_start3A_138 = arith.constant 0 : i32
      %dma_start3A_139 = tpu.memref_slice %arg3[%add3A_35, %dma_start3A_136, %dma_start3A_137, %dma_start3A_138] : memref<32x2x80x128xi32, #tpu.memory_space<hbm>> -> memref<1x2x80x128xi32, #tpu.memory_space<hbm>>
      %dma_start3A_140 = tpu.memref_squeeze %dma_start3A_139 : memref<1x2x80x128xi32, #tpu.memory_space<hbm>> -> memref<2x80x128xi32, #tpu.memory_space<hbm>>
      %dma_start3A_141 = arith.constant 0 : i32
      %dma_start3A_142 = arith.constant 0 : i32
      %dma_start3A_143 = tpu.memref_slice %dma_start3A_140[%arg0, %dma_start3A_141, %dma_start3A_142] : memref<2x80x128xi32, #tpu.memory_space<hbm>> -> memref<1x80x128xi32, #tpu.memory_space<hbm>>
      %dma_start3A_144 = tpu.memref_squeeze %dma_start3A_143 : memref<1x80x128xi32, #tpu.memory_space<hbm>> -> memref<80x128xi32, #tpu.memory_space<hbm>>
      tpu.enqueue_dma source(%dma_start3A_144 : memref<80x128xi32, #tpu.memory_space<hbm>>) target(%dma_start3A_135 : memref<80x128xi32, #tpu.memory_space<vmem>>) target_semaphore(%run_scoped3A_119 : memref<!tpu.dma_semaphore, #tpu.memory_space<semaphore_mem>>)
      %dma_wait3A = arith.constant 0 : i32
      %dma_wait3A_145 = arith.constant 0 : i32
      %dma_wait3A_146 = tpu.memref_slice %arg8[%run_scoped3A_36, %dma_wait3A, %dma_wait3A_145] : memref<2x80x128xi32, #tpu.memory_space<vmem>> -> memref<1x80x128xi32, #tpu.memory_space<vmem>>
      %dma_wait3A_147 = tpu.memref_squeeze %dma_wait3A_146 : memref<1x80x128xi32, #tpu.memory_space<vmem>> -> memref<80x128xi32, #tpu.memory_space<vmem>>
      %dma_wait3A_148 = arith.constant 0 : i32
      %dma_wait3A_149 = arith.constant 0 : i32
      %dma_wait3A_150 = arith.constant 0 : i32
      %dma_wait3A_151 = tpu.memref_slice %arg3[%add3A_35, %dma_wait3A_148, %dma_wait3A_149, %dma_wait3A_150] : memref<32x2x80x128xi32, #tpu.memory_space<hbm>> -> memref<1x2x80x128xi32, #tpu.memory_space<hbm>>
      %dma_wait3A_152 = tpu.memref_squeeze %dma_wait3A_151 : memref<1x2x80x128xi32, #tpu.memory_space<hbm>> -> memref<2x80x128xi32, #tpu.memory_space<hbm>>
      %dma_wait3A_153 = arith.constant 0 : i32
      %dma_wait3A_154 = arith.constant 0 : i32
      %dma_wait3A_155 = tpu.memref_slice %dma_wait3A_152[%arg0, %dma_wait3A_153, %dma_wait3A_154] : memref<2x80x128xi32, #tpu.memory_space<hbm>> -> memref<1x80x128xi32, #tpu.memory_space<hbm>>
      %dma_wait3A_156 = tpu.memref_squeeze %dma_wait3A_155 : memref<1x80x128xi32, #tpu.memory_space<hbm>> -> memref<80x128xi32, #tpu.memory_space<hbm>>
      %dma_wait3A_157 = arith.constant 0 : i32
      %dma_wait3A_158 = arith.constant 0 : i32
      %dma_wait3A_159 = tpu.memref_slice %arg8[%run_scoped3A_36, %dma_wait3A_157, %dma_wait3A_158] : memref<2x80x128xi32, #tpu.memory_space<vmem>> -> memref<1x80x128xi32, #tpu.memory_space<vmem>>
      %dma_wait3A_160 = tpu.memref_squeeze %dma_wait3A_159 : memref<1x80x128xi32, #tpu.memory_space<vmem>> -> memref<80x128xi32, #tpu.memory_space<vmem>>
      %dma_wait3A_161 = arith.constant 0 : i32
      %dma_wait3A_162 = arith.constant 0 : i32
      %dma_wait3A_163 = arith.constant 0 : i32
      %dma_wait3A_164 = tpu.memref_slice %arg3[%add3A_35, %dma_wait3A_161, %dma_wait3A_162, %dma_wait3A_163] : memref<32x2x80x128xi32, #tpu.memory_space<hbm>> -> memref<1x2x80x128xi32, #tpu.memory_space<hbm>>
      %dma_wait3A_165 = tpu.memref_squeeze %dma_wait3A_164 : memref<1x2x80x128xi32, #tpu.memory_space<hbm>> -> memref<2x80x128xi32, #tpu.memory_space<hbm>>
      %dma_wait3A_166 = arith.constant 0 : i32
      %dma_wait3A_167 = arith.constant 0 : i32
      %dma_wait3A_168 = tpu.memref_slice %dma_wait3A_165[%arg0, %dma_wait3A_166, %dma_wait3A_167] : memref<2x80x128xi32, #tpu.memory_space<hbm>> -> memref<1x80x128xi32, #tpu.memory_space<hbm>>
      %dma_wait3A_169 = tpu.memref_squeeze %dma_wait3A_168 : memref<1x80x128xi32, #tpu.memory_space<hbm>> -> memref<80x128xi32, #tpu.memory_space<hbm>>
      tpu.wait_dma2 semaphore(%run_scoped3A_119 : memref<!tpu.dma_semaphore, #tpu.memory_space<semaphore_mem>>) src(%dma_wait3A_169 : memref<80x128xi32, #tpu.memory_space<hbm>>) dst(%dma_wait3A_160 : memref<80x128xi32, #tpu.memory_space<vmem>>)
      tpu.yield
    }) : () -> ()
    %run_scoped3A_37 = arith.constant 1 : i32
    "tpu.region"() ({
      %run_scoped3A_119 = tpu.sem_alloc : memref<!tpu.dma_semaphore, #tpu.memory_space<semaphore_mem>>
      %dma_start3A = arith.constant 0 : i32
      %dma_start3A_120 = arith.constant 0 : i32
      %dma_start3A_121 = tpu.memref_slice %arg9[%run_scoped3A_37, %dma_start3A, %dma_start3A_120] : memref<2x80x128xi32, #tpu.memory_space<vmem>> -> memref<1x80x128xi32, #tpu.memory_space<vmem>>
      %dma_start3A_122 = tpu.memref_squeeze %dma_start3A_121 : memref<1x80x128xi32, #tpu.memory_space<vmem>> -> memref<80x128xi32, #tpu.memory_space<vmem>>
      %dma_start3A_123 = arith.constant 0 : i32
      %dma_start3A_124 = arith.constant 0 : i32
      %dma_start3A_125 = arith.constant 0 : i32
      %dma_start3A_126 = tpu.memref_slice %arg4[%add3A_35, %dma_start3A_123, %dma_start3A_124, %dma_start3A_125] : memref<32x2x80x128xi32, #tpu.memory_space<hbm>> -> memref<1x2x80x128xi32, #tpu.memory_space<hbm>>
      %dma_start3A_127 = tpu.memref_squeeze %dma_start3A_126 : memref<1x2x80x128xi32, #tpu.memory_space<hbm>> -> memref<2x80x128xi32, #tpu.memory_space<hbm>>
      %dma_start3A_128 = arith.constant 0 : i32
      %dma_start3A_129 = arith.constant 0 : i32
      %dma_start3A_130 = tpu.memref_slice %dma_start3A_127[%arg0, %dma_start3A_128, %dma_start3A_129] : memref<2x80x128xi32, #tpu.memory_space<hbm>> -> memref<1x80x128xi32, #tpu.memory_space<hbm>>
      %dma_start3A_131 = tpu.memref_squeeze %dma_start3A_130 : memref<1x80x128xi32, #tpu.memory_space<hbm>> -> memref<80x128xi32, #tpu.memory_space<hbm>>
      %dma_start3A_132 = arith.constant 0 : i32
      %dma_start3A_133 = arith.constant 0 : i32
      %dma_start3A_134 = tpu.memref_slice %arg9[%run_scoped3A_37, %dma_start3A_132, %dma_start3A_133] : memref<2x80x128xi32, #tpu.memory_space<vmem>> -> memref<1x80x128xi32, #tpu.memory_space<vmem>>
      %dma_start3A_135 = tpu.memref_squeeze %dma_start3A_134 : memref<1x80x128xi32, #tpu.memory_space<vmem>> -> memref<80x128xi32, #tpu.memory_space<vmem>>
      %dma_start3A_136 = arith.constant 0 : i32
      %dma_start3A_137 = arith.constant 0 : i32
      %dma_start3A_138 = arith.constant 0 : i32
      %dma_start3A_139 = tpu.memref_slice %arg4[%add3A_35, %dma_start3A_136, %dma_start3A_137, %dma_start3A_138] : memref<32x2x80x128xi32, #tpu.memory_space<hbm>> -> memref<1x2x80x128xi32, #tpu.memory_space<hbm>>
      %dma_start3A_140 = tpu.memref_squeeze %dma_start3A_139 : memref<1x2x80x128xi32, #tpu.memory_space<hbm>> -> memref<2x80x128xi32, #tpu.memory_space<hbm>>
      %dma_start3A_141 = arith.constant 0 : i32
      %dma_start3A_142 = arith.constant 0 : i32
      %dma_start3A_143 = tpu.memref_slice %dma_start3A_140[%arg0, %dma_start3A_141, %dma_start3A_142] : memref<2x80x128xi32, #tpu.memory_space<hbm>> -> memref<1x80x128xi32, #tpu.memory_space<hbm>>
      %dma_start3A_144 = tpu.memref_squeeze %dma_start3A_143 : memref<1x80x128xi32, #tpu.memory_space<hbm>> -> memref<80x128xi32, #tpu.memory_space<hbm>>
      tpu.enqueue_dma source(%dma_start3A_144 : memref<80x128xi32, #tpu.memory_space<hbm>>) target(%dma_start3A_135 : memref<80x128xi32, #tpu.memory_space<vmem>>) target_semaphore(%run_scoped3A_119 : memref<!tpu.dma_semaphore, #tpu.memory_space<semaphore_mem>>)
      %dma_wait3A = arith.constant 0 : i32
      %dma_wait3A_145 = arith.constant 0 : i32
      %dma_wait3A_146 = tpu.memref_slice %arg9[%run_scoped3A_37, %dma_wait3A, %dma_wait3A_145] : memref<2x80x128xi32, #tpu.memory_space<vmem>> -> memref<1x80x128xi32, #tpu.memory_space<vmem>>
      %dma_wait3A_147 = tpu.memref_squeeze %dma_wait3A_146 : memref<1x80x128xi32, #tpu.memory_space<vmem>> -> memref<80x128xi32, #tpu.memory_space<vmem>>
      %dma_wait3A_148 = arith.constant 0 : i32
      %dma_wait3A_149 = arith.constant 0 : i32
      %dma_wait3A_150 = arith.constant 0 : i32
      %dma_wait3A_151 = tpu.memref_slice %arg4[%add3A_35, %dma_wait3A_148, %dma_wait3A_149, %dma_wait3A_150] : memref<32x2x80x128xi32, #tpu.memory_space<hbm>> -> memref<1x2x80x128xi32, #tpu.memory_space<hbm>>
      %dma_wait3A_152 = tpu.memref_squeeze %dma_wait3A_151 : memref<1x2x80x128xi32, #tpu.memory_space<hbm>> -> memref<2x80x128xi32, #tpu.memory_space<hbm>>
      %dma_wait3A_153 = arith.constant 0 : i32
      %dma_wait3A_154 = arith.constant 0 : i32
      %dma_wait3A_155 = tpu.memref_slice %dma_wait3A_152[%arg0, %dma_wait3A_153, %dma_wait3A_154] : memref<2x80x128xi32, #tpu.memory_space<hbm>> -> memref<1x80x128xi32, #tpu.memory_space<hbm>>
      %dma_wait3A_156 = tpu.memref_squeeze %dma_wait3A_155 : memref<1x80x128xi32, #tpu.memory_space<hbm>> -> memref<80x128xi32, #tpu.memory_space<hbm>>
      %dma_wait3A_157 = arith.constant 0 : i32
      %dma_wait3A_158 = arith.constant 0 : i32
      %dma_wait3A_159 = tpu.memref_slice %arg9[%run_scoped3A_37, %dma_wait3A_157, %dma_wait3A_158] : memref<2x80x128xi32, #tpu.memory_space<vmem>> -> memref<1x80x128xi32, #tpu.memory_space<vmem>>
      %dma_wait3A_160 = tpu.memref_squeeze %dma_wait3A_159 : memref<1x80x128xi32, #tpu.memory_space<vmem>> -> memref<80x128xi32, #tpu.memory_space<vmem>>
      %dma_wait3A_161 = arith.constant 0 : i32
      %dma_wait3A_162 = arith.constant 0 : i32
      %dma_wait3A_163 = arith.constant 0 : i32
      %dma_wait3A_164 = tpu.memref_slice %arg4[%add3A_35, %dma_wait3A_161, %dma_wait3A_162, %dma_wait3A_163] : memref<32x2x80x128xi32, #tpu.memory_space<hbm>> -> memref<1x2x80x128xi32, #tpu.memory_space<hbm>>
      %dma_wait3A_165 = tpu.memref_squeeze %dma_wait3A_164 : memref<1x2x80x128xi32, #tpu.memory_space<hbm>> -> memref<2x80x128xi32, #tpu.memory_space<hbm>>
      %dma_wait3A_166 = arith.constant 0 : i32
      %dma_wait3A_167 = arith.constant 0 : i32
      %dma_wait3A_168 = tpu.memref_slice %dma_wait3A_165[%arg0, %dma_wait3A_166, %dma_wait3A_167] : memref<2x80x128xi32, #tpu.memory_space<hbm>> -> memref<1x80x128xi32, #tpu.memory_space<hbm>>
      %dma_wait3A_169 = tpu.memref_squeeze %dma_wait3A_168 : memref<1x80x128xi32, #tpu.memory_space<hbm>> -> memref<80x128xi32, #tpu.memory_space<hbm>>
      tpu.wait_dma2 semaphore(%run_scoped3A_119 : memref<!tpu.dma_semaphore, #tpu.memory_space<semaphore_mem>>) src(%dma_wait3A_169 : memref<80x128xi32, #tpu.memory_space<hbm>>) dst(%dma_wait3A_160 : memref<80x128xi32, #tpu.memory_space<vmem>>)
      tpu.yield
    }) : () -> ()
    "tpu.region"() ({
      %run_scoped3A_119 = tpu.sem_alloc : memref<!tpu.dma_semaphore, #tpu.memory_space<semaphore_mem>>
      %dma_start3A = arith.constant 0 : i32
      %dma_start3A_120 = tpu.memref_slice %arg5[%add3A_35, %dma_start3A] : memref<32x16xi32, #tpu.memory_space<hbm>> -> memref<1x16xi32, #tpu.memory_space<hbm>>
      %dma_start3A_121 = tpu.memref_squeeze %dma_start3A_120 : memref<1x16xi32, #tpu.memory_space<hbm>> -> memref<16xi32, #tpu.memory_space<hbm>>
      %dma_start3A_122 = arith.constant 0 : i32
      %dma_start3A_123 = tpu.memref_slice %arg5[%add3A_35, %dma_start3A_122] : memref<32x16xi32, #tpu.memory_space<hbm>> -> memref<1x16xi32, #tpu.memory_space<hbm>>
      %dma_start3A_124 = tpu.memref_squeeze %dma_start3A_123 : memref<1x16xi32, #tpu.memory_space<hbm>> -> memref<16xi32, #tpu.memory_space<hbm>>
      tpu.enqueue_dma source(%dma_start3A_124 : memref<16xi32, #tpu.memory_space<hbm>>) target(%arg11 : memref<16xi32, #tpu.memory_space<vmem>>) target_semaphore(%run_scoped3A_119 : memref<!tpu.dma_semaphore, #tpu.memory_space<semaphore_mem>>)
      %dma_wait3A = arith.constant 0 : i32
      %dma_wait3A_125 = tpu.memref_slice %arg5[%add3A_35, %dma_wait3A] : memref<32x16xi32, #tpu.memory_space<hbm>> -> memref<1x16xi32, #tpu.memory_space<hbm>>
      %dma_wait3A_126 = tpu.memref_squeeze %dma_wait3A_125 : memref<1x16xi32, #tpu.memory_space<hbm>> -> memref<16xi32, #tpu.memory_space<hbm>>
      %dma_wait3A_127 = arith.constant 0 : i32
      %dma_wait3A_128 = tpu.memref_slice %arg5[%add3A_35, %dma_wait3A_127] : memref<32x16xi32, #tpu.memory_space<hbm>> -> memref<1x16xi32, #tpu.memory_space<hbm>>
      %dma_wait3A_129 = tpu.memref_squeeze %dma_wait3A_128 : memref<1x16xi32, #tpu.memory_space<hbm>> -> memref<16xi32, #tpu.memory_space<hbm>>
      tpu.wait_dma2 semaphore(%run_scoped3A_119 : memref<!tpu.dma_semaphore, #tpu.memory_space<semaphore_mem>>) src(%dma_wait3A_129 : memref<16xi32, #tpu.memory_space<hbm>>) dst(%arg11 : memref<16xi32, #tpu.memory_space<vmem>>)
      tpu.yield
    }) : () -> ()
    %iota3A_38 = tpu.iota {dimensions = array<i32: 0>} : vector<16xi32>
    %eq3A_39 = arith.constant 0 : i32
    %eq3A_40 = vector.broadcast %eq3A_39 : i32 to vector<16xi32>
    %eq3A_41 = arith.cmpi eq, %iota3A_38, %eq3A_40 : vector<16xi32>
    %get3A_42 = arith.constant 0 : index
    %get3A_43 = tpu.vector_load %arg11[%get3A_42] {strides = array<i32>} : memref<16xi32, #tpu.memory_space<vmem>>, vector<16xi32>,
    %jit3A_44 = arith.constant 0 : i32
    %broadcast_in_dim3A_45 = vector.broadcast %jit3A_44 : i32 to vector<16xi32>
    %select_n3A_46 = arith.select %eq3A_41, %get3A_43, %broadcast_in_dim3A_45 : vector<16xi1>, vector<16xi32>
    %reduce_sum3A_47 = arith.constant true
    %reduce_sum3A_48 = vector.broadcast %reduce_sum3A_47 : i1 to vector<16xi1>
    %reduce_sum3A_49 = tpu.scan <sum>, %select_n3A_46 masked %reduce_sum3A_48 : vector<16xi32>, vector<16xi1> -> vector<16xi32>
    %reduce_sum3A_50 = vector.extract %reduce_sum3A_49[15] : i32 from vector<16xi32>
    %iota3A_51 = tpu.iota {dimensions = array<i32: 0>} : vector<16xi32>
    %eq3A_52 = arith.constant 1 : i32
    %eq3A_53 = vector.broadcast %eq3A_52 : i32 to vector<16xi32>
    %eq3A_54 = arith.cmpi eq, %iota3A_51, %eq3A_53 : vector<16xi32>
    %get3A_55 = arith.constant 0 : index
    %get3A_56 = tpu.vector_load %arg11[%get3A_55] {strides = array<i32>} : memref<16xi32, #tpu.memory_space<vmem>>, vector<16xi32>,
    %jit3A_57 = arith.constant 0 : i32
    %broadcast_in_dim3A_58 = vector.broadcast %jit3A_57 : i32 to vector<16xi32>
    %select_n3A_59 = arith.select %eq3A_54, %get3A_56, %broadcast_in_dim3A_58 : vector<16xi1>, vector<16xi32>
    %reduce_sum3A_60 = arith.constant true
    %reduce_sum3A_61 = vector.broadcast %reduce_sum3A_60 : i1 to vector<16xi1>
    %reduce_sum3A_62 = tpu.scan <sum>, %select_n3A_59 masked %reduce_sum3A_61 : vector<16xi32>, vector<16xi1> -> vector<16xi32>
    %reduce_sum3A_63 = vector.extract %reduce_sum3A_62[15] : i32 from vector<16xi32>
    %sub3A_64 = arith.constant 1 : i32
    %sub3A_65 = arith.subi %sub3A_64, %arg0 : i32
    %mul3A_66 = arith.muli %reduce_sum3A_50, %sub3A_65 : i32
    %mul3A_67 = arith.muli %reduce_sum3A_63, %arg0 : i32
    %add3A_68 = arith.addi %mul3A_66, %mul3A_67 : i32
    %swap3A_69 = arith.constant 1 : i32
    %swap3A_70 = arith.index_cast %swap3A_69 : i32 to index
    %swap3A_71 = memref.load %arg13[%swap3A_70] : memref<2xi32, #tpu.memory_space<smem>>
    memref.store %add3A_68, %arg13[%swap3A_70] : memref<2xi32, #tpu.memory_space<smem>>
    %barrier3A = arith.constant 0 : index
    tpu.barrier barrier_id(%barrier3A)
    %get3A_72 = arith.constant 0 : i32
    %get3A_73 = arith.index_cast %get3A_72 : i32 to index
    %get3A_74 = memref.load %arg13[%get3A_73] : memref<2xi32, #tpu.memory_space<smem>>
    %sub3A_75 = arith.constant 0 : i32
    %sub3A_76 = arith.subi %get3A_74, %sub3A_75 : i32
    %sub3A_77 = arith.constant 1 : i32
    %sub3A_78 = arith.constant 1 : i32
    %sub3A_79 = arith.subi %sub3A_77, %sub3A_78 : i32
    %add3A_80 = arith.addi %sub3A_76, %sub3A_79 : i32
    %div3A = arith.constant 1 : i32
    %div3A_81 = arith.divsi %add3A_80, %div3A : i32
    %while3A = arith.constant 1 : i32
    %while3A_82 = arith.constant 0 : i32
    %while3A_83 = arith.constant 0 : i32
    %while3A_84 = arith.subi %div3A_81, %while3A_83 : i32
    %while3A_85 = arith.addi %while3A_83, %while3A_84 : i32
    %while3A_86 = arith.constant 1 : i32
    %while3A_87 = arith.divsi %while3A_84, %while3A_86 : i32
    %while3A_88 = arith.muli %while3A_87, %while3A_86 : i32
    %while3A_89 = arith.addi %while3A_83, %while3A_88 : i32
    %while3A_90 = arith.constant 1 : i32
    scf.for %while3A_119 = %while3A_83 to %while3A_89 step %while3A_90  : i32 {
      %mul3A_120 = arith.muli %while3A_119, %while3A : i32
      %add3A_121 = arith.addi %while3A_82, %mul3A_120 : i32
      %run_scoped3A_122 = arith.constant 0 : i32
      "tpu.region"() ({
        %run_scoped3A_124 = tpu.sem_alloc : memref<!tpu.dma_semaphore, #tpu.memory_space<semaphore_mem>>
        %dma_start3A = arith.constant 0 : i32
        %dma_start3A_125 = arith.constant 0 : i32
        %dma_start3A_126 = tpu.memref_slice %arg8[%run_scoped3A_122, %dma_start3A, %dma_start3A_125] : memref<2x80x128xi32, #tpu.memory_space<vmem>> -> memref<1x80x128xi32, #tpu.memory_space<vmem>>
        %dma_start3A_127 = tpu.memref_squeeze %dma_start3A_126 : memref<1x80x128xi32, #tpu.memory_space<vmem>> -> memref<80x128xi32, #tpu.memory_space<vmem>>
        %dma_start3A_128 = arith.constant 0 : i32
        %dma_start3A_129 = tpu.memref_slice %dma_start3A_127[%add3A_121, %dma_start3A_128] : memref<80x128xi32, #tpu.memory_space<vmem>> -> memref<1x128xi32, #tpu.memory_space<vmem>>
        %dma_start3A_130 = tpu.memref_squeeze %dma_start3A_129 : memref<1x128xi32, #tpu.memory_space<vmem>> -> memref<128xi32, #tpu.memory_space<vmem>>
        %dma_start3A_131 = arith.constant 0 : i32
        %dma_start3A_132 = arith.constant 0 : i32
        %dma_start3A_133 = tpu.memref_slice %arg2[%dma_start3A_131, %dma_start3A_132] : memref<10000x128xf32, #tpu.memory_space<hbm>> -> memref<10000x128xf32, #tpu.memory_space<hbm>>
        tpu.enqueue_indirect_dma source(%dma_start3A_133 : memref<10000x128xf32, #tpu.memory_space<hbm>>) target(%arg10 : memref<128x128xf32, #tpu.memory_space<vmem>>) offsets(%dma_start3A_130 : memref<128xi32, #tpu.memory_space<vmem>>) semaphore(%run_scoped3A_124 : memref<!tpu.dma_semaphore, #tpu.memory_space<semaphore_mem>>)
        %dma_wait3A = arith.constant 0 : i32
        %dma_wait3A_134 = arith.constant 0 : i32
        %dma_wait3A_135 = tpu.memref_slice %arg8[%run_scoped3A_122, %dma_wait3A, %dma_wait3A_134] : memref<2x80x128xi32, #tpu.memory_space<vmem>> -> memref<1x80x128xi32, #tpu.memory_space<vmem>>
        %dma_wait3A_136 = tpu.memref_squeeze %dma_wait3A_135 : memref<1x80x128xi32, #tpu.memory_space<vmem>> -> memref<80x128xi32, #tpu.memory_space<vmem>>
        %dma_wait3A_137 = arith.constant 0 : i32
        %dma_wait3A_138 = tpu.memref_slice %dma_wait3A_136[%add3A_121, %dma_wait3A_137] : memref<80x128xi32, #tpu.memory_space<vmem>> -> memref<1x128xi32, #tpu.memory_space<vmem>>
        %dma_wait3A_139 = tpu.memref_squeeze %dma_wait3A_138 : memref<1x128xi32, #tpu.memory_space<vmem>> -> memref<128xi32, #tpu.memory_space<vmem>>
        %dma_wait3A_140 = arith.constant 0 : i32
        %dma_wait3A_141 = arith.constant 0 : i32
        %dma_wait3A_142 = tpu.memref_slice %arg2[%dma_wait3A_140, %dma_wait3A_141] : memref<10000x128xf32, #tpu.memory_space<hbm>> -> memref<10000x128xf32, #tpu.memory_space<hbm>>
        tpu.wait_indirect_dma semaphore(%run_scoped3A_124 : memref<!tpu.dma_semaphore, #tpu.memory_space<semaphore_mem>>) src(%dma_wait3A_142 : memref<10000x128xf32, #tpu.memory_space<hbm>>) dst(%arg10 : memref<128x128xf32, #tpu.memory_space<vmem>>)
        tpu.yield
      }) : () -> ()
      %run_scoped3A_123 = arith.constant 0 : i32
      "tpu.region"() ({
        %run_scoped3A_124 = tpu.sem_alloc : memref<!tpu.dma_semaphore, #tpu.memory_space<semaphore_mem>>
        %dma_start3A = arith.constant 0 : i32
        %dma_start3A_125 = arith.constant 0 : i32
        %dma_start3A_126 = tpu.memref_slice %arg9[%run_scoped3A_123, %dma_start3A, %dma_start3A_125] : memref<2x80x128xi32, #tpu.memory_space<vmem>> -> memref<1x80x128xi32, #tpu.memory_space<vmem>>
        %dma_start3A_127 = tpu.memref_squeeze %dma_start3A_126 : memref<1x80x128xi32, #tpu.memory_space<vmem>> -> memref<80x128xi32, #tpu.memory_space<vmem>>
        %dma_start3A_128 = arith.constant 0 : i32
        %dma_start3A_129 = tpu.memref_slice %dma_start3A_127[%add3A_121, %dma_start3A_128] : memref<80x128xi32, #tpu.memory_space<vmem>> -> memref<1x128xi32, #tpu.memory_space<vmem>>
        %dma_start3A_130 = tpu.memref_squeeze %dma_start3A_129 : memref<1x128xi32, #tpu.memory_space<vmem>> -> memref<128xi32, #tpu.memory_space<vmem>>
        %dma_start3A_131 = arith.constant 0 : i32
        %dma_start3A_132 = arith.constant 0 : i32
        %dma_start3A_133 = tpu.memref_slice %arg12[%dma_start3A_131, %dma_start3A_132] : memref<5120x128xf32, #tpu.memory_space<vmem_shared>> -> memref<5120x128xf32, #tpu.memory_space<vmem_shared>>
        tpu.enqueue_indirect_dma source(%arg10 : memref<128x128xf32, #tpu.memory_space<vmem>>) target(%dma_start3A_133 : memref<5120x128xf32, #tpu.memory_space<vmem_shared>>) offsets(%dma_start3A_130 : memref<128xi32, #tpu.memory_space<vmem>>) semaphore(%run_scoped3A_124 : memref<!tpu.dma_semaphore, #tpu.memory_space<semaphore_mem>>) {add = true}
        %dma_wait3A = arith.constant 0 : i32
        %dma_wait3A_134 = arith.constant 0 : i32
        %dma_wait3A_135 = tpu.memref_slice %arg9[%run_scoped3A_123, %dma_wait3A, %dma_wait3A_134] : memref<2x80x128xi32, #tpu.memory_space<vmem>> -> memref<1x80x128xi32, #tpu.memory_space<vmem>>
        %dma_wait3A_136 = tpu.memref_squeeze %dma_wait3A_135 : memref<1x80x128xi32, #tpu.memory_space<vmem>> -> memref<80x128xi32, #tpu.memory_space<vmem>>
        %dma_wait3A_137 = arith.constant 0 : i32
        %dma_wait3A_138 = tpu.memref_slice %dma_wait3A_136[%add3A_121, %dma_wait3A_137] : memref<80x128xi32, #tpu.memory_space<vmem>> -> memref<1x128xi32, #tpu.memory_space<vmem>>
        %dma_wait3A_139 = tpu.memref_squeeze %dma_wait3A_138 : memref<1x128xi32, #tpu.memory_space<vmem>> -> memref<128xi32, #tpu.memory_space<vmem>>
        %dma_wait3A_140 = arith.constant 0 : i32
        %dma_wait3A_141 = arith.constant 0 : i32
        %dma_wait3A_142 = tpu.memref_slice %arg12[%dma_wait3A_140, %dma_wait3A_141] : memref<5120x128xf32, #tpu.memory_space<vmem_shared>> -> memref<5120x128xf32, #tpu.memory_space<vmem_shared>>
        tpu.wait_indirect_dma semaphore(%run_scoped3A_124 : memref<!tpu.dma_semaphore, #tpu.memory_space<semaphore_mem>>) src(%arg10 : memref<128x128xf32, #tpu.memory_space<vmem>>) dst(%dma_wait3A_142 : memref<5120x128xf32, #tpu.memory_space<vmem_shared>>)
        tpu.yield
      }) : () -> ()
    }
    %while3A_91 = arith.constant 1 : i32
    scf.for %while3A_119 = %while3A_89 to %while3A_85 step %while3A_91  : i32 {
      %mul3A_120 = arith.muli %while3A_119, %while3A : i32
      %add3A_121 = arith.addi %while3A_82, %mul3A_120 : i32
      %run_scoped3A_122 = arith.constant 0 : i32
      "tpu.region"() ({
        %run_scoped3A_124 = tpu.sem_alloc : memref<!tpu.dma_semaphore, #tpu.memory_space<semaphore_mem>>
        %dma_start3A = arith.constant 0 : i32
        %dma_start3A_125 = arith.constant 0 : i32
        %dma_start3A_126 = tpu.memref_slice %arg8[%run_scoped3A_122, %dma_start3A, %dma_start3A_125] : memref<2x80x128xi32, #tpu.memory_space<vmem>> -> memref<1x80x128xi32, #tpu.memory_space<vmem>>
        %dma_start3A_127 = tpu.memref_squeeze %dma_start3A_126 : memref<1x80x128xi32, #tpu.memory_space<vmem>> -> memref<80x128xi32, #tpu.memory_space<vmem>>
        %dma_start3A_128 = arith.constant 0 : i32
        %dma_start3A_129 = tpu.memref_slice %dma_start3A_127[%add3A_121, %dma_start3A_128] : memref<80x128xi32, #tpu.memory_space<vmem>> -> memref<1x128xi32, #tpu.memory_space<vmem>>
        %dma_start3A_130 = tpu.memref_squeeze %dma_start3A_129 : memref<1x128xi32, #tpu.memory_space<vmem>> -> memref<128xi32, #tpu.memory_space<vmem>>
        %dma_start3A_131 = arith.constant 0 : i32
        %dma_start3A_132 = arith.constant 0 : i32
        %dma_start3A_133 = tpu.memref_slice %arg2[%dma_start3A_131, %dma_start3A_132] : memref<10000x128xf32, #tpu.memory_space<hbm>> -> memref<10000x128xf32, #tpu.memory_space<hbm>>
        tpu.enqueue_indirect_dma source(%dma_start3A_133 : memref<10000x128xf32, #tpu.memory_space<hbm>>) target(%arg10 : memref<128x128xf32, #tpu.memory_space<vmem>>) offsets(%dma_start3A_130 : memref<128xi32, #tpu.memory_space<vmem>>) semaphore(%run_scoped3A_124 : memref<!tpu.dma_semaphore, #tpu.memory_space<semaphore_mem>>)
        %dma_wait3A = arith.constant 0 : i32
        %dma_wait3A_134 = arith.constant 0 : i32
        %dma_wait3A_135 = tpu.memref_slice %arg8[%run_scoped3A_122, %dma_wait3A, %dma_wait3A_134] : memref<2x80x128xi32, #tpu.memory_space<vmem>> -> memref<1x80x128xi32, #tpu.memory_space<vmem>>
        %dma_wait3A_136 = tpu.memref_squeeze %dma_wait3A_135 : memref<1x80x128xi32, #tpu.memory_space<vmem>> -> memref<80x128xi32, #tpu.memory_space<vmem>>
        %dma_wait3A_137 = arith.constant 0 : i32
        %dma_wait3A_138 = tpu.memref_slice %dma_wait3A_136[%add3A_121, %dma_wait3A_137] : memref<80x128xi32, #tpu.memory_space<vmem>> -> memref<1x128xi32, #tpu.memory_space<vmem>>
        %dma_wait3A_139 = tpu.memref_squeeze %dma_wait3A_138 : memref<1x128xi32, #tpu.memory_space<vmem>> -> memref<128xi32, #tpu.memory_space<vmem>>
        %dma_wait3A_140 = arith.constant 0 : i32
        %dma_wait3A_141 = arith.constant 0 : i32
        %dma_wait3A_142 = tpu.memref_slice %arg2[%dma_wait3A_140, %dma_wait3A_141] : memref<10000x128xf32, #tpu.memory_space<hbm>> -> memref<10000x128xf32, #tpu.memory_space<hbm>>
        tpu.wait_indirect_dma semaphore(%run_scoped3A_124 : memref<!tpu.dma_semaphore, #tpu.memory_space<semaphore_mem>>) src(%dma_wait3A_142 : memref<10000x128xf32, #tpu.memory_space<hbm>>) dst(%arg10 : memref<128x128xf32, #tpu.memory_space<vmem>>)
        tpu.yield
      }) : () -> ()
      %run_scoped3A_123 = arith.constant 0 : i32
      "tpu.region"() ({
        %run_scoped3A_124 = tpu.sem_alloc : memref<!tpu.dma_semaphore, #tpu.memory_space<semaphore_mem>>
        %dma_start3A = arith.constant 0 : i32
        %dma_start3A_125 = arith.constant 0 : i32
        %dma_start3A_126 = tpu.memref_slice %arg9[%run_scoped3A_123, %dma_start3A, %dma_start3A_125] : memref<2x80x128xi32, #tpu.memory_space<vmem>> -> memref<1x80x128xi32, #tpu.memory_space<vmem>>
        %dma_start3A_127 = tpu.memref_squeeze %dma_start3A_126 : memref<1x80x128xi32, #tpu.memory_space<vmem>> -> memref<80x128xi32, #tpu.memory_space<vmem>>
        %dma_start3A_128 = arith.constant 0 : i32
        %dma_start3A_129 = tpu.memref_slice %dma_start3A_127[%add3A_121, %dma_start3A_128] : memref<80x128xi32, #tpu.memory_space<vmem>> -> memref<1x128xi32, #tpu.memory_space<vmem>>
        %dma_start3A_130 = tpu.memref_squeeze %dma_start3A_129 : memref<1x128xi32, #tpu.memory_space<vmem>> -> memref<128xi32, #tpu.memory_space<vmem>>
        %dma_start3A_131 = arith.constant 0 : i32
        %dma_start3A_132 = arith.constant 0 : i32
        %dma_start3A_133 = tpu.memref_slice %arg12[%dma_start3A_131, %dma_start3A_132] : memref<5120x128xf32, #tpu.memory_space<vmem_shared>> -> memref<5120x128xf32, #tpu.memory_space<vmem_shared>>
        tpu.enqueue_indirect_dma source(%arg10 : memref<128x128xf32, #tpu.memory_space<vmem>>) target(%dma_start3A_133 : memref<5120x128xf32, #tpu.memory_space<vmem_shared>>) offsets(%dma_start3A_130 : memref<128xi32, #tpu.memory_space<vmem>>) semaphore(%run_scoped3A_124 : memref<!tpu.dma_semaphore, #tpu.memory_space<semaphore_mem>>) {add = true}
        %dma_wait3A = arith.constant 0 : i32
        %dma_wait3A_134 = arith.constant 0 : i32
        %dma_wait3A_135 = tpu.memref_slice %arg9[%run_scoped3A_123, %dma_wait3A, %dma_wait3A_134] : memref<2x80x128xi32, #tpu.memory_space<vmem>> -> memref<1x80x128xi32, #tpu.memory_space<vmem>>
        %dma_wait3A_136 = tpu.memref_squeeze %dma_wait3A_135 : memref<1x80x128xi32, #tpu.memory_space<vmem>> -> memref<80x128xi32, #tpu.memory_space<vmem>>
        %dma_wait3A_137 = arith.constant 0 : i32
        %dma_wait3A_138 = tpu.memref_slice %dma_wait3A_136[%add3A_121, %dma_wait3A_137] : memref<80x128xi32, #tpu.memory_space<vmem>> -> memref<1x128xi32, #tpu.memory_space<vmem>>
        %dma_wait3A_139 = tpu.memref_squeeze %dma_wait3A_138 : memref<1x128xi32, #tpu.memory_space<vmem>> -> memref<128xi32, #tpu.memory_space<vmem>>
        %dma_wait3A_140 = arith.constant 0 : i32
        %dma_wait3A_141 = arith.constant 0 : i32
        %dma_wait3A_142 = tpu.memref_slice %arg12[%dma_wait3A_140, %dma_wait3A_141] : memref<5120x128xf32, #tpu.memory_space<vmem_shared>> -> memref<5120x128xf32, #tpu.memory_space<vmem_shared>>
        tpu.wait_indirect_dma semaphore(%run_scoped3A_124 : memref<!tpu.dma_semaphore, #tpu.memory_space<semaphore_mem>>) src(%arg10 : memref<128x128xf32, #tpu.memory_space<vmem>>) dst(%dma_wait3A_142 : memref<5120x128xf32, #tpu.memory_space<vmem_shared>>)
        tpu.yield
      }) : () -> ()
    }
    %get3A_92 = arith.constant 1 : i32
    %get3A_93 = arith.index_cast %get3A_92 : i32 to index
    %get3A_94 = memref.load %arg13[%get3A_93] : memref<2xi32, #tpu.memory_space<smem>>
    %sub3A_95 = arith.constant 0 : i32
    %sub3A_96 = arith.subi %get3A_94, %sub3A_95 : i32
    %sub3A_97 = arith.constant 1 : i32
    %sub3A_98 = arith.constant 1 : i32
    %sub3A_99 = arith.subi %sub3A_97, %sub3A_98 : i32
    %add3A_100 = arith.addi %sub3A_96, %sub3A_99 : i32
    %div3A_101 = arith.constant 1 : i32
    %div3A_102 = arith.divsi %add3A_100, %div3A_101 : i32
    %while3A_103 = arith.constant 1 : i32
    %while3A_104 = arith.constant 0 : i32
    %while3A_105 = arith.constant 0 : i32
    %while3A_106 = arith.subi %div3A_102, %while3A_105 : i32
    %while3A_107 = arith.addi %while3A_105, %while3A_106 : i32
    %while3A_108 = arith.constant 1 : i32
    %while3A_109 = arith.divsi %while3A_106, %while3A_108 : i32
    %while3A_110 = arith.muli %while3A_109, %while3A_108 : i32
    %while3A_111 = arith.addi %while3A_105, %while3A_110 : i32
    %while3A_112 = arith.constant 1 : i32
    scf.for %while3A_119 = %while3A_105 to %while3A_111 step %while3A_112  : i32 {
      %mul3A_120 = arith.muli %while3A_119, %while3A_103 : i32
      %add3A_121 = arith.addi %while3A_104, %mul3A_120 : i32
      %run_scoped3A_122 = arith.constant 1 : i32
      "tpu.region"() ({
        %run_scoped3A_124 = tpu.sem_alloc : memref<!tpu.dma_semaphore, #tpu.memory_space<semaphore_mem>>
        %dma_start3A = arith.constant 0 : i32
        %dma_start3A_125 = arith.constant 0 : i32
        %dma_start3A_126 = tpu.memref_slice %arg8[%run_scoped3A_122, %dma_start3A, %dma_start3A_125] : memref<2x80x128xi32, #tpu.memory_space<vmem>> -> memref<1x80x128xi32, #tpu.memory_space<vmem>>
        %dma_start3A_127 = tpu.memref_squeeze %dma_start3A_126 : memref<1x80x128xi32, #tpu.memory_space<vmem>> -> memref<80x128xi32, #tpu.memory_space<vmem>>
        %dma_start3A_128 = arith.constant 0 : i32
        %dma_start3A_129 = tpu.memref_slice %dma_start3A_127[%add3A_121, %dma_start3A_128] : memref<80x128xi32, #tpu.memory_space<vmem>> -> memref<1x128xi32, #tpu.memory_space<vmem>>
        %dma_start3A_130 = tpu.memref_squeeze %dma_start3A_129 : memref<1x128xi32, #tpu.memory_space<vmem>> -> memref<128xi32, #tpu.memory_space<vmem>>
        %dma_start3A_131 = arith.constant 0 : i32
        %dma_start3A_132 = arith.constant 0 : i32
        %dma_start3A_133 = tpu.memref_slice %arg2[%dma_start3A_131, %dma_start3A_132] : memref<10000x128xf32, #tpu.memory_space<hbm>> -> memref<10000x128xf32, #tpu.memory_space<hbm>>
        tpu.enqueue_indirect_dma source(%dma_start3A_133 : memref<10000x128xf32, #tpu.memory_space<hbm>>) target(%arg10 : memref<128x128xf32, #tpu.memory_space<vmem>>) offsets(%dma_start3A_130 : memref<128xi32, #tpu.memory_space<vmem>>) semaphore(%run_scoped3A_124 : memref<!tpu.dma_semaphore, #tpu.memory_space<semaphore_mem>>)
        %dma_wait3A = arith.constant 0 : i32
        %dma_wait3A_134 = arith.constant 0 : i32
        %dma_wait3A_135 = tpu.memref_slice %arg8[%run_scoped3A_122, %dma_wait3A, %dma_wait3A_134] : memref<2x80x128xi32, #tpu.memory_space<vmem>> -> memref<1x80x128xi32, #tpu.memory_space<vmem>>
        %dma_wait3A_136 = tpu.memref_squeeze %dma_wait3A_135 : memref<1x80x128xi32, #tpu.memory_space<vmem>> -> memref<80x128xi32, #tpu.memory_space<vmem>>
        %dma_wait3A_137 = arith.constant 0 : i32
        %dma_wait3A_138 = tpu.memref_slice %dma_wait3A_136[%add3A_121, %dma_wait3A_137] : memref<80x128xi32, #tpu.memory_space<vmem>> -> memref<1x128xi32, #tpu.memory_space<vmem>>
        %dma_wait3A_139 = tpu.memref_squeeze %dma_wait3A_138 : memref<1x128xi32, #tpu.memory_space<vmem>> -> memref<128xi32, #tpu.memory_space<vmem>>
        %dma_wait3A_140 = arith.constant 0 : i32
        %dma_wait3A_141 = arith.constant 0 : i32
        %dma_wait3A_142 = tpu.memref_slice %arg2[%dma_wait3A_140, %dma_wait3A_141] : memref<10000x128xf32, #tpu.memory_space<hbm>> -> memref<10000x128xf32, #tpu.memory_space<hbm>>
        tpu.wait_indirect_dma semaphore(%run_scoped3A_124 : memref<!tpu.dma_semaphore, #tpu.memory_space<semaphore_mem>>) src(%dma_wait3A_142 : memref<10000x128xf32, #tpu.memory_space<hbm>>) dst(%arg10 : memref<128x128xf32, #tpu.memory_space<vmem>>)
        tpu.yield
      }) : () -> ()
      %run_scoped3A_123 = arith.constant 1 : i32
      "tpu.region"() ({
        %run_scoped3A_124 = tpu.sem_alloc : memref<!tpu.dma_semaphore, #tpu.memory_space<semaphore_mem>>
        %dma_start3A = arith.constant 0 : i32
        %dma_start3A_125 = arith.constant 0 : i32
        %dma_start3A_126 = tpu.memref_slice %arg9[%run_scoped3A_123, %dma_start3A, %dma_start3A_125] : memref<2x80x128xi32, #tpu.memory_space<vmem>> -> memref<1x80x128xi32, #tpu.memory_space<vmem>>
        %dma_start3A_127 = tpu.memref_squeeze %dma_start3A_126 : memref<1x80x128xi32, #tpu.memory_space<vmem>> -> memref<80x128xi32, #tpu.memory_space<vmem>>
        %dma_start3A_128 = arith.constant 0 : i32
        %dma_start3A_129 = tpu.memref_slice %dma_start3A_127[%add3A_121, %dma_start3A_128] : memref<80x128xi32, #tpu.memory_space<vmem>> -> memref<1x128xi32, #tpu.memory_space<vmem>>
        %dma_start3A_130 = tpu.memref_squeeze %dma_start3A_129 : memref<1x128xi32, #tpu.memory_space<vmem>> -> memref<128xi32, #tpu.memory_space<vmem>>
        %dma_start3A_131 = arith.constant 0 : i32
        %dma_start3A_132 = arith.constant 0 : i32
        %dma_start3A_133 = tpu.memref_slice %arg12[%dma_start3A_131, %dma_start3A_132] : memref<5120x128xf32, #tpu.memory_space<vmem_shared>> -> memref<5120x128xf32, #tpu.memory_space<vmem_shared>>
        tpu.enqueue_indirect_dma source(%arg10 : memref<128x128xf32, #tpu.memory_space<vmem>>) target(%dma_start3A_133 : memref<5120x128xf32, #tpu.memory_space<vmem_shared>>) offsets(%dma_start3A_130 : memref<128xi32, #tpu.memory_space<vmem>>) semaphore(%run_scoped3A_124 : memref<!tpu.dma_semaphore, #tpu.memory_space<semaphore_mem>>) {add = true}
        %dma_wait3A = arith.constant 0 : i32
        %dma_wait3A_134 = arith.constant 0 : i32
        %dma_wait3A_135 = tpu.memref_slice %arg9[%run_scoped3A_123, %dma_wait3A, %dma_wait3A_134] : memref<2x80x128xi32, #tpu.memory_space<vmem>> -> memref<1x80x128xi32, #tpu.memory_space<vmem>>
        %dma_wait3A_136 = tpu.memref_squeeze %dma_wait3A_135 : memref<1x80x128xi32, #tpu.memory_space<vmem>> -> memref<80x128xi32, #tpu.memory_space<vmem>>
        %dma_wait3A_137 = arith.constant 0 : i32
        %dma_wait3A_138 = tpu.memref_slice %dma_wait3A_136[%add3A_121, %dma_wait3A_137] : memref<80x128xi32, #tpu.memory_space<vmem>> -> memref<1x128xi32, #tpu.memory_space<vmem>>
        %dma_wait3A_139 = tpu.memref_squeeze %dma_wait3A_138 : memref<1x128xi32, #tpu.memory_space<vmem>> -> memref<128xi32, #tpu.memory_space<vmem>>
        %dma_wait3A_140 = arith.constant 0 : i32
        %dma_wait3A_141 = arith.constant 0 : i32
        %dma_wait3A_142 = tpu.memref_slice %arg12[%dma_wait3A_140, %dma_wait3A_141] : memref<5120x128xf32, #tpu.memory_space<vmem_shared>> -> memref<5120x128xf32, #tpu.memory_space<vmem_shared>>
        tpu.wait_indirect_dma semaphore(%run_scoped3A_124 : memref<!tpu.dma_semaphore, #tpu.memory_space<semaphore_mem>>) src(%arg10 : memref<128x128xf32, #tpu.memory_space<vmem>>) dst(%dma_wait3A_142 : memref<5120x128xf32, #tpu.memory_space<vmem_shared>>)
        tpu.yield
      }) : () -> ()
    }
    %while3A_113 = arith.constant 1 : i32
    scf.for %while3A_119 = %while3A_111 to %while3A_107 step %while3A_113  : i32 {
      %mul3A_120 = arith.muli %while3A_119, %while3A_103 : i32
      %add3A_121 = arith.addi %while3A_104, %mul3A_120 : i32
      %run_scoped3A_122 = arith.constant 1 : i32
      "tpu.region"() ({
        %run_scoped3A_124 = tpu.sem_alloc : memref<!tpu.dma_semaphore, #tpu.memory_space<semaphore_mem>>
        %dma_start3A = arith.constant 0 : i32
        %dma_start3A_125 = arith.constant 0 : i32
        %dma_start3A_126 = tpu.memref_slice %arg8[%run_scoped3A_122, %dma_start3A, %dma_start3A_125] : memref<2x80x128xi32, #tpu.memory_space<vmem>> -> memref<1x80x128xi32, #tpu.memory_space<vmem>>
        %dma_start3A_127 = tpu.memref_squeeze %dma_start3A_126 : memref<1x80x128xi32, #tpu.memory_space<vmem>> -> memref<80x128xi32, #tpu.memory_space<vmem>>
        %dma_start3A_128 = arith.constant 0 : i32
        %dma_start3A_129 = tpu.memref_slice %dma_start3A_127[%add3A_121, %dma_start3A_128] : memref<80x128xi32, #tpu.memory_space<vmem>> -> memref<1x128xi32, #tpu.memory_space<vmem>>
        %dma_start3A_130 = tpu.memref_squeeze %dma_start3A_129 : memref<1x128xi32, #tpu.memory_space<vmem>> -> memref<128xi32, #tpu.memory_space<vmem>>
        %dma_start3A_131 = arith.constant 0 : i32
        %dma_start3A_132 = arith.constant 0 : i32
        %dma_start3A_133 = tpu.memref_slice %arg2[%dma_start3A_131, %dma_start3A_132] : memref<10000x128xf32, #tpu.memory_space<hbm>> -> memref<10000x128xf32, #tpu.memory_space<hbm>>
        tpu.enqueue_indirect_dma source(%dma_start3A_133 : memref<10000x128xf32, #tpu.memory_space<hbm>>) target(%arg10 : memref<128x128xf32, #tpu.memory_space<vmem>>) offsets(%dma_start3A_130 : memref<128xi32, #tpu.memory_space<vmem>>) semaphore(%run_scoped3A_124 : memref<!tpu.dma_semaphore, #tpu.memory_space<semaphore_mem>>)
        %dma_wait3A = arith.constant 0 : i32
        %dma_wait3A_134 = arith.constant 0 : i32
        %dma_wait3A_135 = tpu.memref_slice %arg8[%run_scoped3A_122, %dma_wait3A, %dma_wait3A_134] : memref<2x80x128xi32, #tpu.memory_space<vmem>> -> memref<1x80x128xi32, #tpu.memory_space<vmem>>
        %dma_wait3A_136 = tpu.memref_squeeze %dma_wait3A_135 : memref<1x80x128xi32, #tpu.memory_space<vmem>> -> memref<80x128xi32, #tpu.memory_space<vmem>>
        %dma_wait3A_137 = arith.constant 0 : i32
        %dma_wait3A_138 = tpu.memref_slice %dma_wait3A_136[%add3A_121, %dma_wait3A_137] : memref<80x128xi32, #tpu.memory_space<vmem>> -> memref<1x128xi32, #tpu.memory_space<vmem>>
        %dma_wait3A_139 = tpu.memref_squeeze %dma_wait3A_138 : memref<1x128xi32, #tpu.memory_space<vmem>> -> memref<128xi32, #tpu.memory_space<vmem>>
        %dma_wait3A_140 = arith.constant 0 : i32
        %dma_wait3A_141 = arith.constant 0 : i32
        %dma_wait3A_142 = tpu.memref_slice %arg2[%dma_wait3A_140, %dma_wait3A_141] : memref<10000x128xf32, #tpu.memory_space<hbm>> -> memref<10000x128xf32, #tpu.memory_space<hbm>>
        tpu.wait_indirect_dma semaphore(%run_scoped3A_124 : memref<!tpu.dma_semaphore, #tpu.memory_space<semaphore_mem>>) src(%dma_wait3A_142 : memref<10000x128xf32, #tpu.memory_space<hbm>>) dst(%arg10 : memref<128x128xf32, #tpu.memory_space<vmem>>)
        tpu.yield
      }) : () -> ()
      %run_scoped3A_123 = arith.constant 1 : i32
      "tpu.region"() ({
        %run_scoped3A_124 = tpu.sem_alloc : memref<!tpu.dma_semaphore, #tpu.memory_space<semaphore_mem>>
        %dma_start3A = arith.constant 0 : i32
        %dma_start3A_125 = arith.constant 0 : i32
        %dma_start3A_126 = tpu.memref_slice %arg9[%run_scoped3A_123, %dma_start3A, %dma_start3A_125] : memref<2x80x128xi32, #tpu.memory_space<vmem>> -> memref<1x80x128xi32, #tpu.memory_space<vmem>>
        %dma_start3A_127 = tpu.memref_squeeze %dma_start3A_126 : memref<1x80x128xi32, #tpu.memory_space<vmem>> -> memref<80x128xi32, #tpu.memory_space<vmem>>
        %dma_start3A_128 = arith.constant 0 : i32
        %dma_start3A_129 = tpu.memref_slice %dma_start3A_127[%add3A_121, %dma_start3A_128] : memref<80x128xi32, #tpu.memory_space<vmem>> -> memref<1x128xi32, #tpu.memory_space<vmem>>
        %dma_start3A_130 = tpu.memref_squeeze %dma_start3A_129 : memref<1x128xi32, #tpu.memory_space<vmem>> -> memref<128xi32, #tpu.memory_space<vmem>>
        %dma_start3A_131 = arith.constant 0 : i32
        %dma_start3A_132 = arith.constant 0 : i32
        %dma_start3A_133 = tpu.memref_slice %arg12[%dma_start3A_131, %dma_start3A_132] : memref<5120x128xf32, #tpu.memory_space<vmem_shared>> -> memref<5120x128xf32, #tpu.memory_space<vmem_shared>>
        tpu.enqueue_indirect_dma source(%arg10 : memref<128x128xf32, #tpu.memory_space<vmem>>) target(%dma_start3A_133 : memref<5120x128xf32, #tpu.memory_space<vmem_shared>>) offsets(%dma_start3A_130 : memref<128xi32, #tpu.memory_space<vmem>>) semaphore(%run_scoped3A_124 : memref<!tpu.dma_semaphore, #tpu.memory_space<semaphore_mem>>) {add = true}
        %dma_wait3A = arith.constant 0 : i32
        %dma_wait3A_134 = arith.constant 0 : i32
        %dma_wait3A_135 = tpu.memref_slice %arg9[%run_scoped3A_123, %dma_wait3A, %dma_wait3A_134] : memref<2x80x128xi32, #tpu.memory_space<vmem>> -> memref<1x80x128xi32, #tpu.memory_space<vmem>>
        %dma_wait3A_136 = tpu.memref_squeeze %dma_wait3A_135 : memref<1x80x128xi32, #tpu.memory_space<vmem>> -> memref<80x128xi32, #tpu.memory_space<vmem>>
        %dma_wait3A_137 = arith.constant 0 : i32
        %dma_wait3A_138 = tpu.memref_slice %dma_wait3A_136[%add3A_121, %dma_wait3A_137] : memref<80x128xi32, #tpu.memory_space<vmem>> -> memref<1x128xi32, #tpu.memory_space<vmem>>
        %dma_wait3A_139 = tpu.memref_squeeze %dma_wait3A_138 : memref<1x128xi32, #tpu.memory_space<vmem>> -> memref<128xi32, #tpu.memory_space<vmem>>
        %dma_wait3A_140 = arith.constant 0 : i32
        %dma_wait3A_141 = arith.constant 0 : i32
        %dma_wait3A_142 = tpu.memref_slice %arg12[%dma_wait3A_140, %dma_wait3A_141] : memref<5120x128xf32, #tpu.memory_space<vmem_shared>> -> memref<5120x128xf32, #tpu.memory_space<vmem_shared>>
        tpu.wait_indirect_dma semaphore(%run_scoped3A_124 : memref<!tpu.dma_semaphore, #tpu.memory_space<semaphore_mem>>) src(%arg10 : memref<128x128xf32, #tpu.memory_space<vmem>>) dst(%dma_wait3A_142 : memref<5120x128xf32, #tpu.memory_space<vmem_shared>>)
        tpu.yield
      }) : () -> ()
    }
    %barrier3A_114 = arith.constant 0 : index
    tpu.barrier barrier_id(%barrier3A_114)
    %mul3A_115 = arith.constant 320 : i32
    %mul3A_116 = arith.muli %arg1, %mul3A_115 : i32
    %mul3A_117 = arith.constant 320 : i32
    %mul3A_118 = arith.muli %arg1, %mul3A_117 : i32
    "tpu.region"() ({
      %run_scoped3A_119 = tpu.sem_alloc : memref<!tpu.dma_semaphore, #tpu.memory_space<semaphore_mem>>
      %dma_start3A = arith.constant 0 : i32
      %dma_start3A_120 = arith.constant 0 : i32
      %dma_start3A_121 = tpu.memref_slice %arg7[%arg0, %dma_start3A, %dma_start3A_120] : memref<2x5120x128xf32, #tpu.memory_space<hbm>> -> memref<1x5120x128xf32, #tpu.memory_space<hbm>>
      %dma_start3A_122 = tpu.memref_squeeze %dma_start3A_121 : memref<1x5120x128xf32, #tpu.memory_space<hbm>> -> memref<5120x128xf32, #tpu.memory_space<hbm>>
      %dma_start3A_123 = arith.constant 0 : i32
      %dma_start3A_124 = tpu.memref_slice %dma_start3A_122[%mul3A_118, %dma_start3A_123] : memref<5120x128xf32, #tpu.memory_space<hbm>> -> memref<320x128xf32, #tpu.memory_space<hbm>>
      %dma_start3A_125 = arith.constant 0 : i32
      %dma_start3A_126 = tpu.memref_slice %arg12[%mul3A_116, %dma_start3A_125] : memref<5120x128xf32, #tpu.memory_space<vmem_shared>> -> memref<320x128xf32, #tpu.memory_space<vmem_shared>>
      tpu.enqueue_dma source(%dma_start3A_126 : memref<320x128xf32, #tpu.memory_space<vmem_shared>>) target(%dma_start3A_124 : memref<320x128xf32, #tpu.memory_space<hbm>>) target_semaphore(%run_scoped3A_119 : memref<!tpu.dma_semaphore, #tpu.memory_space<semaphore_mem>>)
      %dma_wait3A = arith.constant 0 : i32
      %dma_wait3A_127 = arith.constant 0 : i32
      %dma_wait3A_128 = tpu.memref_slice %arg7[%arg0, %dma_wait3A, %dma_wait3A_127] : memref<2x5120x128xf32, #tpu.memory_space<hbm>> -> memref<1x5120x128xf32, #tpu.memory_space<hbm>>
      %dma_wait3A_129 = tpu.memref_squeeze %dma_wait3A_128 : memref<1x5120x128xf32, #tpu.memory_space<hbm>> -> memref<5120x128xf32, #tpu.memory_space<hbm>>
      %dma_wait3A_130 = arith.constant 0 : i32
      %dma_wait3A_131 = tpu.memref_slice %dma_wait3A_129[%mul3A_118, %dma_wait3A_130] : memref<5120x128xf32, #tpu.memory_space<hbm>> -> memref<320x128xf32, #tpu.memory_space<hbm>>
      %dma_wait3A_132 = arith.constant 0 : i32
      %dma_wait3A_133 = tpu.memref_slice %arg12[%mul3A_116, %dma_wait3A_132] : memref<5120x128xf32, #tpu.memory_space<vmem_shared>> -> memref<320x128xf32, #tpu.memory_space<vmem_shared>>
      tpu.wait_dma2 semaphore(%run_scoped3A_119 : memref<!tpu.dma_semaphore, #tpu.memory_space<semaphore_mem>>) src(%dma_wait3A_133 : memref<320x128xf32, #tpu.memory_space<vmem_shared>>) dst(%dma_wait3A_131 : memref<320x128xf32, #tpu.memory_space<hbm>>)
      tpu.yield
    }) : () -> ()
    return
  }
}

#map = affine_map<(d0, d1) -> (0, 0, 0)>
#map1 = affine_map<(d0, d1) -> (0, 0)>
module attributes {stable_mosaic.version = 14 : i64} {
  func.func @_prep_sc(%arg0: i32, %arg1: i32, %arg2: memref<32x80x128xi32, #tpu.memory_space<hbm>>, %arg3: memref<32x80x128xi32, #tpu.memory_space<hbm>>, %arg4: memref<32x10112xf32, #tpu.memory_space<hbm>>, %arg5: memref<32x2x10240xi32, #tpu.memory_space<hbm>>, %arg6: memref<32x2x10240xi32, #tpu.memory_space<hbm>>, %arg7: memref<32x16xi32, #tpu.memory_space<hbm>>, %arg8: memref<80x128xi32, #tpu.memory_space<vmem>>, %arg9: memref<80x128xi32, #tpu.memory_space<vmem>>, %arg10: memref<10112xf32, #tpu.memory_space<vmem>>, %arg11: memref<10240xi32, #tpu.memory_space<vmem>>, %arg12: memref<10240xi32, #tpu.memory_space<vmem>>, %arg13: memref<10240xi32, #tpu.memory_space<vmem>>, %arg14: memref<10240xi32, #tpu.memory_space<vmem>>, %arg15: memref<16xi32, #tpu.memory_space<vmem>>, %arg16: memref<2xi32, #tpu.memory_space<smem>>) attributes {dimension_semantics = [#tpu.dimension_semantics<core_parallel>, #tpu.dimension_semantics<subcore_parallel>], iteration_bounds = array<i64: 2, 16>, scalar_prefetch = 0 : i64, scratch_operands = 9 : i64, tpu.core_type = #tpu.core_type<sc_vector_subcore>, window_params = [{transform_indices = #map}, {transform_indices = #map}, {transform_indices = #map1}, {transform_indices = #map}, {transform_indices = #map}, {transform_indices = #map1}]} {
    %mul3A = arith.constant 16 : i32
    %mul3A_0 = arith.muli %arg0, %mul3A : i32
    %add3A = arith.addi %mul3A_0, %arg1 : i32
    "tpu.region"() ({
      %run_scoped3A_188 = tpu.sem_alloc : memref<!tpu.dma_semaphore, #tpu.memory_space<semaphore_mem>>
      %dma_start3A = arith.constant 0 : i32
      %dma_start3A_189 = arith.constant 0 : i32
      %dma_start3A_190 = tpu.memref_slice %arg2[%add3A, %dma_start3A, %dma_start3A_189] : memref<32x80x128xi32, #tpu.memory_space<hbm>> -> memref<1x80x128xi32, #tpu.memory_space<hbm>>
      %dma_start3A_191 = tpu.memref_squeeze %dma_start3A_190 : memref<1x80x128xi32, #tpu.memory_space<hbm>> -> memref<80x128xi32, #tpu.memory_space<hbm>>
      %dma_start3A_192 = arith.constant 0 : i32
      %dma_start3A_193 = arith.constant 0 : i32
      %dma_start3A_194 = tpu.memref_slice %arg2[%add3A, %dma_start3A_192, %dma_start3A_193] : memref<32x80x128xi32, #tpu.memory_space<hbm>> -> memref<1x80x128xi32, #tpu.memory_space<hbm>>
      %dma_start3A_195 = tpu.memref_squeeze %dma_start3A_194 : memref<1x80x128xi32, #tpu.memory_space<hbm>> -> memref<80x128xi32, #tpu.memory_space<hbm>>
      tpu.enqueue_dma source(%dma_start3A_195 : memref<80x128xi32, #tpu.memory_space<hbm>>) target(%arg8 : memref<80x128xi32, #tpu.memory_space<vmem>>) target_semaphore(%run_scoped3A_188 : memref<!tpu.dma_semaphore, #tpu.memory_space<semaphore_mem>>)
      %dma_wait3A = arith.constant 0 : i32
      %dma_wait3A_196 = arith.constant 0 : i32
      %dma_wait3A_197 = tpu.memref_slice %arg2[%add3A, %dma_wait3A, %dma_wait3A_196] : memref<32x80x128xi32, #tpu.memory_space<hbm>> -> memref<1x80x128xi32, #tpu.memory_space<hbm>>
      %dma_wait3A_198 = tpu.memref_squeeze %dma_wait3A_197 : memref<1x80x128xi32, #tpu.memory_space<hbm>> -> memref<80x128xi32, #tpu.memory_space<hbm>>
      %dma_wait3A_199 = arith.constant 0 : i32
      %dma_wait3A_200 = arith.constant 0 : i32
      %dma_wait3A_201 = tpu.memref_slice %arg2[%add3A, %dma_wait3A_199, %dma_wait3A_200] : memref<32x80x128xi32, #tpu.memory_space<hbm>> -> memref<1x80x128xi32, #tpu.memory_space<hbm>>
      %dma_wait3A_202 = tpu.memref_squeeze %dma_wait3A_201 : memref<1x80x128xi32, #tpu.memory_space<hbm>> -> memref<80x128xi32, #tpu.memory_space<hbm>>
      tpu.wait_dma2 semaphore(%run_scoped3A_188 : memref<!tpu.dma_semaphore, #tpu.memory_space<semaphore_mem>>) src(%dma_wait3A_202 : memref<80x128xi32, #tpu.memory_space<hbm>>) dst(%arg8 : memref<80x128xi32, #tpu.memory_space<vmem>>)
      tpu.yield
    }) : () -> ()
    "tpu.region"() ({
      %run_scoped3A_188 = tpu.sem_alloc : memref<!tpu.dma_semaphore, #tpu.memory_space<semaphore_mem>>
      %dma_start3A = arith.constant 0 : i32
      %dma_start3A_189 = arith.constant 0 : i32
      %dma_start3A_190 = tpu.memref_slice %arg3[%add3A, %dma_start3A, %dma_start3A_189] : memref<32x80x128xi32, #tpu.memory_space<hbm>> -> memref<1x80x128xi32, #tpu.memory_space<hbm>>
      %dma_start3A_191 = tpu.memref_squeeze %dma_start3A_190 : memref<1x80x128xi32, #tpu.memory_space<hbm>> -> memref<80x128xi32, #tpu.memory_space<hbm>>
      %dma_start3A_192 = arith.constant 0 : i32
      %dma_start3A_193 = arith.constant 0 : i32
      %dma_start3A_194 = tpu.memref_slice %arg3[%add3A, %dma_start3A_192, %dma_start3A_193] : memref<32x80x128xi32, #tpu.memory_space<hbm>> -> memref<1x80x128xi32, #tpu.memory_space<hbm>>
      %dma_start3A_195 = tpu.memref_squeeze %dma_start3A_194 : memref<1x80x128xi32, #tpu.memory_space<hbm>> -> memref<80x128xi32, #tpu.memory_space<hbm>>
      tpu.enqueue_dma source(%dma_start3A_195 : memref<80x128xi32, #tpu.memory_space<hbm>>) target(%arg9 : memref<80x128xi32, #tpu.memory_space<vmem>>) target_semaphore(%run_scoped3A_188 : memref<!tpu.dma_semaphore, #tpu.memory_space<semaphore_mem>>)
      %dma_wait3A = arith.constant 0 : i32
      %dma_wait3A_196 = arith.constant 0 : i32
      %dma_wait3A_197 = tpu.memref_slice %arg3[%add3A, %dma_wait3A, %dma_wait3A_196] : memref<32x80x128xi32, #tpu.memory_space<hbm>> -> memref<1x80x128xi32, #tpu.memory_space<hbm>>
      %dma_wait3A_198 = tpu.memref_squeeze %dma_wait3A_197 : memref<1x80x128xi32, #tpu.memory_space<hbm>> -> memref<80x128xi32, #tpu.memory_space<hbm>>
      %dma_wait3A_199 = arith.constant 0 : i32
      %dma_wait3A_200 = arith.constant 0 : i32
      %dma_wait3A_201 = tpu.memref_slice %arg3[%add3A, %dma_wait3A_199, %dma_wait3A_200] : memref<32x80x128xi32, #tpu.memory_space<hbm>> -> memref<1x80x128xi32, #tpu.memory_space<hbm>>
      %dma_wait3A_202 = tpu.memref_squeeze %dma_wait3A_201 : memref<1x80x128xi32, #tpu.memory_space<hbm>> -> memref<80x128xi32, #tpu.memory_space<hbm>>
      tpu.wait_dma2 semaphore(%run_scoped3A_188 : memref<!tpu.dma_semaphore, #tpu.memory_space<semaphore_mem>>) src(%dma_wait3A_202 : memref<80x128xi32, #tpu.memory_space<hbm>>) dst(%arg9 : memref<80x128xi32, #tpu.memory_space<vmem>>)
      tpu.yield
    }) : () -> ()
    %scan3A = arith.constant 0 : i32
    %scan3A_1 = arith.constant 632 : i32
    %scan3A_2 = arith.addi %scan3A, %scan3A_1 : i32
    %scan3A_3 = arith.constant 1 : i32
    scf.for %scan3A_188 = %scan3A to %scan3A_2 step %scan3A_3  : i32 {
      %mul3A_189 = arith.constant 16 : i32
      %mul3A_190 = arith.muli %scan3A_188, %mul3A_189 : i32
      %add3A_191 = arith.constant 0 : i32
      %add3A_192 = arith.addi %add3A_191, %mul3A_190 : i32
      %broadcast_in_dim3A_193 = arith.constant 0.000000e+00 : f32
      %broadcast_in_dim3A_194 = vector.broadcast %broadcast_in_dim3A_193 : f32 to vector<16xf32>
      %swap3A_195 = arith.index_cast %add3A_192 : i32 to index
      %swap3A_196 = tpu.vector_load %arg10[%swap3A_195] {strides = array<i32>} : memref<10112xf32, #tpu.memory_space<vmem>>, vector<16xf32>,
      tpu.vector_store %arg10[%swap3A_195], %broadcast_in_dim3A_194 {strides = array<i32>} : memref<10112xf32, #tpu.memory_space<vmem>>, vector<16xf32>,
    }
    %scan3A_4 = arith.constant 632 : i32
    %swap3A = arith.constant 0 : i32
    %swap3A_5 = arith.constant 0 : i32
    %swap3A_6 = arith.index_cast %swap3A_5 : i32 to index
    %swap3A_7 = memref.load %arg16[%swap3A_6] : memref<2xi32, #tpu.memory_space<smem>>
    memref.store %swap3A, %arg16[%swap3A_6] : memref<2xi32, #tpu.memory_space<smem>>
    %swap3A_8 = arith.constant 0 : i32
    %swap3A_9 = arith.constant 1 : i32
    %swap3A_10 = arith.index_cast %swap3A_9 : i32 to index
    %swap3A_11 = memref.load %arg16[%swap3A_10] : memref<2xi32, #tpu.memory_space<smem>>
    memref.store %swap3A_8, %arg16[%swap3A_10] : memref<2xi32, #tpu.memory_space<smem>>
    %broadcast_in_dim3A = arith.constant 1.000000e+00 : f32
    %broadcast_in_dim3A_12 = vector.broadcast %broadcast_in_dim3A : f32 to vector<16xf32>
    %scan3A_13 = arith.constant 0 : i32
    %scan3A_14 = arith.constant 80 : i32
    %scan3A_15 = arith.addi %scan3A_13, %scan3A_14 : i32
    %scan3A_16 = arith.constant 1 : i32
    scf.for %scan3A_188 = %scan3A_13 to %scan3A_15 step %scan3A_16  : i32 {
      %mul3A_189 = arith.constant 1 : i32
      %mul3A_190 = arith.muli %scan3A_188, %mul3A_189 : i32
      %add3A_191 = arith.constant 0 : i32
      %add3A_192 = arith.addi %add3A_191, %mul3A_190 : i32
      %scan3A_193 = arith.constant 0 : i32
      %scan3A_194 = arith.constant 8 : i32
      %scan3A_195 = arith.addi %scan3A_193, %scan3A_194 : i32
      %scan3A_196 = arith.constant 1 : i32
      scf.for %scan3A_198 = %scan3A_193 to %scan3A_195 step %scan3A_196  : i32 {
        %mul3A_199 = arith.constant 16 : i32
        %mul3A_200 = arith.muli %scan3A_198, %mul3A_199 : i32
        %add3A_201 = arith.constant 0 : i32
        %add3A_202 = arith.addi %add3A_201, %mul3A_200 : i32
        %get3A_203 = arith.index_cast %add3A_192 : i32 to index
        %get3A_204 = arith.index_cast %add3A_202 : i32 to index
        %get3A_205 = tpu.vector_load %arg9[%get3A_203, %get3A_204] {strides = array<i32>} : memref<80x128xi32, #tpu.memory_space<vmem>>, vector<16xi32>,
        %get3A_206 = arith.index_cast %add3A_192 : i32 to index
        %get3A_207 = arith.index_cast %add3A_202 : i32 to index
        %get3A_208 = tpu.vector_load %arg8[%get3A_206, %get3A_207] {strides = array<i32>} : memref<80x128xi32, #tpu.memory_space<vmem>>, vector<16xi32>,
        tpu.vector_store_idx %arg10[%get3A_205], %broadcast_in_dim3A_12 {add = true} : memref<10112xf32, #tpu.memory_space<vmem>>[vector<16xi32>], vector<16xf32>,
        %ge3A = arith.constant 5056 : i32
        %ge3A_209 = vector.broadcast %ge3A : i32 to vector<16xi32>
        %ge3A_210 = arith.cmpi sge, %get3A_205, %ge3A_209 : vector<16xi32>
        %lt3A = arith.constant 10000 : i32
        %lt3A_211 = vector.broadcast %lt3A : i32 to vector<16xi32>
        %lt3A_212 = arith.cmpi slt, %get3A_205, %lt3A_211 : vector<16xi32>
        %not3A = arith.constant dense<true> : vector<16xi1>
        %not3A_213 = arith.xori %ge3A_210, %not3A : vector<16xi1>
        %sub3A_214 = arith.constant 0 : i32
        %sub3A_215 = vector.broadcast %sub3A_214 : i32 to vector<16xi32>
        %sub3A_216 = arith.subi %get3A_205, %sub3A_215 : vector<16xi32>
        %get3A_217 = arith.constant 0 : i32
        %get3A_218 = arith.index_cast %get3A_217 : i32 to index
        %get3A_219 = memref.load %arg16[%get3A_218] : memref<2xi32, #tpu.memory_space<smem>>
        %swap3A_220 = arith.index_cast %get3A_219 : i32 to index
        %swap3A_221 = tpu.vector_load %arg11[%swap3A_220] masked %not3A_213 {strides = array<i32>} : memref<10240xi32, #tpu.memory_space<vmem>>, vector<16xi32>, vector<16xi1>
        tpu.vector_store %arg11[%swap3A_220], %get3A_208 masked %not3A_213 {strides = array<i32>} : memref<10240xi32, #tpu.memory_space<vmem>>, vector<16xi32>, vector<16xi1>
        %swap3A_222 = arith.index_cast %get3A_219 : i32 to index
        %swap3A_223 = tpu.vector_load %arg13[%swap3A_222] masked %not3A_213 {strides = array<i32>} : memref<10240xi32, #tpu.memory_space<vmem>>, vector<16xi32>, vector<16xi1>
        tpu.vector_store %arg13[%swap3A_222], %sub3A_216 masked %not3A_213 {strides = array<i32>} : memref<10240xi32, #tpu.memory_space<vmem>>, vector<16xi32>, vector<16xi1>
        %convert_element_type3A = arith.extui %not3A_213 : vector<16xi1> to vector<16xi32>
        %reduce_sum3A = arith.constant true
        %reduce_sum3A_224 = vector.broadcast %reduce_sum3A : i1 to vector<16xi1>
        %reduce_sum3A_225 = tpu.scan <sum>, %convert_element_type3A masked %reduce_sum3A_224 : vector<16xi32>, vector<16xi1> -> vector<16xi32>
        %reduce_sum3A_226 = vector.extract %reduce_sum3A_225[15] : i32 from vector<16xi32>
        %add3A_227 = arith.addi %get3A_219, %reduce_sum3A_226 : i32
        %swap3A_228 = arith.constant 0 : i32
        %swap3A_229 = arith.index_cast %swap3A_228 : i32 to index
        %swap3A_230 = memref.load %arg16[%swap3A_229] : memref<2xi32, #tpu.memory_space<smem>>
        memref.store %add3A_227, %arg16[%swap3A_229] : memref<2xi32, #tpu.memory_space<smem>>
        %and3A_231 = arith.andi %ge3A_210, %lt3A_212 : vector<16xi1>
        %sub3A_232 = arith.constant 5056 : i32
        %sub3A_233 = vector.broadcast %sub3A_232 : i32 to vector<16xi32>
        %sub3A_234 = arith.subi %get3A_205, %sub3A_233 : vector<16xi32>
        %get3A_235 = arith.constant 1 : i32
        %get3A_236 = arith.index_cast %get3A_235 : i32 to index
        %get3A_237 = memref.load %arg16[%get3A_236] : memref<2xi32, #tpu.memory_space<smem>>
        %swap3A_238 = arith.index_cast %get3A_237 : i32 to index
        %swap3A_239 = tpu.vector_load %arg12[%swap3A_238] masked %and3A_231 {strides = array<i32>} : memref<10240xi32, #tpu.memory_space<vmem>>, vector<16xi32>, vector<16xi1>
        tpu.vector_store %arg12[%swap3A_238], %get3A_208 masked %and3A_231 {strides = array<i32>} : memref<10240xi32, #tpu.memory_space<vmem>>, vector<16xi32>, vector<16xi1>
        %swap3A_240 = arith.index_cast %get3A_237 : i32 to index
        %swap3A_241 = tpu.vector_load %arg14[%swap3A_240] masked %and3A_231 {strides = array<i32>} : memref<10240xi32, #tpu.memory_space<vmem>>, vector<16xi32>, vector<16xi1>
        tpu.vector_store %arg14[%swap3A_240], %sub3A_234 masked %and3A_231 {strides = array<i32>} : memref<10240xi32, #tpu.memory_space<vmem>>, vector<16xi32>, vector<16xi1>
        %convert_element_type3A_242 = arith.extui %and3A_231 : vector<16xi1> to vector<16xi32>
        %reduce_sum3A_243 = arith.constant true
        %reduce_sum3A_244 = vector.broadcast %reduce_sum3A_243 : i1 to vector<16xi1>
        %reduce_sum3A_245 = tpu.scan <sum>, %convert_element_type3A_242 masked %reduce_sum3A_244 : vector<16xi32>, vector<16xi1> -> vector<16xi32>
        %reduce_sum3A_246 = vector.extract %reduce_sum3A_245[15] : i32 from vector<16xi32>
        %add3A_247 = arith.addi %get3A_237, %reduce_sum3A_246 : i32
        %swap3A_248 = arith.constant 1 : i32
        %swap3A_249 = arith.index_cast %swap3A_248 : i32 to index
        %swap3A_250 = memref.load %arg16[%swap3A_249] : memref<2xi32, #tpu.memory_space<smem>>
        memref.store %add3A_247, %arg16[%swap3A_249] : memref<2xi32, #tpu.memory_space<smem>>
      }
      %scan3A_197 = arith.constant 8 : i32
    }
    %scan3A_17 = arith.constant 80 : i32
    "tpu.region"() ({
      %run_scoped3A_188 = tpu.sem_alloc : memref<!tpu.dma_semaphore, #tpu.memory_space<semaphore_mem>>
      %dma_start3A = arith.constant 0 : i32
      %dma_start3A_189 = tpu.memref_slice %arg4[%add3A, %dma_start3A] : memref<32x10112xf32, #tpu.memory_space<hbm>> -> memref<1x10112xf32, #tpu.memory_space<hbm>>
      %dma_start3A_190 = tpu.memref_squeeze %dma_start3A_189 : memref<1x10112xf32, #tpu.memory_space<hbm>> -> memref<10112xf32, #tpu.memory_space<hbm>>
      %dma_start3A_191 = arith.constant 0 : i32
      %dma_start3A_192 = tpu.memref_slice %arg4[%add3A, %dma_start3A_191] : memref<32x10112xf32, #tpu.memory_space<hbm>> -> memref<1x10112xf32, #tpu.memory_space<hbm>>
      %dma_start3A_193 = tpu.memref_squeeze %dma_start3A_192 : memref<1x10112xf32, #tpu.memory_space<hbm>> -> memref<10112xf32, #tpu.memory_space<hbm>>
      tpu.enqueue_dma source(%arg10 : memref<10112xf32, #tpu.memory_space<vmem>>) target(%dma_start3A_193 : memref<10112xf32, #tpu.memory_space<hbm>>) target_semaphore(%run_scoped3A_188 : memref<!tpu.dma_semaphore, #tpu.memory_space<semaphore_mem>>)
      %dma_wait3A = arith.constant 0 : i32
      %dma_wait3A_194 = tpu.memref_slice %arg4[%add3A, %dma_wait3A] : memref<32x10112xf32, #tpu.memory_space<hbm>> -> memref<1x10112xf32, #tpu.memory_space<hbm>>
      %dma_wait3A_195 = tpu.memref_squeeze %dma_wait3A_194 : memref<1x10112xf32, #tpu.memory_space<hbm>> -> memref<10112xf32, #tpu.memory_space<hbm>>
      %dma_wait3A_196 = arith.constant 0 : i32
      %dma_wait3A_197 = tpu.memref_slice %arg4[%add3A, %dma_wait3A_196] : memref<32x10112xf32, #tpu.memory_space<hbm>> -> memref<1x10112xf32, #tpu.memory_space<hbm>>
      %dma_wait3A_198 = tpu.memref_squeeze %dma_wait3A_197 : memref<1x10112xf32, #tpu.memory_space<hbm>> -> memref<10112xf32, #tpu.memory_space<hbm>>
      tpu.wait_dma2 semaphore(%run_scoped3A_188 : memref<!tpu.dma_semaphore, #tpu.memory_space<semaphore_mem>>) src(%arg10 : memref<10112xf32, #tpu.memory_space<vmem>>) dst(%dma_wait3A_198 : memref<10112xf32, #tpu.memory_space<hbm>>)
      tpu.yield
    }) : () -> ()
    %iota3A = tpu.iota {dimensions = array<i32: 0>} : vector<16xi32>
    %add3A_18 = arith.constant 5056 : i32
    %add3A_19 = vector.broadcast %add3A_18 : i32 to vector<16xi32>
    %add3A_20 = arith.addi %add3A_19, %iota3A : vector<16xi32>
    %get3A = arith.constant 0 : i32
    %get3A_21 = arith.index_cast %get3A : i32 to index
    %get3A_22 = memref.load %arg16[%get3A_21] : memref<2xi32, #tpu.memory_space<smem>>
    %add3A_23 = arith.constant 128 : i32
    %add3A_24 = arith.addi %get3A_22, %add3A_23 : i32
    %sub3A = arith.constant 1 : i32
    %sub3A_25 = arith.subi %add3A_24, %sub3A : i32
    %jit3A = arith.constant 128 : i32
    %div3A = arith.divsi %sub3A_25, %jit3A : i32
    %sign3A = arith.constant 0 : i32
    %sign3A_26 = arith.cmpi sgt, %sub3A_25, %sign3A : i32
    %sign3A_27 = arith.extui %sign3A_26 : i1 to i32
    %sign3A_28 = arith.constant 0 : i32
    %sign3A_29 = arith.cmpi slt, %sub3A_25, %sign3A_28 : i32
    %sign3A_30 = arith.extui %sign3A_29 : i1 to i32
    %sign3A_31 = arith.subi %sign3A_27, %sign3A_30 : i32
    %sign3A_32 = arith.constant 0 : i32
    %sign3A_33 = arith.cmpi sgt, %jit3A, %sign3A_32 : i32
    %sign3A_34 = arith.extui %sign3A_33 : i1 to i32
    %sign3A_35 = arith.constant 0 : i32
    %sign3A_36 = arith.cmpi slt, %jit3A, %sign3A_35 : i32
    %sign3A_37 = arith.extui %sign3A_36 : i1 to i32
    %sign3A_38 = arith.subi %sign3A_34, %sign3A_37 : i32
    %ne3A = arith.cmpi ne, %sign3A_31, %sign3A_38 : i32
    %rem3A = arith.remsi %sub3A_25, %jit3A : i32
    %ne3A_39 = arith.constant 0 : i32
    %ne3A_40 = arith.cmpi ne, %rem3A, %ne3A_39 : i32
    %and3A = arith.andi %ne3A, %ne3A_40 : i1
    %sub3A_41 = arith.constant 1 : i32
    %sub3A_42 = arith.subi %div3A, %sub3A_41 : i32
    %select_n3A = arith.select %and3A, %sub3A_42, %div3A : i32
    %mul3A_43 = arith.constant 128 : i32
    %mul3A_44 = arith.muli %select_n3A, %mul3A_43 : i32
    %sub3A_45 = arith.subi %mul3A_44, %get3A_22 : i32
    %sub3A_46 = arith.constant 16 : i32
    %sub3A_47 = arith.constant 1 : i32
    %sub3A_48 = arith.subi %sub3A_46, %sub3A_47 : i32
    %add3A_49 = arith.addi %sub3A_45, %sub3A_48 : i32
    %div3A_50 = arith.constant 16 : i32
    %div3A_51 = arith.divsi %add3A_49, %div3A_50 : i32
    %while3A = arith.constant 16 : i32
    %while3A_52 = arith.constant 0 : i32
    %while3A_53 = arith.subi %div3A_51, %while3A_52 : i32
    %while3A_54 = arith.addi %while3A_52, %while3A_53 : i32
    %while3A_55 = arith.constant 1 : i32
    %while3A_56 = arith.divsi %while3A_53, %while3A_55 : i32
    %while3A_57 = arith.muli %while3A_56, %while3A_55 : i32
    %while3A_58 = arith.addi %while3A_52, %while3A_57 : i32
    %while3A_59 = arith.constant 1 : i32
    scf.for %while3A_188 = %while3A_52 to %while3A_58 step %while3A_59  : i32 {
      %mul3A_189 = arith.muli %while3A_188, %while3A : i32
      %add3A_190 = arith.addi %get3A_22, %mul3A_189 : i32
      %jit3A_191 = arith.constant 16 : i32
      %div3A_192 = arith.divsi %add3A_190, %jit3A_191 : i32
      %sign3A_193 = arith.constant 0 : i32
      %sign3A_194 = arith.cmpi sgt, %add3A_190, %sign3A_193 : i32
      %sign3A_195 = arith.extui %sign3A_194 : i1 to i32
      %sign3A_196 = arith.constant 0 : i32
      %sign3A_197 = arith.cmpi slt, %add3A_190, %sign3A_196 : i32
      %sign3A_198 = arith.extui %sign3A_197 : i1 to i32
      %sign3A_199 = arith.subi %sign3A_195, %sign3A_198 : i32
      %sign3A_200 = arith.constant 0 : i32
      %sign3A_201 = arith.cmpi sgt, %jit3A_191, %sign3A_200 : i32
      %sign3A_202 = arith.extui %sign3A_201 : i1 to i32
      %sign3A_203 = arith.constant 0 : i32
      %sign3A_204 = arith.cmpi slt, %jit3A_191, %sign3A_203 : i32
      %sign3A_205 = arith.extui %sign3A_204 : i1 to i32
      %sign3A_206 = arith.subi %sign3A_202, %sign3A_205 : i32
      %ne3A_207 = arith.cmpi ne, %sign3A_199, %sign3A_206 : i32
      %rem3A_208 = arith.remsi %add3A_190, %jit3A_191 : i32
      %ne3A_209 = arith.constant 0 : i32
      %ne3A_210 = arith.cmpi ne, %rem3A_208, %ne3A_209 : i32
      %and3A_211 = arith.andi %ne3A_207, %ne3A_210 : i1
      %sub3A_212 = arith.constant 1 : i32
      %sub3A_213 = arith.subi %div3A_192, %sub3A_212 : i32
      %select_n3A_214 = arith.select %and3A_211, %sub3A_213, %div3A_192 : i32
      %jit3A_215 = arith.constant 4 : i32
      %eq3A_216 = arith.constant 0 : i32
      %eq3A_217 = arith.cmpi eq, %jit3A_215, %eq3A_216 : i32
      %jit3A_218 = arith.constant 1 : i32
      %select_n3A_219 = arith.select %eq3A_217, %jit3A_218, %jit3A_215 : i32
      %rem3A_220 = arith.remsi %select_n3A_214, %select_n3A_219 : i32
      %ne3A_221 = arith.constant 0 : i32
      %ne3A_222 = arith.cmpi ne, %rem3A_220, %ne3A_221 : i32
      %lt3A = arith.constant 0 : i32
      %lt3A_223 = arith.cmpi slt, %rem3A_220, %lt3A : i32
      %lt3A_224 = arith.constant 0 : i32
      %lt3A_225 = arith.cmpi slt, %select_n3A_219, %lt3A_224 : i32
      %ne3A_226 = arith.xori %lt3A_223, %lt3A_225 : i1
      %and3A_227 = arith.andi %ne3A_226, %ne3A_222 : i1
      %add3A_228 = arith.addi %rem3A_220, %select_n3A_219 : i32
      %select_n3A_229 = arith.select %and3A_227, %add3A_228, %rem3A_220 : i32
      %mul3A_230 = arith.constant 16 : i32
      %mul3A_231 = arith.muli %select_n3A_229, %mul3A_230 : i32
      %add3A_232 = vector.broadcast %mul3A_231 : i32 to vector<16xi32>
      %add3A_233 = arith.addi %iota3A, %add3A_232 : vector<16xi32>
      %swap3A_234 = arith.index_cast %add3A_190 : i32 to index
      %swap3A_235 = tpu.vector_load %arg11[%swap3A_234] {strides = array<i32>} : memref<10240xi32, #tpu.memory_space<vmem>>, vector<16xi32>,
      tpu.vector_store %arg11[%swap3A_234], %add3A_233 {strides = array<i32>} : memref<10240xi32, #tpu.memory_space<vmem>>, vector<16xi32>,
      %add3A_236 = vector.broadcast %mul3A_231 : i32 to vector<16xi32>
      %add3A_237 = arith.addi %add3A_20, %add3A_236 : vector<16xi32>
      %swap3A_238 = arith.index_cast %add3A_190 : i32 to index
      %swap3A_239 = tpu.vector_load %arg13[%swap3A_238] {strides = array<i32>} : memref<10240xi32, #tpu.memory_space<vmem>>, vector<16xi32>,
      tpu.vector_store %arg13[%swap3A_238], %add3A_237 {strides = array<i32>} : memref<10240xi32, #tpu.memory_space<vmem>>, vector<16xi32>,
    }
    %while3A_60 = arith.constant 1 : i32
    scf.for %while3A_188 = %while3A_58 to %while3A_54 step %while3A_60  : i32 {
      %mul3A_189 = arith.muli %while3A_188, %while3A : i32
      %add3A_190 = arith.addi %get3A_22, %mul3A_189 : i32
      %jit3A_191 = arith.constant 16 : i32
      %div3A_192 = arith.divsi %add3A_190, %jit3A_191 : i32
      %sign3A_193 = arith.constant 0 : i32
      %sign3A_194 = arith.cmpi sgt, %add3A_190, %sign3A_193 : i32
      %sign3A_195 = arith.extui %sign3A_194 : i1 to i32
      %sign3A_196 = arith.constant 0 : i32
      %sign3A_197 = arith.cmpi slt, %add3A_190, %sign3A_196 : i32
      %sign3A_198 = arith.extui %sign3A_197 : i1 to i32
      %sign3A_199 = arith.subi %sign3A_195, %sign3A_198 : i32
      %sign3A_200 = arith.constant 0 : i32
      %sign3A_201 = arith.cmpi sgt, %jit3A_191, %sign3A_200 : i32
      %sign3A_202 = arith.extui %sign3A_201 : i1 to i32
      %sign3A_203 = arith.constant 0 : i32
      %sign3A_204 = arith.cmpi slt, %jit3A_191, %sign3A_203 : i32
      %sign3A_205 = arith.extui %sign3A_204 : i1 to i32
      %sign3A_206 = arith.subi %sign3A_202, %sign3A_205 : i32
      %ne3A_207 = arith.cmpi ne, %sign3A_199, %sign3A_206 : i32
      %rem3A_208 = arith.remsi %add3A_190, %jit3A_191 : i32
      %ne3A_209 = arith.constant 0 : i32
      %ne3A_210 = arith.cmpi ne, %rem3A_208, %ne3A_209 : i32
      %and3A_211 = arith.andi %ne3A_207, %ne3A_210 : i1
      %sub3A_212 = arith.constant 1 : i32
      %sub3A_213 = arith.subi %div3A_192, %sub3A_212 : i32
      %select_n3A_214 = arith.select %and3A_211, %sub3A_213, %div3A_192 : i32
      %jit3A_215 = arith.constant 4 : i32
      %eq3A_216 = arith.constant 0 : i32
      %eq3A_217 = arith.cmpi eq, %jit3A_215, %eq3A_216 : i32
      %jit3A_218 = arith.constant 1 : i32
      %select_n3A_219 = arith.select %eq3A_217, %jit3A_218, %jit3A_215 : i32
      %rem3A_220 = arith.remsi %select_n3A_214, %select_n3A_219 : i32
      %ne3A_221 = arith.constant 0 : i32
      %ne3A_222 = arith.cmpi ne, %rem3A_220, %ne3A_221 : i32
      %lt3A = arith.constant 0 : i32
      %lt3A_223 = arith.cmpi slt, %rem3A_220, %lt3A : i32
      %lt3A_224 = arith.constant 0 : i32
      %lt3A_225 = arith.cmpi slt, %select_n3A_219, %lt3A_224 : i32
      %ne3A_226 = arith.xori %lt3A_223, %lt3A_225 : i1
      %and3A_227 = arith.andi %ne3A_226, %ne3A_222 : i1
      %add3A_228 = arith.addi %rem3A_220, %select_n3A_219 : i32
      %select_n3A_229 = arith.select %and3A_227, %add3A_228, %rem3A_220 : i32
      %mul3A_230 = arith.constant 16 : i32
      %mul3A_231 = arith.muli %select_n3A_229, %mul3A_230 : i32
      %add3A_232 = vector.broadcast %mul3A_231 : i32 to vector<16xi32>
      %add3A_233 = arith.addi %iota3A, %add3A_232 : vector<16xi32>
      %swap3A_234 = arith.index_cast %add3A_190 : i32 to index
      %swap3A_235 = tpu.vector_load %arg11[%swap3A_234] {strides = array<i32>} : memref<10240xi32, #tpu.memory_space<vmem>>, vector<16xi32>,
      tpu.vector_store %arg11[%swap3A_234], %add3A_233 {strides = array<i32>} : memref<10240xi32, #tpu.memory_space<vmem>>, vector<16xi32>,
      %add3A_236 = vector.broadcast %mul3A_231 : i32 to vector<16xi32>
      %add3A_237 = arith.addi %add3A_20, %add3A_236 : vector<16xi32>
      %swap3A_238 = arith.index_cast %add3A_190 : i32 to index
      %swap3A_239 = tpu.vector_load %arg13[%swap3A_238] {strides = array<i32>} : memref<10240xi32, #tpu.memory_space<vmem>>, vector<16xi32>,
      tpu.vector_store %arg13[%swap3A_238], %add3A_237 {strides = array<i32>} : memref<10240xi32, #tpu.memory_space<vmem>>, vector<16xi32>,
    }
    %jit3A_61 = arith.constant 128 : i32
    %div3A_62 = arith.divsi %mul3A_44, %jit3A_61 : i32
    %sign3A_63 = arith.constant 0 : i32
    %sign3A_64 = arith.cmpi sgt, %mul3A_44, %sign3A_63 : i32
    %sign3A_65 = arith.extui %sign3A_64 : i1 to i32
    %sign3A_66 = arith.constant 0 : i32
    %sign3A_67 = arith.cmpi slt, %mul3A_44, %sign3A_66 : i32
    %sign3A_68 = arith.extui %sign3A_67 : i1 to i32
    %sign3A_69 = arith.subi %sign3A_65, %sign3A_68 : i32
    %sign3A_70 = arith.constant 0 : i32
    %sign3A_71 = arith.cmpi sgt, %jit3A_61, %sign3A_70 : i32
    %sign3A_72 = arith.extui %sign3A_71 : i1 to i32
    %sign3A_73 = arith.constant 0 : i32
    %sign3A_74 = arith.cmpi slt, %jit3A_61, %sign3A_73 : i32
    %sign3A_75 = arith.extui %sign3A_74 : i1 to i32
    %sign3A_76 = arith.subi %sign3A_72, %sign3A_75 : i32
    %ne3A_77 = arith.cmpi ne, %sign3A_69, %sign3A_76 : i32
    %rem3A_78 = arith.remsi %mul3A_44, %jit3A_61 : i32
    %ne3A_79 = arith.constant 0 : i32
    %ne3A_80 = arith.cmpi ne, %rem3A_78, %ne3A_79 : i32
    %and3A_81 = arith.andi %ne3A_77, %ne3A_80 : i1
    %sub3A_82 = arith.constant 1 : i32
    %sub3A_83 = arith.subi %div3A_62, %sub3A_82 : i32
    %select_n3A_84 = arith.select %and3A_81, %sub3A_83, %div3A_62 : i32
    %swap3A_85 = arith.constant 0 : i32
    %swap3A_86 = arith.index_cast %swap3A_85 : i32 to index
    %swap3A_87 = memref.load %arg16[%swap3A_86] : memref<2xi32, #tpu.memory_space<smem>>
    memref.store %select_n3A_84, %arg16[%swap3A_86] : memref<2xi32, #tpu.memory_space<smem>>
    %get3A_88 = arith.constant 1 : i32
    %get3A_89 = arith.index_cast %get3A_88 : i32 to index
    %get3A_90 = memref.load %arg16[%get3A_89] : memref<2xi32, #tpu.memory_space<smem>>
    %add3A_91 = arith.constant 128 : i32
    %add3A_92 = arith.addi %get3A_90, %add3A_91 : i32
    %sub3A_93 = arith.constant 1 : i32
    %sub3A_94 = arith.subi %add3A_92, %sub3A_93 : i32
    %jit3A_95 = arith.constant 128 : i32
    %div3A_96 = arith.divsi %sub3A_94, %jit3A_95 : i32
    %sign3A_97 = arith.constant 0 : i32
    %sign3A_98 = arith.cmpi sgt, %sub3A_94, %sign3A_97 : i32
    %sign3A_99 = arith.extui %sign3A_98 : i1 to i32
    %sign3A_100 = arith.constant 0 : i32
    %sign3A_101 = arith.cmpi slt, %sub3A_94, %sign3A_100 : i32
    %sign3A_102 = arith.extui %sign3A_101 : i1 to i32
    %sign3A_103 = arith.subi %sign3A_99, %sign3A_102 : i32
    %sign3A_104 = arith.constant 0 : i32
    %sign3A_105 = arith.cmpi sgt, %jit3A_95, %sign3A_104 : i32
    %sign3A_106 = arith.extui %sign3A_105 : i1 to i32
    %sign3A_107 = arith.constant 0 : i32
    %sign3A_108 = arith.cmpi slt, %jit3A_95, %sign3A_107 : i32
    %sign3A_109 = arith.extui %sign3A_108 : i1 to i32
    %sign3A_110 = arith.subi %sign3A_106, %sign3A_109 : i32
    %ne3A_111 = arith.cmpi ne, %sign3A_103, %sign3A_110 : i32
    %rem3A_112 = arith.remsi %sub3A_94, %jit3A_95 : i32
    %ne3A_113 = arith.constant 0 : i32
    %ne3A_114 = arith.cmpi ne, %rem3A_112, %ne3A_113 : i32
    %and3A_115 = arith.andi %ne3A_111, %ne3A_114 : i1
    %sub3A_116 = arith.constant 1 : i32
    %sub3A_117 = arith.subi %div3A_96, %sub3A_116 : i32
    %select_n3A_118 = arith.select %and3A_115, %sub3A_117, %div3A_96 : i32
    %mul3A_119 = arith.constant 128 : i32
    %mul3A_120 = arith.muli %select_n3A_118, %mul3A_119 : i32
    %sub3A_121 = arith.subi %mul3A_120, %get3A_90 : i32
    %sub3A_122 = arith.constant 16 : i32
    %sub3A_123 = arith.constant 1 : i32
    %sub3A_124 = arith.subi %sub3A_122, %sub3A_123 : i32
    %add3A_125 = arith.addi %sub3A_121, %sub3A_124 : i32
    %div3A_126 = arith.constant 16 : i32
    %div3A_127 = arith.divsi %add3A_125, %div3A_126 : i32
    %while3A_128 = arith.constant 16 : i32
    %while3A_129 = arith.constant 0 : i32
    %while3A_130 = arith.subi %div3A_127, %while3A_129 : i32
    %while3A_131 = arith.addi %while3A_129, %while3A_130 : i32
    %while3A_132 = arith.constant 1 : i32
    %while3A_133 = arith.divsi %while3A_130, %while3A_132 : i32
    %while3A_134 = arith.muli %while3A_133, %while3A_132 : i32
    %while3A_135 = arith.addi %while3A_129, %while3A_134 : i32
    %while3A_136 = arith.constant 1 : i32
    scf.for %while3A_188 = %while3A_129 to %while3A_135 step %while3A_136  : i32 {
      %mul3A_189 = arith.muli %while3A_188, %while3A_128 : i32
      %add3A_190 = arith.addi %get3A_90, %mul3A_189 : i32
      %jit3A_191 = arith.constant 16 : i32
      %div3A_192 = arith.divsi %add3A_190, %jit3A_191 : i32
      %sign3A_193 = arith.constant 0 : i32
      %sign3A_194 = arith.cmpi sgt, %add3A_190, %sign3A_193 : i32
      %sign3A_195 = arith.extui %sign3A_194 : i1 to i32
      %sign3A_196 = arith.constant 0 : i32
      %sign3A_197 = arith.cmpi slt, %add3A_190, %sign3A_196 : i32
      %sign3A_198 = arith.extui %sign3A_197 : i1 to i32
      %sign3A_199 = arith.subi %sign3A_195, %sign3A_198 : i32
      %sign3A_200 = arith.constant 0 : i32
      %sign3A_201 = arith.cmpi sgt, %jit3A_191, %sign3A_200 : i32
      %sign3A_202 = arith.extui %sign3A_201 : i1 to i32
      %sign3A_203 = arith.constant 0 : i32
      %sign3A_204 = arith.cmpi slt, %jit3A_191, %sign3A_203 : i32
      %sign3A_205 = arith.extui %sign3A_204 : i1 to i32
      %sign3A_206 = arith.subi %sign3A_202, %sign3A_205 : i32
      %ne3A_207 = arith.cmpi ne, %sign3A_199, %sign3A_206 : i32
      %rem3A_208 = arith.remsi %add3A_190, %jit3A_191 : i32
      %ne3A_209 = arith.constant 0 : i32
      %ne3A_210 = arith.cmpi ne, %rem3A_208, %ne3A_209 : i32
      %and3A_211 = arith.andi %ne3A_207, %ne3A_210 : i1
      %sub3A_212 = arith.constant 1 : i32
      %sub3A_213 = arith.subi %div3A_192, %sub3A_212 : i32
      %select_n3A_214 = arith.select %and3A_211, %sub3A_213, %div3A_192 : i32
      %jit3A_215 = arith.constant 4 : i32
      %eq3A_216 = arith.constant 0 : i32
      %eq3A_217 = arith.cmpi eq, %jit3A_215, %eq3A_216 : i32
      %jit3A_218 = arith.constant 1 : i32
      %select_n3A_219 = arith.select %eq3A_217, %jit3A_218, %jit3A_215 : i32
      %rem3A_220 = arith.remsi %select_n3A_214, %select_n3A_219 : i32
      %ne3A_221 = arith.constant 0 : i32
      %ne3A_222 = arith.cmpi ne, %rem3A_220, %ne3A_221 : i32
      %lt3A = arith.constant 0 : i32
      %lt3A_223 = arith.cmpi slt, %rem3A_220, %lt3A : i32
      %lt3A_224 = arith.constant 0 : i32
      %lt3A_225 = arith.cmpi slt, %select_n3A_219, %lt3A_224 : i32
      %ne3A_226 = arith.xori %lt3A_223, %lt3A_225 : i1
      %and3A_227 = arith.andi %ne3A_226, %ne3A_222 : i1
      %add3A_228 = arith.addi %rem3A_220, %select_n3A_219 : i32
      %select_n3A_229 = arith.select %and3A_227, %add3A_228, %rem3A_220 : i32
      %mul3A_230 = arith.constant 16 : i32
      %mul3A_231 = arith.muli %select_n3A_229, %mul3A_230 : i32
      %add3A_232 = vector.broadcast %mul3A_231 : i32 to vector<16xi32>
      %add3A_233 = arith.addi %iota3A, %add3A_232 : vector<16xi32>
      %swap3A_234 = arith.index_cast %add3A_190 : i32 to index
      %swap3A_235 = tpu.vector_load %arg12[%swap3A_234] {strides = array<i32>} : memref<10240xi32, #tpu.memory_space<vmem>>, vector<16xi32>,
      tpu.vector_store %arg12[%swap3A_234], %add3A_233 {strides = array<i32>} : memref<10240xi32, #tpu.memory_space<vmem>>, vector<16xi32>,
      %add3A_236 = vector.broadcast %mul3A_231 : i32 to vector<16xi32>
      %add3A_237 = arith.addi %add3A_20, %add3A_236 : vector<16xi32>
      %swap3A_238 = arith.index_cast %add3A_190 : i32 to index
      %swap3A_239 = tpu.vector_load %arg14[%swap3A_238] {strides = array<i32>} : memref<10240xi32, #tpu.memory_space<vmem>>, vector<16xi32>,
      tpu.vector_store %arg14[%swap3A_238], %add3A_237 {strides = array<i32>} : memref<10240xi32, #tpu.memory_space<vmem>>, vector<16xi32>,
    }
    %while3A_137 = arith.constant 1 : i32
    scf.for %while3A_188 = %while3A_135 to %while3A_131 step %while3A_137  : i32 {
      %mul3A_189 = arith.muli %while3A_188, %while3A_128 : i32
      %add3A_190 = arith.addi %get3A_90, %mul3A_189 : i32
      %jit3A_191 = arith.constant 16 : i32
      %div3A_192 = arith.divsi %add3A_190, %jit3A_191 : i32
      %sign3A_193 = arith.constant 0 : i32
      %sign3A_194 = arith.cmpi sgt, %add3A_190, %sign3A_193 : i32
      %sign3A_195 = arith.extui %sign3A_194 : i1 to i32
      %sign3A_196 = arith.constant 0 : i32
      %sign3A_197 = arith.cmpi slt, %add3A_190, %sign3A_196 : i32
      %sign3A_198 = arith.extui %sign3A_197 : i1 to i32
      %sign3A_199 = arith.subi %sign3A_195, %sign3A_198 : i32
      %sign3A_200 = arith.constant 0 : i32
      %sign3A_201 = arith.cmpi sgt, %jit3A_191, %sign3A_200 : i32
      %sign3A_202 = arith.extui %sign3A_201 : i1 to i32
      %sign3A_203 = arith.constant 0 : i32
      %sign3A_204 = arith.cmpi slt, %jit3A_191, %sign3A_203 : i32
      %sign3A_205 = arith.extui %sign3A_204 : i1 to i32
      %sign3A_206 = arith.subi %sign3A_202, %sign3A_205 : i32
      %ne3A_207 = arith.cmpi ne, %sign3A_199, %sign3A_206 : i32
      %rem3A_208 = arith.remsi %add3A_190, %jit3A_191 : i32
      %ne3A_209 = arith.constant 0 : i32
      %ne3A_210 = arith.cmpi ne, %rem3A_208, %ne3A_209 : i32
      %and3A_211 = arith.andi %ne3A_207, %ne3A_210 : i1
      %sub3A_212 = arith.constant 1 : i32
      %sub3A_213 = arith.subi %div3A_192, %sub3A_212 : i32
      %select_n3A_214 = arith.select %and3A_211, %sub3A_213, %div3A_192 : i32
      %jit3A_215 = arith.constant 4 : i32
      %eq3A_216 = arith.constant 0 : i32
      %eq3A_217 = arith.cmpi eq, %jit3A_215, %eq3A_216 : i32
      %jit3A_218 = arith.constant 1 : i32
      %select_n3A_219 = arith.select %eq3A_217, %jit3A_218, %jit3A_215 : i32
      %rem3A_220 = arith.remsi %select_n3A_214, %select_n3A_219 : i32
      %ne3A_221 = arith.constant 0 : i32
      %ne3A_222 = arith.cmpi ne, %rem3A_220, %ne3A_221 : i32
      %lt3A = arith.constant 0 : i32
      %lt3A_223 = arith.cmpi slt, %rem3A_220, %lt3A : i32
      %lt3A_224 = arith.constant 0 : i32
      %lt3A_225 = arith.cmpi slt, %select_n3A_219, %lt3A_224 : i32
      %ne3A_226 = arith.xori %lt3A_223, %lt3A_225 : i1
      %and3A_227 = arith.andi %ne3A_226, %ne3A_222 : i1
      %add3A_228 = arith.addi %rem3A_220, %select_n3A_219 : i32
      %select_n3A_229 = arith.select %and3A_227, %add3A_228, %rem3A_220 : i32
      %mul3A_230 = arith.constant 16 : i32
      %mul3A_231 = arith.muli %select_n3A_229, %mul3A_230 : i32
      %add3A_232 = vector.broadcast %mul3A_231 : i32 to vector<16xi32>
      %add3A_233 = arith.addi %iota3A, %add3A_232 : vector<16xi32>
      %swap3A_234 = arith.index_cast %add3A_190 : i32 to index
      %swap3A_235 = tpu.vector_load %arg12[%swap3A_234] {strides = array<i32>} : memref<10240xi32, #tpu.memory_space<vmem>>, vector<16xi32>,
      tpu.vector_store %arg12[%swap3A_234], %add3A_233 {strides = array<i32>} : memref<10240xi32, #tpu.memory_space<vmem>>, vector<16xi32>,
      %add3A_236 = vector.broadcast %mul3A_231 : i32 to vector<16xi32>
      %add3A_237 = arith.addi %add3A_20, %add3A_236 : vector<16xi32>
      %swap3A_238 = arith.index_cast %add3A_190 : i32 to index
      %swap3A_239 = tpu.vector_load %arg14[%swap3A_238] {strides = array<i32>} : memref<10240xi32, #tpu.memory_space<vmem>>, vector<16xi32>,
      tpu.vector_store %arg14[%swap3A_238], %add3A_237 {strides = array<i32>} : memref<10240xi32, #tpu.memory_space<vmem>>, vector<16xi32>,
    }
    %jit3A_138 = arith.constant 128 : i32
    %div3A_139 = arith.divsi %mul3A_120, %jit3A_138 : i32
    %sign3A_140 = arith.constant 0 : i32
    %sign3A_141 = arith.cmpi sgt, %mul3A_120, %sign3A_140 : i32
    %sign3A_142 = arith.extui %sign3A_141 : i1 to i32
    %sign3A_143 = arith.constant 0 : i32
    %sign3A_144 = arith.cmpi slt, %mul3A_120, %sign3A_143 : i32
    %sign3A_145 = arith.extui %sign3A_144 : i1 to i32
    %sign3A_146 = arith.subi %sign3A_142, %sign3A_145 : i32
    %sign3A_147 = arith.constant 0 : i32
    %sign3A_148 = arith.cmpi sgt, %jit3A_138, %sign3A_147 : i32
    %sign3A_149 = arith.extui %sign3A_148 : i1 to i32
    %sign3A_150 = arith.constant 0 : i32
    %sign3A_151 = arith.cmpi slt, %jit3A_138, %sign3A_150 : i32
    %sign3A_152 = arith.extui %sign3A_151 : i1 to i32
    %sign3A_153 = arith.subi %sign3A_149, %sign3A_152 : i32
    %ne3A_154 = arith.cmpi ne, %sign3A_146, %sign3A_153 : i32
    %rem3A_155 = arith.remsi %mul3A_120, %jit3A_138 : i32
    %ne3A_156 = arith.constant 0 : i32
    %ne3A_157 = arith.cmpi ne, %rem3A_155, %ne3A_156 : i32
    %and3A_158 = arith.andi %ne3A_154, %ne3A_157 : i1
    %sub3A_159 = arith.constant 1 : i32
    %sub3A_160 = arith.subi %div3A_139, %sub3A_159 : i32
    %select_n3A_161 = arith.select %and3A_158, %sub3A_160, %div3A_139 : i32
    %swap3A_162 = arith.constant 1 : i32
    %swap3A_163 = arith.index_cast %swap3A_162 : i32 to index
    %swap3A_164 = memref.load %arg16[%swap3A_163] : memref<2xi32, #tpu.memory_space<smem>>
    memref.store %select_n3A_161, %arg16[%swap3A_163] : memref<2xi32, #tpu.memory_space<smem>>
    %iota3A_165 = tpu.iota {dimensions = array<i32: 0>} : vector<16xi32>
    %eq3A = arith.constant 0 : i32
    %eq3A_166 = vector.broadcast %eq3A : i32 to vector<16xi32>
    %eq3A_167 = arith.cmpi eq, %iota3A_165, %eq3A_166 : vector<16xi32>
    %get3A_168 = arith.constant 0 : i32
    %get3A_169 = arith.index_cast %get3A_168 : i32 to index
    %get3A_170 = memref.load %arg16[%get3A_169] : memref<2xi32, #tpu.memory_space<smem>>
    %eq3A_171 = arith.constant 1 : i32
    %eq3A_172 = vector.broadcast %eq3A_171 : i32 to vector<16xi32>
    %eq3A_173 = arith.cmpi eq, %iota3A_165, %eq3A_172 : vector<16xi32>
    %get3A_174 = arith.constant 1 : i32
    %get3A_175 = arith.index_cast %get3A_174 : i32 to index
    %get3A_176 = memref.load %arg16[%get3A_175] : memref<2xi32, #tpu.memory_space<smem>>
    %jit3A_177 = arith.constant 0 : i32
    %broadcast_in_dim3A_178 = vector.broadcast %get3A_176 : i32 to vector<16xi32>
    %broadcast_in_dim3A_179 = vector.broadcast %jit3A_177 : i32 to vector<16xi32>
    %select_n3A_180 = arith.select %eq3A_173, %broadcast_in_dim3A_178, %broadcast_in_dim3A_179 : vector<16xi1>, vector<16xi32>
    %broadcast_in_dim3A_181 = vector.broadcast %get3A_170 : i32 to vector<16xi32>
    %select_n3A_182 = arith.select %eq3A_167, %broadcast_in_dim3A_181, %select_n3A_180 : vector<16xi1>, vector<16xi32>
    %swap3A_183 = arith.constant 0 : index
    %swap3A_184 = tpu.vector_load %arg15[%swap3A_183] {strides = array<i32>} : memref<16xi32, #tpu.memory_space<vmem>>, vector<16xi32>,
    tpu.vector_store %arg15[%swap3A_183], %select_n3A_182 {strides = array<i32>} : memref<16xi32, #tpu.memory_space<vmem>>, vector<16xi32>,
    %run_scoped3A = arith.constant 0 : i32
    "tpu.region"() ({
      %run_scoped3A_188 = tpu.sem_alloc : memref<!tpu.dma_semaphore, #tpu.memory_space<semaphore_mem>>
      %dma_start3A = arith.constant 0 : i32
      %dma_start3A_189 = arith.constant 0 : i32
      %dma_start3A_190 = tpu.memref_slice %arg5[%add3A, %dma_start3A, %dma_start3A_189] : memref<32x2x10240xi32, #tpu.memory_space<hbm>> -> memref<1x2x10240xi32, #tpu.memory_space<hbm>>
      %dma_start3A_191 = tpu.memref_squeeze %dma_start3A_190 : memref<1x2x10240xi32, #tpu.memory_space<hbm>> -> memref<2x10240xi32, #tpu.memory_space<hbm>>
      %dma_start3A_192 = arith.constant 0 : i32
      %dma_start3A_193 = tpu.memref_slice %dma_start3A_191[%run_scoped3A, %dma_start3A_192] : memref<2x10240xi32, #tpu.memory_space<hbm>> -> memref<1x10240xi32, #tpu.memory_space<hbm>>
      %dma_start3A_194 = tpu.memref_squeeze %dma_start3A_193 : memref<1x10240xi32, #tpu.memory_space<hbm>> -> memref<10240xi32, #tpu.memory_space<hbm>>
      %dma_start3A_195 = arith.constant 0 : i32
      %dma_start3A_196 = arith.constant 0 : i32
      %dma_start3A_197 = tpu.memref_slice %arg5[%add3A, %dma_start3A_195, %dma_start3A_196] : memref<32x2x10240xi32, #tpu.memory_space<hbm>> -> memref<1x2x10240xi32, #tpu.memory_space<hbm>>
      %dma_start3A_198 = tpu.memref_squeeze %dma_start3A_197 : memref<1x2x10240xi32, #tpu.memory_space<hbm>> -> memref<2x10240xi32, #tpu.memory_space<hbm>>
      %dma_start3A_199 = arith.constant 0 : i32
      %dma_start3A_200 = tpu.memref_slice %dma_start3A_198[%run_scoped3A, %dma_start3A_199] : memref<2x10240xi32, #tpu.memory_space<hbm>> -> memref<1x10240xi32, #tpu.memory_space<hbm>>
      %dma_start3A_201 = tpu.memref_squeeze %dma_start3A_200 : memref<1x10240xi32, #tpu.memory_space<hbm>> -> memref<10240xi32, #tpu.memory_space<hbm>>
      tpu.enqueue_dma source(%arg11 : memref<10240xi32, #tpu.memory_space<vmem>>) target(%dma_start3A_201 : memref<10240xi32, #tpu.memory_space<hbm>>) target_semaphore(%run_scoped3A_188 : memref<!tpu.dma_semaphore, #tpu.memory_space<semaphore_mem>>)
      %dma_wait3A = arith.constant 0 : i32
      %dma_wait3A_202 = arith.constant 0 : i32
      %dma_wait3A_203 = tpu.memref_slice %arg5[%add3A, %dma_wait3A, %dma_wait3A_202] : memref<32x2x10240xi32, #tpu.memory_space<hbm>> -> memref<1x2x10240xi32, #tpu.memory_space<hbm>>
      %dma_wait3A_204 = tpu.memref_squeeze %dma_wait3A_203 : memref<1x2x10240xi32, #tpu.memory_space<hbm>> -> memref<2x10240xi32, #tpu.memory_space<hbm>>
      %dma_wait3A_205 = arith.constant 0 : i32
      %dma_wait3A_206 = tpu.memref_slice %dma_wait3A_204[%run_scoped3A, %dma_wait3A_205] : memref<2x10240xi32, #tpu.memory_space<hbm>> -> memref<1x10240xi32, #tpu.memory_space<hbm>>
      %dma_wait3A_207 = tpu.memref_squeeze %dma_wait3A_206 : memref<1x10240xi32, #tpu.memory_space<hbm>> -> memref<10240xi32, #tpu.memory_space<hbm>>
      %dma_wait3A_208 = arith.constant 0 : i32
      %dma_wait3A_209 = arith.constant 0 : i32
      %dma_wait3A_210 = tpu.memref_slice %arg5[%add3A, %dma_wait3A_208, %dma_wait3A_209] : memref<32x2x10240xi32, #tpu.memory_space<hbm>> -> memref<1x2x10240xi32, #tpu.memory_space<hbm>>
      %dma_wait3A_211 = tpu.memref_squeeze %dma_wait3A_210 : memref<1x2x10240xi32, #tpu.memory_space<hbm>> -> memref<2x10240xi32, #tpu.memory_space<hbm>>
      %dma_wait3A_212 = arith.constant 0 : i32
      %dma_wait3A_213 = tpu.memref_slice %dma_wait3A_211[%run_scoped3A, %dma_wait3A_212] : memref<2x10240xi32, #tpu.memory_space<hbm>> -> memref<1x10240xi32, #tpu.memory_space<hbm>>
      %dma_wait3A_214 = tpu.memref_squeeze %dma_wait3A_213 : memref<1x10240xi32, #tpu.memory_space<hbm>> -> memref<10240xi32, #tpu.memory_space<hbm>>
      tpu.wait_dma2 semaphore(%run_scoped3A_188 : memref<!tpu.dma_semaphore, #tpu.memory_space<semaphore_mem>>) src(%arg11 : memref<10240xi32, #tpu.memory_space<vmem>>) dst(%dma_wait3A_214 : memref<10240xi32, #tpu.memory_space<hbm>>)
      tpu.yield
    }) : () -> ()
    %run_scoped3A_185 = arith.constant 1 : i32
    "tpu.region"() ({
      %run_scoped3A_188 = tpu.sem_alloc : memref<!tpu.dma_semaphore, #tpu.memory_space<semaphore_mem>>
      %dma_start3A = arith.constant 0 : i32
      %dma_start3A_189 = arith.constant 0 : i32
      %dma_start3A_190 = tpu.memref_slice %arg5[%add3A, %dma_start3A, %dma_start3A_189] : memref<32x2x10240xi32, #tpu.memory_space<hbm>> -> memref<1x2x10240xi32, #tpu.memory_space<hbm>>
      %dma_start3A_191 = tpu.memref_squeeze %dma_start3A_190 : memref<1x2x10240xi32, #tpu.memory_space<hbm>> -> memref<2x10240xi32, #tpu.memory_space<hbm>>
      %dma_start3A_192 = arith.constant 0 : i32
      %dma_start3A_193 = tpu.memref_slice %dma_start3A_191[%run_scoped3A_185, %dma_start3A_192] : memref<2x10240xi32, #tpu.memory_space<hbm>> -> memref<1x10240xi32, #tpu.memory_space<hbm>>
      %dma_start3A_194 = tpu.memref_squeeze %dma_start3A_193 : memref<1x10240xi32, #tpu.memory_space<hbm>> -> memref<10240xi32, #tpu.memory_space<hbm>>
      %dma_start3A_195 = arith.constant 0 : i32
      %dma_start3A_196 = arith.constant 0 : i32
      %dma_start3A_197 = tpu.memref_slice %arg5[%add3A, %dma_start3A_195, %dma_start3A_196] : memref<32x2x10240xi32, #tpu.memory_space<hbm>> -> memref<1x2x10240xi32, #tpu.memory_space<hbm>>
      %dma_start3A_198 = tpu.memref_squeeze %dma_start3A_197 : memref<1x2x10240xi32, #tpu.memory_space<hbm>> -> memref<2x10240xi32, #tpu.memory_space<hbm>>
      %dma_start3A_199 = arith.constant 0 : i32
      %dma_start3A_200 = tpu.memref_slice %dma_start3A_198[%run_scoped3A_185, %dma_start3A_199] : memref<2x10240xi32, #tpu.memory_space<hbm>> -> memref<1x10240xi32, #tpu.memory_space<hbm>>
      %dma_start3A_201 = tpu.memref_squeeze %dma_start3A_200 : memref<1x10240xi32, #tpu.memory_space<hbm>> -> memref<10240xi32, #tpu.memory_space<hbm>>
      tpu.enqueue_dma source(%arg12 : memref<10240xi32, #tpu.memory_space<vmem>>) target(%dma_start3A_201 : memref<10240xi32, #tpu.memory_space<hbm>>) target_semaphore(%run_scoped3A_188 : memref<!tpu.dma_semaphore, #tpu.memory_space<semaphore_mem>>)
      %dma_wait3A = arith.constant 0 : i32
      %dma_wait3A_202 = arith.constant 0 : i32
      %dma_wait3A_203 = tpu.memref_slice %arg5[%add3A, %dma_wait3A, %dma_wait3A_202] : memref<32x2x10240xi32, #tpu.memory_space<hbm>> -> memref<1x2x10240xi32, #tpu.memory_space<hbm>>
      %dma_wait3A_204 = tpu.memref_squeeze %dma_wait3A_203 : memref<1x2x10240xi32, #tpu.memory_space<hbm>> -> memref<2x10240xi32, #tpu.memory_space<hbm>>
      %dma_wait3A_205 = arith.constant 0 : i32
      %dma_wait3A_206 = tpu.memref_slice %dma_wait3A_204[%run_scoped3A_185, %dma_wait3A_205] : memref<2x10240xi32, #tpu.memory_space<hbm>> -> memref<1x10240xi32, #tpu.memory_space<hbm>>
      %dma_wait3A_207 = tpu.memref_squeeze %dma_wait3A_206 : memref<1x10240xi32, #tpu.memory_space<hbm>> -> memref<10240xi32, #tpu.memory_space<hbm>>
      %dma_wait3A_208 = arith.constant 0 : i32
      %dma_wait3A_209 = arith.constant 0 : i32
      %dma_wait3A_210 = tpu.memref_slice %arg5[%add3A, %dma_wait3A_208, %dma_wait3A_209] : memref<32x2x10240xi32, #tpu.memory_space<hbm>> -> memref<1x2x10240xi32, #tpu.memory_space<hbm>>
      %dma_wait3A_211 = tpu.memref_squeeze %dma_wait3A_210 : memref<1x2x10240xi32, #tpu.memory_space<hbm>> -> memref<2x10240xi32, #tpu.memory_space<hbm>>
      %dma_wait3A_212 = arith.constant 0 : i32
      %dma_wait3A_213 = tpu.memref_slice %dma_wait3A_211[%run_scoped3A_185, %dma_wait3A_212] : memref<2x10240xi32, #tpu.memory_space<hbm>> -> memref<1x10240xi32, #tpu.memory_space<hbm>>
      %dma_wait3A_214 = tpu.memref_squeeze %dma_wait3A_213 : memref<1x10240xi32, #tpu.memory_space<hbm>> -> memref<10240xi32, #tpu.memory_space<hbm>>
      tpu.wait_dma2 semaphore(%run_scoped3A_188 : memref<!tpu.dma_semaphore, #tpu.memory_space<semaphore_mem>>) src(%arg12 : memref<10240xi32, #tpu.memory_space<vmem>>) dst(%dma_wait3A_214 : memref<10240xi32, #tpu.memory_space<hbm>>)
      tpu.yield
    }) : () -> ()
    %run_scoped3A_186 = arith.constant 0 : i32
    "tpu.region"() ({
      %run_scoped3A_188 = tpu.sem_alloc : memref<!tpu.dma_semaphore, #tpu.memory_space<semaphore_mem>>
      %dma_start3A = arith.constant 0 : i32
      %dma_start3A_189 = arith.constant 0 : i32
      %dma_start3A_190 = tpu.memref_slice %arg6[%add3A, %dma_start3A, %dma_start3A_189] : memref<32x2x10240xi32, #tpu.memory_space<hbm>> -> memref<1x2x10240xi32, #tpu.memory_space<hbm>>
      %dma_start3A_191 = tpu.memref_squeeze %dma_start3A_190 : memref<1x2x10240xi32, #tpu.memory_space<hbm>> -> memref<2x10240xi32, #tpu.memory_space<hbm>>
      %dma_start3A_192 = arith.constant 0 : i32
      %dma_start3A_193 = tpu.memref_slice %dma_start3A_191[%run_scoped3A_186, %dma_start3A_192] : memref<2x10240xi32, #tpu.memory_space<hbm>> -> memref<1x10240xi32, #tpu.memory_space<hbm>>
      %dma_start3A_194 = tpu.memref_squeeze %dma_start3A_193 : memref<1x10240xi32, #tpu.memory_space<hbm>> -> memref<10240xi32, #tpu.memory_space<hbm>>
      %dma_start3A_195 = arith.constant 0 : i32
      %dma_start3A_196 = arith.constant 0 : i32
      %dma_start3A_197 = tpu.memref_slice %arg6[%add3A, %dma_start3A_195, %dma_start3A_196] : memref<32x2x10240xi32, #tpu.memory_space<hbm>> -> memref<1x2x10240xi32, #tpu.memory_space<hbm>>
      %dma_start3A_198 = tpu.memref_squeeze %dma_start3A_197 : memref<1x2x10240xi32, #tpu.memory_space<hbm>> -> memref<2x10240xi32, #tpu.memory_space<hbm>>
      %dma_start3A_199 = arith.constant 0 : i32
      %dma_start3A_200 = tpu.memref_slice %dma_start3A_198[%run_scoped3A_186, %dma_start3A_199] : memref<2x10240xi32, #tpu.memory_space<hbm>> -> memref<1x10240xi32, #tpu.memory_space<hbm>>
      %dma_start3A_201 = tpu.memref_squeeze %dma_start3A_200 : memref<1x10240xi32, #tpu.memory_space<hbm>> -> memref<10240xi32, #tpu.memory_space<hbm>>
      tpu.enqueue_dma source(%arg13 : memref<10240xi32, #tpu.memory_space<vmem>>) target(%dma_start3A_201 : memref<10240xi32, #tpu.memory_space<hbm>>) target_semaphore(%run_scoped3A_188 : memref<!tpu.dma_semaphore, #tpu.memory_space<semaphore_mem>>)
      %dma_wait3A = arith.constant 0 : i32
      %dma_wait3A_202 = arith.constant 0 : i32
      %dma_wait3A_203 = tpu.memref_slice %arg6[%add3A, %dma_wait3A, %dma_wait3A_202] : memref<32x2x10240xi32, #tpu.memory_space<hbm>> -> memref<1x2x10240xi32, #tpu.memory_space<hbm>>
      %dma_wait3A_204 = tpu.memref_squeeze %dma_wait3A_203 : memref<1x2x10240xi32, #tpu.memory_space<hbm>> -> memref<2x10240xi32, #tpu.memory_space<hbm>>
      %dma_wait3A_205 = arith.constant 0 : i32
      %dma_wait3A_206 = tpu.memref_slice %dma_wait3A_204[%run_scoped3A_186, %dma_wait3A_205] : memref<2x10240xi32, #tpu.memory_space<hbm>> -> memref<1x10240xi32, #tpu.memory_space<hbm>>
      %dma_wait3A_207 = tpu.memref_squeeze %dma_wait3A_206 : memref<1x10240xi32, #tpu.memory_space<hbm>> -> memref<10240xi32, #tpu.memory_space<hbm>>
      %dma_wait3A_208 = arith.constant 0 : i32
      %dma_wait3A_209 = arith.constant 0 : i32
      %dma_wait3A_210 = tpu.memref_slice %arg6[%add3A, %dma_wait3A_208, %dma_wait3A_209] : memref<32x2x10240xi32, #tpu.memory_space<hbm>> -> memref<1x2x10240xi32, #tpu.memory_space<hbm>>
      %dma_wait3A_211 = tpu.memref_squeeze %dma_wait3A_210 : memref<1x2x10240xi32, #tpu.memory_space<hbm>> -> memref<2x10240xi32, #tpu.memory_space<hbm>>
      %dma_wait3A_212 = arith.constant 0 : i32
      %dma_wait3A_213 = tpu.memref_slice %dma_wait3A_211[%run_scoped3A_186, %dma_wait3A_212] : memref<2x10240xi32, #tpu.memory_space<hbm>> -> memref<1x10240xi32, #tpu.memory_space<hbm>>
      %dma_wait3A_214 = tpu.memref_squeeze %dma_wait3A_213 : memref<1x10240xi32, #tpu.memory_space<hbm>> -> memref<10240xi32, #tpu.memory_space<hbm>>
      tpu.wait_dma2 semaphore(%run_scoped3A_188 : memref<!tpu.dma_semaphore, #tpu.memory_space<semaphore_mem>>) src(%arg13 : memref<10240xi32, #tpu.memory_space<vmem>>) dst(%dma_wait3A_214 : memref<10240xi32, #tpu.memory_space<hbm>>)
      tpu.yield
    }) : () -> ()
    %run_scoped3A_187 = arith.constant 1 : i32
    "tpu.region"() ({
      %run_scoped3A_188 = tpu.sem_alloc : memref<!tpu.dma_semaphore, #tpu.memory_space<semaphore_mem>>
      %dma_start3A = arith.constant 0 : i32
      %dma_start3A_189 = arith.constant 0 : i32
      %dma_start3A_190 = tpu.memref_slice %arg6[%add3A, %dma_start3A, %dma_start3A_189] : memref<32x2x10240xi32, #tpu.memory_space<hbm>> -> memref<1x2x10240xi32, #tpu.memory_space<hbm>>
      %dma_start3A_191 = tpu.memref_squeeze %dma_start3A_190 : memref<1x2x10240xi32, #tpu.memory_space<hbm>> -> memref<2x10240xi32, #tpu.memory_space<hbm>>
      %dma_start3A_192 = arith.constant 0 : i32
      %dma_start3A_193 = tpu.memref_slice %dma_start3A_191[%run_scoped3A_187, %dma_start3A_192] : memref<2x10240xi32, #tpu.memory_space<hbm>> -> memref<1x10240xi32, #tpu.memory_space<hbm>>
      %dma_start3A_194 = tpu.memref_squeeze %dma_start3A_193 : memref<1x10240xi32, #tpu.memory_space<hbm>> -> memref<10240xi32, #tpu.memory_space<hbm>>
      %dma_start3A_195 = arith.constant 0 : i32
      %dma_start3A_196 = arith.constant 0 : i32
      %dma_start3A_197 = tpu.memref_slice %arg6[%add3A, %dma_start3A_195, %dma_start3A_196] : memref<32x2x10240xi32, #tpu.memory_space<hbm>> -> memref<1x2x10240xi32, #tpu.memory_space<hbm>>
      %dma_start3A_198 = tpu.memref_squeeze %dma_start3A_197 : memref<1x2x10240xi32, #tpu.memory_space<hbm>> -> memref<2x10240xi32, #tpu.memory_space<hbm>>
      %dma_start3A_199 = arith.constant 0 : i32
      %dma_start3A_200 = tpu.memref_slice %dma_start3A_198[%run_scoped3A_187, %dma_start3A_199] : memref<2x10240xi32, #tpu.memory_space<hbm>> -> memref<1x10240xi32, #tpu.memory_space<hbm>>
      %dma_start3A_201 = tpu.memref_squeeze %dma_start3A_200 : memref<1x10240xi32, #tpu.memory_space<hbm>> -> memref<10240xi32, #tpu.memory_space<hbm>>
      tpu.enqueue_dma source(%arg14 : memref<10240xi32, #tpu.memory_space<vmem>>) target(%dma_start3A_201 : memref<10240xi32, #tpu.memory_space<hbm>>) target_semaphore(%run_scoped3A_188 : memref<!tpu.dma_semaphore, #tpu.memory_space<semaphore_mem>>)
      %dma_wait3A = arith.constant 0 : i32
      %dma_wait3A_202 = arith.constant 0 : i32
      %dma_wait3A_203 = tpu.memref_slice %arg6[%add3A, %dma_wait3A, %dma_wait3A_202] : memref<32x2x10240xi32, #tpu.memory_space<hbm>> -> memref<1x2x10240xi32, #tpu.memory_space<hbm>>
      %dma_wait3A_204 = tpu.memref_squeeze %dma_wait3A_203 : memref<1x2x10240xi32, #tpu.memory_space<hbm>> -> memref<2x10240xi32, #tpu.memory_space<hbm>>
      %dma_wait3A_205 = arith.constant 0 : i32
      %dma_wait3A_206 = tpu.memref_slice %dma_wait3A_204[%run_scoped3A_187, %dma_wait3A_205] : memref<2x10240xi32, #tpu.memory_space<hbm>> -> memref<1x10240xi32, #tpu.memory_space<hbm>>
      %dma_wait3A_207 = tpu.memref_squeeze %dma_wait3A_206 : memref<1x10240xi32, #tpu.memory_space<hbm>> -> memref<10240xi32, #tpu.memory_space<hbm>>
      %dma_wait3A_208 = arith.constant 0 : i32
      %dma_wait3A_209 = arith.constant 0 : i32
      %dma_wait3A_210 = tpu.memref_slice %arg6[%add3A, %dma_wait3A_208, %dma_wait3A_209] : memref<32x2x10240xi32, #tpu.memory_space<hbm>> -> memref<1x2x10240xi32, #tpu.memory_space<hbm>>
      %dma_wait3A_211 = tpu.memref_squeeze %dma_wait3A_210 : memref<1x2x10240xi32, #tpu.memory_space<hbm>> -> memref<2x10240xi32, #tpu.memory_space<hbm>>
      %dma_wait3A_212 = arith.constant 0 : i32
      %dma_wait3A_213 = tpu.memref_slice %dma_wait3A_211[%run_scoped3A_187, %dma_wait3A_212] : memref<2x10240xi32, #tpu.memory_space<hbm>> -> memref<1x10240xi32, #tpu.memory_space<hbm>>
      %dma_wait3A_214 = tpu.memref_squeeze %dma_wait3A_213 : memref<1x10240xi32, #tpu.memory_space<hbm>> -> memref<10240xi32, #tpu.memory_space<hbm>>
      tpu.wait_dma2 semaphore(%run_scoped3A_188 : memref<!tpu.dma_semaphore, #tpu.memory_space<semaphore_mem>>) src(%arg14 : memref<10240xi32, #tpu.memory_space<vmem>>) dst(%dma_wait3A_214 : memref<10240xi32, #tpu.memory_space<hbm>>)
      tpu.yield
    }) : () -> ()
    "tpu.region"() ({
      %run_scoped3A_188 = tpu.sem_alloc : memref<!tpu.dma_semaphore, #tpu.memory_space<semaphore_mem>>
      %dma_start3A = arith.constant 0 : i32
      %dma_start3A_189 = tpu.memref_slice %arg7[%add3A, %dma_start3A] : memref<32x16xi32, #tpu.memory_space<hbm>> -> memref<1x16xi32, #tpu.memory_space<hbm>>
      %dma_start3A_190 = tpu.memref_squeeze %dma_start3A_189 : memref<1x16xi32, #tpu.memory_space<hbm>> -> memref<16xi32, #tpu.memory_space<hbm>>
      %dma_start3A_191 = arith.constant 0 : i32
      %dma_start3A_192 = tpu.memref_slice %arg7[%add3A, %dma_start3A_191] : memref<32x16xi32, #tpu.memory_space<hbm>> -> memref<1x16xi32, #tpu.memory_space<hbm>>
      %dma_start3A_193 = tpu.memref_squeeze %dma_start3A_192 : memref<1x16xi32, #tpu.memory_space<hbm>> -> memref<16xi32, #tpu.memory_space<hbm>>
      tpu.enqueue_dma source(%arg15 : memref<16xi32, #tpu.memory_space<vmem>>) target(%dma_start3A_193 : memref<16xi32, #tpu.memory_space<hbm>>) target_semaphore(%run_scoped3A_188 : memref<!tpu.dma_semaphore, #tpu.memory_space<semaphore_mem>>)
      %dma_wait3A = arith.constant 0 : i32
      %dma_wait3A_194 = tpu.memref_slice %arg7[%add3A, %dma_wait3A] : memref<32x16xi32, #tpu.memory_space<hbm>> -> memref<1x16xi32, #tpu.memory_space<hbm>>
      %dma_wait3A_195 = tpu.memref_squeeze %dma_wait3A_194 : memref<1x16xi32, #tpu.memory_space<hbm>> -> memref<16xi32, #tpu.memory_space<hbm>>
      %dma_wait3A_196 = arith.constant 0 : i32
      %dma_wait3A_197 = tpu.memref_slice %arg7[%add3A, %dma_wait3A_196] : memref<32x16xi32, #tpu.memory_space<hbm>> -> memref<1x16xi32, #tpu.memory_space<hbm>>
      %dma_wait3A_198 = tpu.memref_squeeze %dma_wait3A_197 : memref<1x16xi32, #tpu.memory_space<hbm>> -> memref<16xi32, #tpu.memory_space<hbm>>
      tpu.wait_dma2 semaphore(%run_scoped3A_188 : memref<!tpu.dma_semaphore, #tpu.memory_space<semaphore_mem>>) src(%arg15 : memref<16xi32, #tpu.memory_space<vmem>>) dst(%dma_wait3A_198 : memref<16xi32, #tpu.memory_space<hbm>>)
      tpu.yield
    }) : () -> ()
    return
  }
}

#map = affine_map<(d0, d1) -> (0, 0)>
#map1 = affine_map<(d0, d1) -> (0, 0, 0, 0)>
#map2 = affine_map<(d0, d1) -> (0, 0, 0)>
module attributes {stable_mosaic.version = 14 : i64} {
  func.func @_agg_sc(%arg0: i32, %arg1: i32, %arg2: memref<10000x128xf32, #tpu.memory_space<hbm>>, %arg3: memref<32x2x80x128xi32, #tpu.memory_space<hbm>>, %arg4: memref<32x2x80x128xi32, #tpu.memory_space<hbm>>, %arg5: memref<32x16xi32, #tpu.memory_space<hbm>>, %arg6: memref<5120x128xf32, #tpu.memory_space<hbm>>, %arg7: memref<2x5120x128xf32, #tpu.memory_space<hbm>>, %arg8: memref<2x80x128xi32, #tpu.memory_space<vmem>>, %arg9: memref<2x80x128xi32, #tpu.memory_space<vmem>>, %arg10: memref<128x128xf32, #tpu.memory_space<vmem>>, %arg11: memref<16xi32, #tpu.memory_space<vmem>>, %arg12: memref<5120x128xf32, #tpu.memory_space<vmem_shared>>, %arg13: memref<2xi32, #tpu.memory_space<smem>>) attributes {dimension_semantics = [#tpu.dimension_semantics<core_parallel>, #tpu.dimension_semantics<subcore_parallel>], iteration_bounds = array<i64: 2, 16>, scalar_prefetch = 0 : i64, scratch_operands = 6 : i64, tpu.core_type = #tpu.core_type<sc_vector_subcore>, window_params = [{transform_indices = #map}, {transform_indices = #map1}, {transform_indices = #map1}, {transform_indices = #map}, {transform_indices = #map}, {transform_indices = #map2}]} {
    %mul3A = arith.constant 320 : i32
    %mul3A_0 = arith.muli %arg1, %mul3A : i32
    %mul3A_1 = arith.constant 320 : i32
    %mul3A_2 = arith.muli %arg1, %mul3A_1 : i32
    "tpu.region"() ({
      %run_scoped3A_119 = tpu.sem_alloc : memref<!tpu.dma_semaphore, #tpu.memory_space<semaphore_mem>>
      %dma_start3A = arith.constant 0 : i32
      %dma_start3A_120 = tpu.memref_slice %arg12[%mul3A_2, %dma_start3A] : memref<5120x128xf32, #tpu.memory_space<vmem_shared>> -> memref<320x128xf32, #tpu.memory_space<vmem_shared>>
      %dma_start3A_121 = arith.constant 0 : i32
      %dma_start3A_122 = tpu.memref_slice %arg6[%mul3A_0, %dma_start3A_121] : memref<5120x128xf32, #tpu.memory_space<hbm>> -> memref<320x128xf32, #tpu.memory_space<hbm>>
      tpu.enqueue_dma source(%dma_start3A_122 : memref<320x128xf32, #tpu.memory_space<hbm>>) target(%dma_start3A_120 : memref<320x128xf32, #tpu.memory_space<vmem_shared>>) target_semaphore(%run_scoped3A_119 : memref<!tpu.dma_semaphore, #tpu.memory_space<semaphore_mem>>)
      %dma_wait3A = arith.constant 0 : i32
      %dma_wait3A_123 = tpu.memref_slice %arg12[%mul3A_2, %dma_wait3A] : memref<5120x128xf32, #tpu.memory_space<vmem_shared>> -> memref<320x128xf32, #tpu.memory_space<vmem_shared>>
      %dma_wait3A_124 = arith.constant 0 : i32
      %dma_wait3A_125 = tpu.memref_slice %arg6[%mul3A_0, %dma_wait3A_124] : memref<5120x128xf32, #tpu.memory_space<hbm>> -> memref<320x128xf32, #tpu.memory_space<hbm>>
      tpu.wait_dma2 semaphore(%run_scoped3A_119 : memref<!tpu.dma_semaphore, #tpu.memory_space<semaphore_mem>>) src(%dma_wait3A_125 : memref<320x128xf32, #tpu.memory_space<hbm>>) dst(%dma_wait3A_123 : memref<320x128xf32, #tpu.memory_space<vmem_shared>>)
      tpu.yield
    }) : () -> ()
    %mul3A_3 = arith.constant 2 : i32
    %mul3A_4 = arith.muli %mul3A_3, %arg1 : i32
    %add3A = arith.constant 0 : i32
    %add3A_5 = arith.addi %mul3A_4, %add3A : i32
    %run_scoped3A = arith.constant 0 : i32
    "tpu.region"() ({
      %run_scoped3A_119 = tpu.sem_alloc : memref<!tpu.dma_semaphore, #tpu.memory_space<semaphore_mem>>
      %dma_start3A = arith.constant 0 : i32
      %dma_start3A_120 = arith.constant 0 : i32
      %dma_start3A_121 = tpu.memref_slice %arg8[%run_scoped3A, %dma_start3A, %dma_start3A_120] : memref<2x80x128xi32, #tpu.memory_space<vmem>> -> memref<1x80x128xi32, #tpu.memory_space<vmem>>
      %dma_start3A_122 = tpu.memref_squeeze %dma_start3A_121 : memref<1x80x128xi32, #tpu.memory_space<vmem>> -> memref<80x128xi32, #tpu.memory_space<vmem>>
      %dma_start3A_123 = arith.constant 0 : i32
      %dma_start3A_124 = arith.constant 0 : i32
      %dma_start3A_125 = arith.constant 0 : i32
      %dma_start3A_126 = tpu.memref_slice %arg3[%add3A_5, %dma_start3A_123, %dma_start3A_124, %dma_start3A_125] : memref<32x2x80x128xi32, #tpu.memory_space<hbm>> -> memref<1x2x80x128xi32, #tpu.memory_space<hbm>>
      %dma_start3A_127 = tpu.memref_squeeze %dma_start3A_126 : memref<1x2x80x128xi32, #tpu.memory_space<hbm>> -> memref<2x80x128xi32, #tpu.memory_space<hbm>>
      %dma_start3A_128 = arith.constant 0 : i32
      %dma_start3A_129 = arith.constant 0 : i32
      %dma_start3A_130 = tpu.memref_slice %dma_start3A_127[%arg0, %dma_start3A_128, %dma_start3A_129] : memref<2x80x128xi32, #tpu.memory_space<hbm>> -> memref<1x80x128xi32, #tpu.memory_space<hbm>>
      %dma_start3A_131 = tpu.memref_squeeze %dma_start3A_130 : memref<1x80x128xi32, #tpu.memory_space<hbm>> -> memref<80x128xi32, #tpu.memory_space<hbm>>
      %dma_start3A_132 = arith.constant 0 : i32
      %dma_start3A_133 = arith.constant 0 : i32
      %dma_start3A_134 = tpu.memref_slice %arg8[%run_scoped3A, %dma_start3A_132, %dma_start3A_133] : memref<2x80x128xi32, #tpu.memory_space<vmem>> -> memref<1x80x128xi32, #tpu.memory_space<vmem>>
      %dma_start3A_135 = tpu.memref_squeeze %dma_start3A_134 : memref<1x80x128xi32, #tpu.memory_space<vmem>> -> memref<80x128xi32, #tpu.memory_space<vmem>>
      %dma_start3A_136 = arith.constant 0 : i32
      %dma_start3A_137 = arith.constant 0 : i32
      %dma_start3A_138 = arith.constant 0 : i32
      %dma_start3A_139 = tpu.memref_slice %arg3[%add3A_5, %dma_start3A_136, %dma_start3A_137, %dma_start3A_138] : memref<32x2x80x128xi32, #tpu.memory_space<hbm>> -> memref<1x2x80x128xi32, #tpu.memory_space<hbm>>
      %dma_start3A_140 = tpu.memref_squeeze %dma_start3A_139 : memref<1x2x80x128xi32, #tpu.memory_space<hbm>> -> memref<2x80x128xi32, #tpu.memory_space<hbm>>
      %dma_start3A_141 = arith.constant 0 : i32
      %dma_start3A_142 = arith.constant 0 : i32
      %dma_start3A_143 = tpu.memref_slice %dma_start3A_140[%arg0, %dma_start3A_141, %dma_start3A_142] : memref<2x80x128xi32, #tpu.memory_space<hbm>> -> memref<1x80x128xi32, #tpu.memory_space<hbm>>
      %dma_start3A_144 = tpu.memref_squeeze %dma_start3A_143 : memref<1x80x128xi32, #tpu.memory_space<hbm>> -> memref<80x128xi32, #tpu.memory_space<hbm>>
      tpu.enqueue_dma source(%dma_start3A_144 : memref<80x128xi32, #tpu.memory_space<hbm>>) target(%dma_start3A_135 : memref<80x128xi32, #tpu.memory_space<vmem>>) target_semaphore(%run_scoped3A_119 : memref<!tpu.dma_semaphore, #tpu.memory_space<semaphore_mem>>)
      %dma_wait3A = arith.constant 0 : i32
      %dma_wait3A_145 = arith.constant 0 : i32
      %dma_wait3A_146 = tpu.memref_slice %arg8[%run_scoped3A, %dma_wait3A, %dma_wait3A_145] : memref<2x80x128xi32, #tpu.memory_space<vmem>> -> memref<1x80x128xi32, #tpu.memory_space<vmem>>
      %dma_wait3A_147 = tpu.memref_squeeze %dma_wait3A_146 : memref<1x80x128xi32, #tpu.memory_space<vmem>> -> memref<80x128xi32, #tpu.memory_space<vmem>>
      %dma_wait3A_148 = arith.constant 0 : i32
      %dma_wait3A_149 = arith.constant 0 : i32
      %dma_wait3A_150 = arith.constant 0 : i32
      %dma_wait3A_151 = tpu.memref_slice %arg3[%add3A_5, %dma_wait3A_148, %dma_wait3A_149, %dma_wait3A_150] : memref<32x2x80x128xi32, #tpu.memory_space<hbm>> -> memref<1x2x80x128xi32, #tpu.memory_space<hbm>>
      %dma_wait3A_152 = tpu.memref_squeeze %dma_wait3A_151 : memref<1x2x80x128xi32, #tpu.memory_space<hbm>> -> memref<2x80x128xi32, #tpu.memory_space<hbm>>
      %dma_wait3A_153 = arith.constant 0 : i32
      %dma_wait3A_154 = arith.constant 0 : i32
      %dma_wait3A_155 = tpu.memref_slice %dma_wait3A_152[%arg0, %dma_wait3A_153, %dma_wait3A_154] : memref<2x80x128xi32, #tpu.memory_space<hbm>> -> memref<1x80x128xi32, #tpu.memory_space<hbm>>
      %dma_wait3A_156 = tpu.memref_squeeze %dma_wait3A_155 : memref<1x80x128xi32, #tpu.memory_space<hbm>> -> memref<80x128xi32, #tpu.memory_space<hbm>>
      %dma_wait3A_157 = arith.constant 0 : i32
      %dma_wait3A_158 = arith.constant 0 : i32
      %dma_wait3A_159 = tpu.memref_slice %arg8[%run_scoped3A, %dma_wait3A_157, %dma_wait3A_158] : memref<2x80x128xi32, #tpu.memory_space<vmem>> -> memref<1x80x128xi32, #tpu.memory_space<vmem>>
      %dma_wait3A_160 = tpu.memref_squeeze %dma_wait3A_159 : memref<1x80x128xi32, #tpu.memory_space<vmem>> -> memref<80x128xi32, #tpu.memory_space<vmem>>
      %dma_wait3A_161 = arith.constant 0 : i32
      %dma_wait3A_162 = arith.constant 0 : i32
      %dma_wait3A_163 = arith.constant 0 : i32
      %dma_wait3A_164 = tpu.memref_slice %arg3[%add3A_5, %dma_wait3A_161, %dma_wait3A_162, %dma_wait3A_163] : memref<32x2x80x128xi32, #tpu.memory_space<hbm>> -> memref<1x2x80x128xi32, #tpu.memory_space<hbm>>
      %dma_wait3A_165 = tpu.memref_squeeze %dma_wait3A_164 : memref<1x2x80x128xi32, #tpu.memory_space<hbm>> -> memref<2x80x128xi32, #tpu.memory_space<hbm>>
      %dma_wait3A_166 = arith.constant 0 : i32
      %dma_wait3A_167 = arith.constant 0 : i32
      %dma_wait3A_168 = tpu.memref_slice %dma_wait3A_165[%arg0, %dma_wait3A_166, %dma_wait3A_167] : memref<2x80x128xi32, #tpu.memory_space<hbm>> -> memref<1x80x128xi32, #tpu.memory_space<hbm>>
      %dma_wait3A_169 = tpu.memref_squeeze %dma_wait3A_168 : memref<1x80x128xi32, #tpu.memory_space<hbm>> -> memref<80x128xi32, #tpu.memory_space<hbm>>
      tpu.wait_dma2 semaphore(%run_scoped3A_119 : memref<!tpu.dma_semaphore, #tpu.memory_space<semaphore_mem>>) src(%dma_wait3A_169 : memref<80x128xi32, #tpu.memory_space<hbm>>) dst(%dma_wait3A_160 : memref<80x128xi32, #tpu.memory_space<vmem>>)
      tpu.yield
    }) : () -> ()
    %run_scoped3A_6 = arith.constant 0 : i32
    "tpu.region"() ({
      %run_scoped3A_119 = tpu.sem_alloc : memref<!tpu.dma_semaphore, #tpu.memory_space<semaphore_mem>>
      %dma_start3A = arith.constant 0 : i32
      %dma_start3A_120 = arith.constant 0 : i32
      %dma_start3A_121 = tpu.memref_slice %arg9[%run_scoped3A_6, %dma_start3A, %dma_start3A_120] : memref<2x80x128xi32, #tpu.memory_space<vmem>> -> memref<1x80x128xi32, #tpu.memory_space<vmem>>
      %dma_start3A_122 = tpu.memref_squeeze %dma_start3A_121 : memref<1x80x128xi32, #tpu.memory_space<vmem>> -> memref<80x128xi32, #tpu.memory_space<vmem>>
      %dma_start3A_123 = arith.constant 0 : i32
      %dma_start3A_124 = arith.constant 0 : i32
      %dma_start3A_125 = arith.constant 0 : i32
      %dma_start3A_126 = tpu.memref_slice %arg4[%add3A_5, %dma_start3A_123, %dma_start3A_124, %dma_start3A_125] : memref<32x2x80x128xi32, #tpu.memory_space<hbm>> -> memref<1x2x80x128xi32, #tpu.memory_space<hbm>>
      %dma_start3A_127 = tpu.memref_squeeze %dma_start3A_126 : memref<1x2x80x128xi32, #tpu.memory_space<hbm>> -> memref<2x80x128xi32, #tpu.memory_space<hbm>>
      %dma_start3A_128 = arith.constant 0 : i32
      %dma_start3A_129 = arith.constant 0 : i32
      %dma_start3A_130 = tpu.memref_slice %dma_start3A_127[%arg0, %dma_start3A_128, %dma_start3A_129] : memref<2x80x128xi32, #tpu.memory_space<hbm>> -> memref<1x80x128xi32, #tpu.memory_space<hbm>>
      %dma_start3A_131 = tpu.memref_squeeze %dma_start3A_130 : memref<1x80x128xi32, #tpu.memory_space<hbm>> -> memref<80x128xi32, #tpu.memory_space<hbm>>
      %dma_start3A_132 = arith.constant 0 : i32
      %dma_start3A_133 = arith.constant 0 : i32
      %dma_start3A_134 = tpu.memref_slice %arg9[%run_scoped3A_6, %dma_start3A_132, %dma_start3A_133] : memref<2x80x128xi32, #tpu.memory_space<vmem>> -> memref<1x80x128xi32, #tpu.memory_space<vmem>>
      %dma_start3A_135 = tpu.memref_squeeze %dma_start3A_134 : memref<1x80x128xi32, #tpu.memory_space<vmem>> -> memref<80x128xi32, #tpu.memory_space<vmem>>
      %dma_start3A_136 = arith.constant 0 : i32
      %dma_start3A_137 = arith.constant 0 : i32
      %dma_start3A_138 = arith.constant 0 : i32
      %dma_start3A_139 = tpu.memref_slice %arg4[%add3A_5, %dma_start3A_136, %dma_start3A_137, %dma_start3A_138] : memref<32x2x80x128xi32, #tpu.memory_space<hbm>> -> memref<1x2x80x128xi32, #tpu.memory_space<hbm>>
      %dma_start3A_140 = tpu.memref_squeeze %dma_start3A_139 : memref<1x2x80x128xi32, #tpu.memory_space<hbm>> -> memref<2x80x128xi32, #tpu.memory_space<hbm>>
      %dma_start3A_141 = arith.constant 0 : i32
      %dma_start3A_142 = arith.constant 0 : i32
      %dma_start3A_143 = tpu.memref_slice %dma_start3A_140[%arg0, %dma_start3A_141, %dma_start3A_142] : memref<2x80x128xi32, #tpu.memory_space<hbm>> -> memref<1x80x128xi32, #tpu.memory_space<hbm>>
      %dma_start3A_144 = tpu.memref_squeeze %dma_start3A_143 : memref<1x80x128xi32, #tpu.memory_space<hbm>> -> memref<80x128xi32, #tpu.memory_space<hbm>>
      tpu.enqueue_dma source(%dma_start3A_144 : memref<80x128xi32, #tpu.memory_space<hbm>>) target(%dma_start3A_135 : memref<80x128xi32, #tpu.memory_space<vmem>>) target_semaphore(%run_scoped3A_119 : memref<!tpu.dma_semaphore, #tpu.memory_space<semaphore_mem>>)
      %dma_wait3A = arith.constant 0 : i32
      %dma_wait3A_145 = arith.constant 0 : i32
      %dma_wait3A_146 = tpu.memref_slice %arg9[%run_scoped3A_6, %dma_wait3A, %dma_wait3A_145] : memref<2x80x128xi32, #tpu.memory_space<vmem>> -> memref<1x80x128xi32, #tpu.memory_space<vmem>>
      %dma_wait3A_147 = tpu.memref_squeeze %dma_wait3A_146 : memref<1x80x128xi32, #tpu.memory_space<vmem>> -> memref<80x128xi32, #tpu.memory_space<vmem>>
      %dma_wait3A_148 = arith.constant 0 : i32
      %dma_wait3A_149 = arith.constant 0 : i32
      %dma_wait3A_150 = arith.constant 0 : i32
      %dma_wait3A_151 = tpu.memref_slice %arg4[%add3A_5, %dma_wait3A_148, %dma_wait3A_149, %dma_wait3A_150] : memref<32x2x80x128xi32, #tpu.memory_space<hbm>> -> memref<1x2x80x128xi32, #tpu.memory_space<hbm>>
      %dma_wait3A_152 = tpu.memref_squeeze %dma_wait3A_151 : memref<1x2x80x128xi32, #tpu.memory_space<hbm>> -> memref<2x80x128xi32, #tpu.memory_space<hbm>>
      %dma_wait3A_153 = arith.constant 0 : i32
      %dma_wait3A_154 = arith.constant 0 : i32
      %dma_wait3A_155 = tpu.memref_slice %dma_wait3A_152[%arg0, %dma_wait3A_153, %dma_wait3A_154] : memref<2x80x128xi32, #tpu.memory_space<hbm>> -> memref<1x80x128xi32, #tpu.memory_space<hbm>>
      %dma_wait3A_156 = tpu.memref_squeeze %dma_wait3A_155 : memref<1x80x128xi32, #tpu.memory_space<hbm>> -> memref<80x128xi32, #tpu.memory_space<hbm>>
      %dma_wait3A_157 = arith.constant 0 : i32
      %dma_wait3A_158 = arith.constant 0 : i32
      %dma_wait3A_159 = tpu.memref_slice %arg9[%run_scoped3A_6, %dma_wait3A_157, %dma_wait3A_158] : memref<2x80x128xi32, #tpu.memory_space<vmem>> -> memref<1x80x128xi32, #tpu.memory_space<vmem>>
      %dma_wait3A_160 = tpu.memref_squeeze %dma_wait3A_159 : memref<1x80x128xi32, #tpu.memory_space<vmem>> -> memref<80x128xi32, #tpu.memory_space<vmem>>
      %dma_wait3A_161 = arith.constant 0 : i32
      %dma_wait3A_162 = arith.constant 0 : i32
      %dma_wait3A_163 = arith.constant 0 : i32
      %dma_wait3A_164 = tpu.memref_slice %arg4[%add3A_5, %dma_wait3A_161, %dma_wait3A_162, %dma_wait3A_163] : memref<32x2x80x128xi32, #tpu.memory_space<hbm>> -> memref<1x2x80x128xi32, #tpu.memory_space<hbm>>
      %dma_wait3A_165 = tpu.memref_squeeze %dma_wait3A_164 : memref<1x2x80x128xi32, #tpu.memory_space<hbm>> -> memref<2x80x128xi32, #tpu.memory_space<hbm>>
      %dma_wait3A_166 = arith.constant 0 : i32
      %dma_wait3A_167 = arith.constant 0 : i32
      %dma_wait3A_168 = tpu.memref_slice %dma_wait3A_165[%arg0, %dma_wait3A_166, %dma_wait3A_167] : memref<2x80x128xi32, #tpu.memory_space<hbm>> -> memref<1x80x128xi32, #tpu.memory_space<hbm>>
      %dma_wait3A_169 = tpu.memref_squeeze %dma_wait3A_168 : memref<1x80x128xi32, #tpu.memory_space<hbm>> -> memref<80x128xi32, #tpu.memory_space<hbm>>
      tpu.wait_dma2 semaphore(%run_scoped3A_119 : memref<!tpu.dma_semaphore, #tpu.memory_space<semaphore_mem>>) src(%dma_wait3A_169 : memref<80x128xi32, #tpu.memory_space<hbm>>) dst(%dma_wait3A_160 : memref<80x128xi32, #tpu.memory_space<vmem>>)
      tpu.yield
    }) : () -> ()
    "tpu.region"() ({
      %run_scoped3A_119 = tpu.sem_alloc : memref<!tpu.dma_semaphore, #tpu.memory_space<semaphore_mem>>
      %dma_start3A = arith.constant 0 : i32
      %dma_start3A_120 = tpu.memref_slice %arg5[%add3A_5, %dma_start3A] : memref<32x16xi32, #tpu.memory_space<hbm>> -> memref<1x16xi32, #tpu.memory_space<hbm>>
      %dma_start3A_121 = tpu.memref_squeeze %dma_start3A_120 : memref<1x16xi32, #tpu.memory_space<hbm>> -> memref<16xi32, #tpu.memory_space<hbm>>
      %dma_start3A_122 = arith.constant 0 : i32
      %dma_start3A_123 = tpu.memref_slice %arg5[%add3A_5, %dma_start3A_122] : memref<32x16xi32, #tpu.memory_space<hbm>> -> memref<1x16xi32, #tpu.memory_space<hbm>>
      %dma_start3A_124 = tpu.memref_squeeze %dma_start3A_123 : memref<1x16xi32, #tpu.memory_space<hbm>> -> memref<16xi32, #tpu.memory_space<hbm>>
      tpu.enqueue_dma source(%dma_start3A_124 : memref<16xi32, #tpu.memory_space<hbm>>) target(%arg11 : memref<16xi32, #tpu.memory_space<vmem>>) target_semaphore(%run_scoped3A_119 : memref<!tpu.dma_semaphore, #tpu.memory_space<semaphore_mem>>)
      %dma_wait3A = arith.constant 0 : i32
      %dma_wait3A_125 = tpu.memref_slice %arg5[%add3A_5, %dma_wait3A] : memref<32x16xi32, #tpu.memory_space<hbm>> -> memref<1x16xi32, #tpu.memory_space<hbm>>
      %dma_wait3A_126 = tpu.memref_squeeze %dma_wait3A_125 : memref<1x16xi32, #tpu.memory_space<hbm>> -> memref<16xi32, #tpu.memory_space<hbm>>
      %dma_wait3A_127 = arith.constant 0 : i32
      %dma_wait3A_128 = tpu.memref_slice %arg5[%add3A_5, %dma_wait3A_127] : memref<32x16xi32, #tpu.memory_space<hbm>> -> memref<1x16xi32, #tpu.memory_space<hbm>>
      %dma_wait3A_129 = tpu.memref_squeeze %dma_wait3A_128 : memref<1x16xi32, #tpu.memory_space<hbm>> -> memref<16xi32, #tpu.memory_space<hbm>>
      tpu.wait_dma2 semaphore(%run_scoped3A_119 : memref<!tpu.dma_semaphore, #tpu.memory_space<semaphore_mem>>) src(%dma_wait3A_129 : memref<16xi32, #tpu.memory_space<hbm>>) dst(%arg11 : memref<16xi32, #tpu.memory_space<vmem>>)
      tpu.yield
    }) : () -> ()
    %iota3A = tpu.iota {dimensions = array<i32: 0>} : vector<16xi32>
    %eq3A = arith.constant 0 : i32
    %eq3A_7 = vector.broadcast %eq3A : i32 to vector<16xi32>
    %eq3A_8 = arith.cmpi eq, %iota3A, %eq3A_7 : vector<16xi32>
    %get3A = arith.constant 0 : index
    %get3A_9 = tpu.vector_load %arg11[%get3A] {strides = array<i32>} : memref<16xi32, #tpu.memory_space<vmem>>, vector<16xi32>,
    %jit3A = arith.constant 0 : i32
    %broadcast_in_dim3A = vector.broadcast %jit3A : i32 to vector<16xi32>
    %select_n3A = arith.select %eq3A_8, %get3A_9, %broadcast_in_dim3A : vector<16xi1>, vector<16xi32>
    %reduce_sum3A = arith.constant true
    %reduce_sum3A_10 = vector.broadcast %reduce_sum3A : i1 to vector<16xi1>
    %reduce_sum3A_11 = tpu.scan <sum>, %select_n3A masked %reduce_sum3A_10 : vector<16xi32>, vector<16xi1> -> vector<16xi32>
    %reduce_sum3A_12 = vector.extract %reduce_sum3A_11[15] : i32 from vector<16xi32>
    %iota3A_13 = tpu.iota {dimensions = array<i32: 0>} : vector<16xi32>
    %eq3A_14 = arith.constant 1 : i32
    %eq3A_15 = vector.broadcast %eq3A_14 : i32 to vector<16xi32>
    %eq3A_16 = arith.cmpi eq, %iota3A_13, %eq3A_15 : vector<16xi32>
    %get3A_17 = arith.constant 0 : index
    %get3A_18 = tpu.vector_load %arg11[%get3A_17] {strides = array<i32>} : memref<16xi32, #tpu.memory_space<vmem>>, vector<16xi32>,
    %jit3A_19 = arith.constant 0 : i32
    %broadcast_in_dim3A_20 = vector.broadcast %jit3A_19 : i32 to vector<16xi32>
    %select_n3A_21 = arith.select %eq3A_16, %get3A_18, %broadcast_in_dim3A_20 : vector<16xi1>, vector<16xi32>
    %reduce_sum3A_22 = arith.constant true
    %reduce_sum3A_23 = vector.broadcast %reduce_sum3A_22 : i1 to vector<16xi1>
    %reduce_sum3A_24 = tpu.scan <sum>, %select_n3A_21 masked %reduce_sum3A_23 : vector<16xi32>, vector<16xi1> -> vector<16xi32>
    %reduce_sum3A_25 = vector.extract %reduce_sum3A_24[15] : i32 from vector<16xi32>
    %sub3A = arith.constant 1 : i32
    %sub3A_26 = arith.subi %sub3A, %arg0 : i32
    %mul3A_27 = arith.muli %reduce_sum3A_12, %sub3A_26 : i32
    %mul3A_28 = arith.muli %reduce_sum3A_25, %arg0 : i32
    %add3A_29 = arith.addi %mul3A_27, %mul3A_28 : i32
    %swap3A = arith.constant 0 : i32
    %swap3A_30 = arith.index_cast %swap3A : i32 to index
    %swap3A_31 = memref.load %arg13[%swap3A_30] : memref<2xi32, #tpu.memory_space<smem>>
    memref.store %add3A_29, %arg13[%swap3A_30] : memref<2xi32, #tpu.memory_space<smem>>
    %mul3A_32 = arith.constant 2 : i32
    %mul3A_33 = arith.muli %mul3A_32, %arg1 : i32
    %add3A_34 = arith.constant 1 : i32
    %add3A_35 = arith.addi %mul3A_33, %add3A_34 : i32
    %run_scoped3A_36 = arith.constant 1 : i32
    "tpu.region"() ({
      %run_scoped3A_119 = tpu.sem_alloc : memref<!tpu.dma_semaphore, #tpu.memory_space<semaphore_mem>>
      %dma_start3A = arith.constant 0 : i32
      %dma_start3A_120 = arith.constant 0 : i32
      %dma_start3A_121 = tpu.memref_slice %arg8[%run_scoped3A_36, %dma_start3A, %dma_start3A_120] : memref<2x80x128xi32, #tpu.memory_space<vmem>> -> memref<1x80x128xi32, #tpu.memory_space<vmem>>
      %dma_start3A_122 = tpu.memref_squeeze %dma_start3A_121 : memref<1x80x128xi32, #tpu.memory_space<vmem>> -> memref<80x128xi32, #tpu.memory_space<vmem>>
      %dma_start3A_123 = arith.constant 0 : i32
      %dma_start3A_124 = arith.constant 0 : i32
      %dma_start3A_125 = arith.constant 0 : i32
      %dma_start3A_126 = tpu.memref_slice %arg3[%add3A_35, %dma_start3A_123, %dma_start3A_124, %dma_start3A_125] : memref<32x2x80x128xi32, #tpu.memory_space<hbm>> -> memref<1x2x80x128xi32, #tpu.memory_space<hbm>>
      %dma_start3A_127 = tpu.memref_squeeze %dma_start3A_126 : memref<1x2x80x128xi32, #tpu.memory_space<hbm>> -> memref<2x80x128xi32, #tpu.memory_space<hbm>>
      %dma_start3A_128 = arith.constant 0 : i32
      %dma_start3A_129 = arith.constant 0 : i32
      %dma_start3A_130 = tpu.memref_slice %dma_start3A_127[%arg0, %dma_start3A_128, %dma_start3A_129] : memref<2x80x128xi32, #tpu.memory_space<hbm>> -> memref<1x80x128xi32, #tpu.memory_space<hbm>>
      %dma_start3A_131 = tpu.memref_squeeze %dma_start3A_130 : memref<1x80x128xi32, #tpu.memory_space<hbm>> -> memref<80x128xi32, #tpu.memory_space<hbm>>
      %dma_start3A_132 = arith.constant 0 : i32
      %dma_start3A_133 = arith.constant 0 : i32
      %dma_start3A_134 = tpu.memref_slice %arg8[%run_scoped3A_36, %dma_start3A_132, %dma_start3A_133] : memref<2x80x128xi32, #tpu.memory_space<vmem>> -> memref<1x80x128xi32, #tpu.memory_space<vmem>>
      %dma_start3A_135 = tpu.memref_squeeze %dma_start3A_134 : memref<1x80x128xi32, #tpu.memory_space<vmem>> -> memref<80x128xi32, #tpu.memory_space<vmem>>
      %dma_start3A_136 = arith.constant 0 : i32
      %dma_start3A_137 = arith.constant 0 : i32
      %dma_start3A_138 = arith.constant 0 : i32
      %dma_start3A_139 = tpu.memref_slice %arg3[%add3A_35, %dma_start3A_136, %dma_start3A_137, %dma_start3A_138] : memref<32x2x80x128xi32, #tpu.memory_space<hbm>> -> memref<1x2x80x128xi32, #tpu.memory_space<hbm>>
      %dma_start3A_140 = tpu.memref_squeeze %dma_start3A_139 : memref<1x2x80x128xi32, #tpu.memory_space<hbm>> -> memref<2x80x128xi32, #tpu.memory_space<hbm>>
      %dma_start3A_141 = arith.constant 0 : i32
      %dma_start3A_142 = arith.constant 0 : i32
      %dma_start3A_143 = tpu.memref_slice %dma_start3A_140[%arg0, %dma_start3A_141, %dma_start3A_142] : memref<2x80x128xi32, #tpu.memory_space<hbm>> -> memref<1x80x128xi32, #tpu.memory_space<hbm>>
      %dma_start3A_144 = tpu.memref_squeeze %dma_start3A_143 : memref<1x80x128xi32, #tpu.memory_space<hbm>> -> memref<80x128xi32, #tpu.memory_space<hbm>>
      tpu.enqueue_dma source(%dma_start3A_144 : memref<80x128xi32, #tpu.memory_space<hbm>>) target(%dma_start3A_135 : memref<80x128xi32, #tpu.memory_space<vmem>>) target_semaphore(%run_scoped3A_119 : memref<!tpu.dma_semaphore, #tpu.memory_space<semaphore_mem>>)
      %dma_wait3A = arith.constant 0 : i32
      %dma_wait3A_145 = arith.constant 0 : i32
      %dma_wait3A_146 = tpu.memref_slice %arg8[%run_scoped3A_36, %dma_wait3A, %dma_wait3A_145] : memref<2x80x128xi32, #tpu.memory_space<vmem>> -> memref<1x80x128xi32, #tpu.memory_space<vmem>>
      %dma_wait3A_147 = tpu.memref_squeeze %dma_wait3A_146 : memref<1x80x128xi32, #tpu.memory_space<vmem>> -> memref<80x128xi32, #tpu.memory_space<vmem>>
      %dma_wait3A_148 = arith.constant 0 : i32
      %dma_wait3A_149 = arith.constant 0 : i32
      %dma_wait3A_150 = arith.constant 0 : i32
      %dma_wait3A_151 = tpu.memref_slice %arg3[%add3A_35, %dma_wait3A_148, %dma_wait3A_149, %dma_wait3A_150] : memref<32x2x80x128xi32, #tpu.memory_space<hbm>> -> memref<1x2x80x128xi32, #tpu.memory_space<hbm>>
      %dma_wait3A_152 = tpu.memref_squeeze %dma_wait3A_151 : memref<1x2x80x128xi32, #tpu.memory_space<hbm>> -> memref<2x80x128xi32, #tpu.memory_space<hbm>>
      %dma_wait3A_153 = arith.constant 0 : i32
      %dma_wait3A_154 = arith.constant 0 : i32
      %dma_wait3A_155 = tpu.memref_slice %dma_wait3A_152[%arg0, %dma_wait3A_153, %dma_wait3A_154] : memref<2x80x128xi32, #tpu.memory_space<hbm>> -> memref<1x80x128xi32, #tpu.memory_space<hbm>>
      %dma_wait3A_156 = tpu.memref_squeeze %dma_wait3A_155 : memref<1x80x128xi32, #tpu.memory_space<hbm>> -> memref<80x128xi32, #tpu.memory_space<hbm>>
      %dma_wait3A_157 = arith.constant 0 : i32
      %dma_wait3A_158 = arith.constant 0 : i32
      %dma_wait3A_159 = tpu.memref_slice %arg8[%run_scoped3A_36, %dma_wait3A_157, %dma_wait3A_158] : memref<2x80x128xi32, #tpu.memory_space<vmem>> -> memref<1x80x128xi32, #tpu.memory_space<vmem>>
      %dma_wait3A_160 = tpu.memref_squeeze %dma_wait3A_159 : memref<1x80x128xi32, #tpu.memory_space<vmem>> -> memref<80x128xi32, #tpu.memory_space<vmem>>
      %dma_wait3A_161 = arith.constant 0 : i32
      %dma_wait3A_162 = arith.constant 0 : i32
      %dma_wait3A_163 = arith.constant 0 : i32
      %dma_wait3A_164 = tpu.memref_slice %arg3[%add3A_35, %dma_wait3A_161, %dma_wait3A_162, %dma_wait3A_163] : memref<32x2x80x128xi32, #tpu.memory_space<hbm>> -> memref<1x2x80x128xi32, #tpu.memory_space<hbm>>
      %dma_wait3A_165 = tpu.memref_squeeze %dma_wait3A_164 : memref<1x2x80x128xi32, #tpu.memory_space<hbm>> -> memref<2x80x128xi32, #tpu.memory_space<hbm>>
      %dma_wait3A_166 = arith.constant 0 : i32
      %dma_wait3A_167 = arith.constant 0 : i32
      %dma_wait3A_168 = tpu.memref_slice %dma_wait3A_165[%arg0, %dma_wait3A_166, %dma_wait3A_167] : memref<2x80x128xi32, #tpu.memory_space<hbm>> -> memref<1x80x128xi32, #tpu.memory_space<hbm>>
      %dma_wait3A_169 = tpu.memref_squeeze %dma_wait3A_168 : memref<1x80x128xi32, #tpu.memory_space<hbm>> -> memref<80x128xi32, #tpu.memory_space<hbm>>
      tpu.wait_dma2 semaphore(%run_scoped3A_119 : memref<!tpu.dma_semaphore, #tpu.memory_space<semaphore_mem>>) src(%dma_wait3A_169 : memref<80x128xi32, #tpu.memory_space<hbm>>) dst(%dma_wait3A_160 : memref<80x128xi32, #tpu.memory_space<vmem>>)
      tpu.yield
    }) : () -> ()
    %run_scoped3A_37 = arith.constant 1 : i32
    "tpu.region"() ({
      %run_scoped3A_119 = tpu.sem_alloc : memref<!tpu.dma_semaphore, #tpu.memory_space<semaphore_mem>>
      %dma_start3A = arith.constant 0 : i32
      %dma_start3A_120 = arith.constant 0 : i32
      %dma_start3A_121 = tpu.memref_slice %arg9[%run_scoped3A_37, %dma_start3A, %dma_start3A_120] : memref<2x80x128xi32, #tpu.memory_space<vmem>> -> memref<1x80x128xi32, #tpu.memory_space<vmem>>
      %dma_start3A_122 = tpu.memref_squeeze %dma_start3A_121 : memref<1x80x128xi32, #tpu.memory_space<vmem>> -> memref<80x128xi32, #tpu.memory_space<vmem>>
      %dma_start3A_123 = arith.constant 0 : i32
      %dma_start3A_124 = arith.constant 0 : i32
      %dma_start3A_125 = arith.constant 0 : i32
      %dma_start3A_126 = tpu.memref_slice %arg4[%add3A_35, %dma_start3A_123, %dma_start3A_124, %dma_start3A_125] : memref<32x2x80x128xi32, #tpu.memory_space<hbm>> -> memref<1x2x80x128xi32, #tpu.memory_space<hbm>>
      %dma_start3A_127 = tpu.memref_squeeze %dma_start3A_126 : memref<1x2x80x128xi32, #tpu.memory_space<hbm>> -> memref<2x80x128xi32, #tpu.memory_space<hbm>>
      %dma_start3A_128 = arith.constant 0 : i32
      %dma_start3A_129 = arith.constant 0 : i32
      %dma_start3A_130 = tpu.memref_slice %dma_start3A_127[%arg0, %dma_start3A_128, %dma_start3A_129] : memref<2x80x128xi32, #tpu.memory_space<hbm>> -> memref<1x80x128xi32, #tpu.memory_space<hbm>>
      %dma_start3A_131 = tpu.memref_squeeze %dma_start3A_130 : memref<1x80x128xi32, #tpu.memory_space<hbm>> -> memref<80x128xi32, #tpu.memory_space<hbm>>
      %dma_start3A_132 = arith.constant 0 : i32
      %dma_start3A_133 = arith.constant 0 : i32
      %dma_start3A_134 = tpu.memref_slice %arg9[%run_scoped3A_37, %dma_start3A_132, %dma_start3A_133] : memref<2x80x128xi32, #tpu.memory_space<vmem>> -> memref<1x80x128xi32, #tpu.memory_space<vmem>>
      %dma_start3A_135 = tpu.memref_squeeze %dma_start3A_134 : memref<1x80x128xi32, #tpu.memory_space<vmem>> -> memref<80x128xi32, #tpu.memory_space<vmem>>
      %dma_start3A_136 = arith.constant 0 : i32
      %dma_start3A_137 = arith.constant 0 : i32
      %dma_start3A_138 = arith.constant 0 : i32
      %dma_start3A_139 = tpu.memref_slice %arg4[%add3A_35, %dma_start3A_136, %dma_start3A_137, %dma_start3A_138] : memref<32x2x80x128xi32, #tpu.memory_space<hbm>> -> memref<1x2x80x128xi32, #tpu.memory_space<hbm>>
      %dma_start3A_140 = tpu.memref_squeeze %dma_start3A_139 : memref<1x2x80x128xi32, #tpu.memory_space<hbm>> -> memref<2x80x128xi32, #tpu.memory_space<hbm>>
      %dma_start3A_141 = arith.constant 0 : i32
      %dma_start3A_142 = arith.constant 0 : i32
      %dma_start3A_143 = tpu.memref_slice %dma_start3A_140[%arg0, %dma_start3A_141, %dma_start3A_142] : memref<2x80x128xi32, #tpu.memory_space<hbm>> -> memref<1x80x128xi32, #tpu.memory_space<hbm>>
      %dma_start3A_144 = tpu.memref_squeeze %dma_start3A_143 : memref<1x80x128xi32, #tpu.memory_space<hbm>> -> memref<80x128xi32, #tpu.memory_space<hbm>>
      tpu.enqueue_dma source(%dma_start3A_144 : memref<80x128xi32, #tpu.memory_space<hbm>>) target(%dma_start3A_135 : memref<80x128xi32, #tpu.memory_space<vmem>>) target_semaphore(%run_scoped3A_119 : memref<!tpu.dma_semaphore, #tpu.memory_space<semaphore_mem>>)
      %dma_wait3A = arith.constant 0 : i32
      %dma_wait3A_145 = arith.constant 0 : i32
      %dma_wait3A_146 = tpu.memref_slice %arg9[%run_scoped3A_37, %dma_wait3A, %dma_wait3A_145] : memref<2x80x128xi32, #tpu.memory_space<vmem>> -> memref<1x80x128xi32, #tpu.memory_space<vmem>>
      %dma_wait3A_147 = tpu.memref_squeeze %dma_wait3A_146 : memref<1x80x128xi32, #tpu.memory_space<vmem>> -> memref<80x128xi32, #tpu.memory_space<vmem>>
      %dma_wait3A_148 = arith.constant 0 : i32
      %dma_wait3A_149 = arith.constant 0 : i32
      %dma_wait3A_150 = arith.constant 0 : i32
      %dma_wait3A_151 = tpu.memref_slice %arg4[%add3A_35, %dma_wait3A_148, %dma_wait3A_149, %dma_wait3A_150] : memref<32x2x80x128xi32, #tpu.memory_space<hbm>> -> memref<1x2x80x128xi32, #tpu.memory_space<hbm>>
      %dma_wait3A_152 = tpu.memref_squeeze %dma_wait3A_151 : memref<1x2x80x128xi32, #tpu.memory_space<hbm>> -> memref<2x80x128xi32, #tpu.memory_space<hbm>>
      %dma_wait3A_153 = arith.constant 0 : i32
      %dma_wait3A_154 = arith.constant 0 : i32
      %dma_wait3A_155 = tpu.memref_slice %dma_wait3A_152[%arg0, %dma_wait3A_153, %dma_wait3A_154] : memref<2x80x128xi32, #tpu.memory_space<hbm>> -> memref<1x80x128xi32, #tpu.memory_space<hbm>>
      %dma_wait3A_156 = tpu.memref_squeeze %dma_wait3A_155 : memref<1x80x128xi32, #tpu.memory_space<hbm>> -> memref<80x128xi32, #tpu.memory_space<hbm>>
      %dma_wait3A_157 = arith.constant 0 : i32
      %dma_wait3A_158 = arith.constant 0 : i32
      %dma_wait3A_159 = tpu.memref_slice %arg9[%run_scoped3A_37, %dma_wait3A_157, %dma_wait3A_158] : memref<2x80x128xi32, #tpu.memory_space<vmem>> -> memref<1x80x128xi32, #tpu.memory_space<vmem>>
      %dma_wait3A_160 = tpu.memref_squeeze %dma_wait3A_159 : memref<1x80x128xi32, #tpu.memory_space<vmem>> -> memref<80x128xi32, #tpu.memory_space<vmem>>
      %dma_wait3A_161 = arith.constant 0 : i32
      %dma_wait3A_162 = arith.constant 0 : i32
      %dma_wait3A_163 = arith.constant 0 : i32
      %dma_wait3A_164 = tpu.memref_slice %arg4[%add3A_35, %dma_wait3A_161, %dma_wait3A_162, %dma_wait3A_163] : memref<32x2x80x128xi32, #tpu.memory_space<hbm>> -> memref<1x2x80x128xi32, #tpu.memory_space<hbm>>
      %dma_wait3A_165 = tpu.memref_squeeze %dma_wait3A_164 : memref<1x2x80x128xi32, #tpu.memory_space<hbm>> -> memref<2x80x128xi32, #tpu.memory_space<hbm>>
      %dma_wait3A_166 = arith.constant 0 : i32
      %dma_wait3A_167 = arith.constant 0 : i32
      %dma_wait3A_168 = tpu.memref_slice %dma_wait3A_165[%arg0, %dma_wait3A_166, %dma_wait3A_167] : memref<2x80x128xi32, #tpu.memory_space<hbm>> -> memref<1x80x128xi32, #tpu.memory_space<hbm>>
      %dma_wait3A_169 = tpu.memref_squeeze %dma_wait3A_168 : memref<1x80x128xi32, #tpu.memory_space<hbm>> -> memref<80x128xi32, #tpu.memory_space<hbm>>
      tpu.wait_dma2 semaphore(%run_scoped3A_119 : memref<!tpu.dma_semaphore, #tpu.memory_space<semaphore_mem>>) src(%dma_wait3A_169 : memref<80x128xi32, #tpu.memory_space<hbm>>) dst(%dma_wait3A_160 : memref<80x128xi32, #tpu.memory_space<vmem>>)
      tpu.yield
    }) : () -> ()
    "tpu.region"() ({
      %run_scoped3A_119 = tpu.sem_alloc : memref<!tpu.dma_semaphore, #tpu.memory_space<semaphore_mem>>
      %dma_start3A = arith.constant 0 : i32
      %dma_start3A_120 = tpu.memref_slice %arg5[%add3A_35, %dma_start3A] : memref<32x16xi32, #tpu.memory_space<hbm>> -> memref<1x16xi32, #tpu.memory_space<hbm>>
      %dma_start3A_121 = tpu.memref_squeeze %dma_start3A_120 : memref<1x16xi32, #tpu.memory_space<hbm>> -> memref<16xi32, #tpu.memory_space<hbm>>
      %dma_start3A_122 = arith.constant 0 : i32
      %dma_start3A_123 = tpu.memref_slice %arg5[%add3A_35, %dma_start3A_122] : memref<32x16xi32, #tpu.memory_space<hbm>> -> memref<1x16xi32, #tpu.memory_space<hbm>>
      %dma_start3A_124 = tpu.memref_squeeze %dma_start3A_123 : memref<1x16xi32, #tpu.memory_space<hbm>> -> memref<16xi32, #tpu.memory_space<hbm>>
      tpu.enqueue_dma source(%dma_start3A_124 : memref<16xi32, #tpu.memory_space<hbm>>) target(%arg11 : memref<16xi32, #tpu.memory_space<vmem>>) target_semaphore(%run_scoped3A_119 : memref<!tpu.dma_semaphore, #tpu.memory_space<semaphore_mem>>)
      %dma_wait3A = arith.constant 0 : i32
      %dma_wait3A_125 = tpu.memref_slice %arg5[%add3A_35, %dma_wait3A] : memref<32x16xi32, #tpu.memory_space<hbm>> -> memref<1x16xi32, #tpu.memory_space<hbm>>
      %dma_wait3A_126 = tpu.memref_squeeze %dma_wait3A_125 : memref<1x16xi32, #tpu.memory_space<hbm>> -> memref<16xi32, #tpu.memory_space<hbm>>
      %dma_wait3A_127 = arith.constant 0 : i32
      %dma_wait3A_128 = tpu.memref_slice %arg5[%add3A_35, %dma_wait3A_127] : memref<32x16xi32, #tpu.memory_space<hbm>> -> memref<1x16xi32, #tpu.memory_space<hbm>>
      %dma_wait3A_129 = tpu.memref_squeeze %dma_wait3A_128 : memref<1x16xi32, #tpu.memory_space<hbm>> -> memref<16xi32, #tpu.memory_space<hbm>>
      tpu.wait_dma2 semaphore(%run_scoped3A_119 : memref<!tpu.dma_semaphore, #tpu.memory_space<semaphore_mem>>) src(%dma_wait3A_129 : memref<16xi32, #tpu.memory_space<hbm>>) dst(%arg11 : memref<16xi32, #tpu.memory_space<vmem>>)
      tpu.yield
    }) : () -> ()
    %iota3A_38 = tpu.iota {dimensions = array<i32: 0>} : vector<16xi32>
    %eq3A_39 = arith.constant 0 : i32
    %eq3A_40 = vector.broadcast %eq3A_39 : i32 to vector<16xi32>
    %eq3A_41 = arith.cmpi eq, %iota3A_38, %eq3A_40 : vector<16xi32>
    %get3A_42 = arith.constant 0 : index
    %get3A_43 = tpu.vector_load %arg11[%get3A_42] {strides = array<i32>} : memref<16xi32, #tpu.memory_space<vmem>>, vector<16xi32>,
    %jit3A_44 = arith.constant 0 : i32
    %broadcast_in_dim3A_45 = vector.broadcast %jit3A_44 : i32 to vector<16xi32>
    %select_n3A_46 = arith.select %eq3A_41, %get3A_43, %broadcast_in_dim3A_45 : vector<16xi1>, vector<16xi32>
    %reduce_sum3A_47 = arith.constant true
    %reduce_sum3A_48 = vector.broadcast %reduce_sum3A_47 : i1 to vector<16xi1>
    %reduce_sum3A_49 = tpu.scan <sum>, %select_n3A_46 masked %reduce_sum3A_48 : vector<16xi32>, vector<16xi1> -> vector<16xi32>
    %reduce_sum3A_50 = vector.extract %reduce_sum3A_49[15] : i32 from vector<16xi32>
    %iota3A_51 = tpu.iota {dimensions = array<i32: 0>} : vector<16xi32>
    %eq3A_52 = arith.constant 1 : i32
    %eq3A_53 = vector.broadcast %eq3A_52 : i32 to vector<16xi32>
    %eq3A_54 = arith.cmpi eq, %iota3A_51, %eq3A_53 : vector<16xi32>
    %get3A_55 = arith.constant 0 : index
    %get3A_56 = tpu.vector_load %arg11[%get3A_55] {strides = array<i32>} : memref<16xi32, #tpu.memory_space<vmem>>, vector<16xi32>,
    %jit3A_57 = arith.constant 0 : i32
    %broadcast_in_dim3A_58 = vector.broadcast %jit3A_57 : i32 to vector<16xi32>
    %select_n3A_59 = arith.select %eq3A_54, %get3A_56, %broadcast_in_dim3A_58 : vector<16xi1>, vector<16xi32>
    %reduce_sum3A_60 = arith.constant true
    %reduce_sum3A_61 = vector.broadcast %reduce_sum3A_60 : i1 to vector<16xi1>
    %reduce_sum3A_62 = tpu.scan <sum>, %select_n3A_59 masked %reduce_sum3A_61 : vector<16xi32>, vector<16xi1> -> vector<16xi32>
    %reduce_sum3A_63 = vector.extract %reduce_sum3A_62[15] : i32 from vector<16xi32>
    %sub3A_64 = arith.constant 1 : i32
    %sub3A_65 = arith.subi %sub3A_64, %arg0 : i32
    %mul3A_66 = arith.muli %reduce_sum3A_50, %sub3A_65 : i32
    %mul3A_67 = arith.muli %reduce_sum3A_63, %arg0 : i32
    %add3A_68 = arith.addi %mul3A_66, %mul3A_67 : i32
    %swap3A_69 = arith.constant 1 : i32
    %swap3A_70 = arith.index_cast %swap3A_69 : i32 to index
    %swap3A_71 = memref.load %arg13[%swap3A_70] : memref<2xi32, #tpu.memory_space<smem>>
    memref.store %add3A_68, %arg13[%swap3A_70] : memref<2xi32, #tpu.memory_space<smem>>
    %barrier3A = arith.constant 0 : index
    tpu.barrier barrier_id(%barrier3A)
    %get3A_72 = arith.constant 0 : i32
    %get3A_73 = arith.index_cast %get3A_72 : i32 to index
    %get3A_74 = memref.load %arg13[%get3A_73] : memref<2xi32, #tpu.memory_space<smem>>
    %sub3A_75 = arith.constant 0 : i32
    %sub3A_76 = arith.subi %get3A_74, %sub3A_75 : i32
    %sub3A_77 = arith.constant 1 : i32
    %sub3A_78 = arith.constant 1 : i32
    %sub3A_79 = arith.subi %sub3A_77, %sub3A_78 : i32
    %add3A_80 = arith.addi %sub3A_76, %sub3A_79 : i32
    %div3A = arith.constant 1 : i32
    %div3A_81 = arith.divsi %add3A_80, %div3A : i32
    %while3A = arith.constant 1 : i32
    %while3A_82 = arith.constant 0 : i32
    %while3A_83 = arith.constant 0 : i32
    %while3A_84 = arith.subi %div3A_81, %while3A_83 : i32
    %while3A_85 = arith.addi %while3A_83, %while3A_84 : i32
    %while3A_86 = arith.constant 1 : i32
    %while3A_87 = arith.divsi %while3A_84, %while3A_86 : i32
    %while3A_88 = arith.muli %while3A_87, %while3A_86 : i32
    %while3A_89 = arith.addi %while3A_83, %while3A_88 : i32
    %while3A_90 = arith.constant 1 : i32
    scf.for %while3A_119 = %while3A_83 to %while3A_89 step %while3A_90  : i32 {
      %mul3A_120 = arith.muli %while3A_119, %while3A : i32
      %add3A_121 = arith.addi %while3A_82, %mul3A_120 : i32
      %run_scoped3A_122 = arith.constant 0 : i32
      "tpu.region"() ({
        %run_scoped3A_124 = tpu.sem_alloc : memref<!tpu.dma_semaphore, #tpu.memory_space<semaphore_mem>>
        %dma_start3A = arith.constant 0 : i32
        %dma_start3A_125 = arith.constant 0 : i32
        %dma_start3A_126 = tpu.memref_slice %arg8[%run_scoped3A_122, %dma_start3A, %dma_start3A_125] : memref<2x80x128xi32, #tpu.memory_space<vmem>> -> memref<1x80x128xi32, #tpu.memory_space<vmem>>
        %dma_start3A_127 = tpu.memref_squeeze %dma_start3A_126 : memref<1x80x128xi32, #tpu.memory_space<vmem>> -> memref<80x128xi32, #tpu.memory_space<vmem>>
        %dma_start3A_128 = arith.constant 0 : i32
        %dma_start3A_129 = tpu.memref_slice %dma_start3A_127[%add3A_121, %dma_start3A_128] : memref<80x128xi32, #tpu.memory_space<vmem>> -> memref<1x128xi32, #tpu.memory_space<vmem>>
        %dma_start3A_130 = tpu.memref_squeeze %dma_start3A_129 : memref<1x128xi32, #tpu.memory_space<vmem>> -> memref<128xi32, #tpu.memory_space<vmem>>
        %dma_start3A_131 = arith.constant 0 : i32
        %dma_start3A_132 = arith.constant 0 : i32
        %dma_start3A_133 = tpu.memref_slice %arg2[%dma_start3A_131, %dma_start3A_132] : memref<10000x128xf32, #tpu.memory_space<hbm>> -> memref<10000x128xf32, #tpu.memory_space<hbm>>
        tpu.enqueue_indirect_dma source(%dma_start3A_133 : memref<10000x128xf32, #tpu.memory_space<hbm>>) target(%arg10 : memref<128x128xf32, #tpu.memory_space<vmem>>) offsets(%dma_start3A_130 : memref<128xi32, #tpu.memory_space<vmem>>) semaphore(%run_scoped3A_124 : memref<!tpu.dma_semaphore, #tpu.memory_space<semaphore_mem>>)
        %dma_wait3A = arith.constant 0 : i32
        %dma_wait3A_134 = arith.constant 0 : i32
        %dma_wait3A_135 = tpu.memref_slice %arg8[%run_scoped3A_122, %dma_wait3A, %dma_wait3A_134] : memref<2x80x128xi32, #tpu.memory_space<vmem>> -> memref<1x80x128xi32, #tpu.memory_space<vmem>>
        %dma_wait3A_136 = tpu.memref_squeeze %dma_wait3A_135 : memref<1x80x128xi32, #tpu.memory_space<vmem>> -> memref<80x128xi32, #tpu.memory_space<vmem>>
        %dma_wait3A_137 = arith.constant 0 : i32
        %dma_wait3A_138 = tpu.memref_slice %dma_wait3A_136[%add3A_121, %dma_wait3A_137] : memref<80x128xi32, #tpu.memory_space<vmem>> -> memref<1x128xi32, #tpu.memory_space<vmem>>
        %dma_wait3A_139 = tpu.memref_squeeze %dma_wait3A_138 : memref<1x128xi32, #tpu.memory_space<vmem>> -> memref<128xi32, #tpu.memory_space<vmem>>
        %dma_wait3A_140 = arith.constant 0 : i32
        %dma_wait3A_141 = arith.constant 0 : i32
        %dma_wait3A_142 = tpu.memref_slice %arg2[%dma_wait3A_140, %dma_wait3A_141] : memref<10000x128xf32, #tpu.memory_space<hbm>> -> memref<10000x128xf32, #tpu.memory_space<hbm>>
        tpu.wait_indirect_dma semaphore(%run_scoped3A_124 : memref<!tpu.dma_semaphore, #tpu.memory_space<semaphore_mem>>) src(%dma_wait3A_142 : memref<10000x128xf32, #tpu.memory_space<hbm>>) dst(%arg10 : memref<128x128xf32, #tpu.memory_space<vmem>>)
        tpu.yield
      }) : () -> ()
      %run_scoped3A_123 = arith.constant 0 : i32
      "tpu.region"() ({
        %run_scoped3A_124 = tpu.sem_alloc : memref<!tpu.dma_semaphore, #tpu.memory_space<semaphore_mem>>
        %dma_start3A = arith.constant 0 : i32
        %dma_start3A_125 = arith.constant 0 : i32
        %dma_start3A_126 = tpu.memref_slice %arg9[%run_scoped3A_123, %dma_start3A, %dma_start3A_125] : memref<2x80x128xi32, #tpu.memory_space<vmem>> -> memref<1x80x128xi32, #tpu.memory_space<vmem>>
        %dma_start3A_127 = tpu.memref_squeeze %dma_start3A_126 : memref<1x80x128xi32, #tpu.memory_space<vmem>> -> memref<80x128xi32, #tpu.memory_space<vmem>>
        %dma_start3A_128 = arith.constant 0 : i32
        %dma_start3A_129 = tpu.memref_slice %dma_start3A_127[%add3A_121, %dma_start3A_128] : memref<80x128xi32, #tpu.memory_space<vmem>> -> memref<1x128xi32, #tpu.memory_space<vmem>>
        %dma_start3A_130 = tpu.memref_squeeze %dma_start3A_129 : memref<1x128xi32, #tpu.memory_space<vmem>> -> memref<128xi32, #tpu.memory_space<vmem>>
        %dma_start3A_131 = arith.constant 0 : i32
        %dma_start3A_132 = arith.constant 0 : i32
        %dma_start3A_133 = tpu.memref_slice %arg12[%dma_start3A_131, %dma_start3A_132] : memref<5120x128xf32, #tpu.memory_space<vmem_shared>> -> memref<5120x128xf32, #tpu.memory_space<vmem_shared>>
        tpu.enqueue_indirect_dma source(%arg10 : memref<128x128xf32, #tpu.memory_space<vmem>>) target(%dma_start3A_133 : memref<5120x128xf32, #tpu.memory_space<vmem_shared>>) offsets(%dma_start3A_130 : memref<128xi32, #tpu.memory_space<vmem>>) semaphore(%run_scoped3A_124 : memref<!tpu.dma_semaphore, #tpu.memory_space<semaphore_mem>>) {add = true}
        %dma_wait3A = arith.constant 0 : i32
        %dma_wait3A_134 = arith.constant 0 : i32
        %dma_wait3A_135 = tpu.memref_slice %arg9[%run_scoped3A_123, %dma_wait3A, %dma_wait3A_134] : memref<2x80x128xi32, #tpu.memory_space<vmem>> -> memref<1x80x128xi32, #tpu.memory_space<vmem>>
        %dma_wait3A_136 = tpu.memref_squeeze %dma_wait3A_135 : memref<1x80x128xi32, #tpu.memory_space<vmem>> -> memref<80x128xi32, #tpu.memory_space<vmem>>
        %dma_wait3A_137 = arith.constant 0 : i32
        %dma_wait3A_138 = tpu.memref_slice %dma_wait3A_136[%add3A_121, %dma_wait3A_137] : memref<80x128xi32, #tpu.memory_space<vmem>> -> memref<1x128xi32, #tpu.memory_space<vmem>>
        %dma_wait3A_139 = tpu.memref_squeeze %dma_wait3A_138 : memref<1x128xi32, #tpu.memory_space<vmem>> -> memref<128xi32, #tpu.memory_space<vmem>>
        %dma_wait3A_140 = arith.constant 0 : i32
        %dma_wait3A_141 = arith.constant 0 : i32
        %dma_wait3A_142 = tpu.memref_slice %arg12[%dma_wait3A_140, %dma_wait3A_141] : memref<5120x128xf32, #tpu.memory_space<vmem_shared>> -> memref<5120x128xf32, #tpu.memory_space<vmem_shared>>
        tpu.wait_indirect_dma semaphore(%run_scoped3A_124 : memref<!tpu.dma_semaphore, #tpu.memory_space<semaphore_mem>>) src(%arg10 : memref<128x128xf32, #tpu.memory_space<vmem>>) dst(%dma_wait3A_142 : memref<5120x128xf32, #tpu.memory_space<vmem_shared>>)
        tpu.yield
      }) : () -> ()
    }
    %while3A_91 = arith.constant 1 : i32
    scf.for %while3A_119 = %while3A_89 to %while3A_85 step %while3A_91  : i32 {
      %mul3A_120 = arith.muli %while3A_119, %while3A : i32
      %add3A_121 = arith.addi %while3A_82, %mul3A_120 : i32
      %run_scoped3A_122 = arith.constant 0 : i32
      "tpu.region"() ({
        %run_scoped3A_124 = tpu.sem_alloc : memref<!tpu.dma_semaphore, #tpu.memory_space<semaphore_mem>>
        %dma_start3A = arith.constant 0 : i32
        %dma_start3A_125 = arith.constant 0 : i32
        %dma_start3A_126 = tpu.memref_slice %arg8[%run_scoped3A_122, %dma_start3A, %dma_start3A_125] : memref<2x80x128xi32, #tpu.memory_space<vmem>> -> memref<1x80x128xi32, #tpu.memory_space<vmem>>
        %dma_start3A_127 = tpu.memref_squeeze %dma_start3A_126 : memref<1x80x128xi32, #tpu.memory_space<vmem>> -> memref<80x128xi32, #tpu.memory_space<vmem>>
        %dma_start3A_128 = arith.constant 0 : i32
        %dma_start3A_129 = tpu.memref_slice %dma_start3A_127[%add3A_121, %dma_start3A_128] : memref<80x128xi32, #tpu.memory_space<vmem>> -> memref<1x128xi32, #tpu.memory_space<vmem>>
        %dma_start3A_130 = tpu.memref_squeeze %dma_start3A_129 : memref<1x128xi32, #tpu.memory_space<vmem>> -> memref<128xi32, #tpu.memory_space<vmem>>
        %dma_start3A_131 = arith.constant 0 : i32
        %dma_start3A_132 = arith.constant 0 : i32
        %dma_start3A_133 = tpu.memref_slice %arg2[%dma_start3A_131, %dma_start3A_132] : memref<10000x128xf32, #tpu.memory_space<hbm>> -> memref<10000x128xf32, #tpu.memory_space<hbm>>
        tpu.enqueue_indirect_dma source(%dma_start3A_133 : memref<10000x128xf32, #tpu.memory_space<hbm>>) target(%arg10 : memref<128x128xf32, #tpu.memory_space<vmem>>) offsets(%dma_start3A_130 : memref<128xi32, #tpu.memory_space<vmem>>) semaphore(%run_scoped3A_124 : memref<!tpu.dma_semaphore, #tpu.memory_space<semaphore_mem>>)
        %dma_wait3A = arith.constant 0 : i32
        %dma_wait3A_134 = arith.constant 0 : i32
        %dma_wait3A_135 = tpu.memref_slice %arg8[%run_scoped3A_122, %dma_wait3A, %dma_wait3A_134] : memref<2x80x128xi32, #tpu.memory_space<vmem>> -> memref<1x80x128xi32, #tpu.memory_space<vmem>>
        %dma_wait3A_136 = tpu.memref_squeeze %dma_wait3A_135 : memref<1x80x128xi32, #tpu.memory_space<vmem>> -> memref<80x128xi32, #tpu.memory_space<vmem>>
        %dma_wait3A_137 = arith.constant 0 : i32
        %dma_wait3A_138 = tpu.memref_slice %dma_wait3A_136[%add3A_121, %dma_wait3A_137] : memref<80x128xi32, #tpu.memory_space<vmem>> -> memref<1x128xi32, #tpu.memory_space<vmem>>
        %dma_wait3A_139 = tpu.memref_squeeze %dma_wait3A_138 : memref<1x128xi32, #tpu.memory_space<vmem>> -> memref<128xi32, #tpu.memory_space<vmem>>
        %dma_wait3A_140 = arith.constant 0 : i32
        %dma_wait3A_141 = arith.constant 0 : i32
        %dma_wait3A_142 = tpu.memref_slice %arg2[%dma_wait3A_140, %dma_wait3A_141] : memref<10000x128xf32, #tpu.memory_space<hbm>> -> memref<10000x128xf32, #tpu.memory_space<hbm>>
        tpu.wait_indirect_dma semaphore(%run_scoped3A_124 : memref<!tpu.dma_semaphore, #tpu.memory_space<semaphore_mem>>) src(%dma_wait3A_142 : memref<10000x128xf32, #tpu.memory_space<hbm>>) dst(%arg10 : memref<128x128xf32, #tpu.memory_space<vmem>>)
        tpu.yield
      }) : () -> ()
      %run_scoped3A_123 = arith.constant 0 : i32
      "tpu.region"() ({
        %run_scoped3A_124 = tpu.sem_alloc : memref<!tpu.dma_semaphore, #tpu.memory_space<semaphore_mem>>
        %dma_start3A = arith.constant 0 : i32
        %dma_start3A_125 = arith.constant 0 : i32
        %dma_start3A_126 = tpu.memref_slice %arg9[%run_scoped3A_123, %dma_start3A, %dma_start3A_125] : memref<2x80x128xi32, #tpu.memory_space<vmem>> -> memref<1x80x128xi32, #tpu.memory_space<vmem>>
        %dma_start3A_127 = tpu.memref_squeeze %dma_start3A_126 : memref<1x80x128xi32, #tpu.memory_space<vmem>> -> memref<80x128xi32, #tpu.memory_space<vmem>>
        %dma_start3A_128 = arith.constant 0 : i32
        %dma_start3A_129 = tpu.memref_slice %dma_start3A_127[%add3A_121, %dma_start3A_128] : memref<80x128xi32, #tpu.memory_space<vmem>> -> memref<1x128xi32, #tpu.memory_space<vmem>>
        %dma_start3A_130 = tpu.memref_squeeze %dma_start3A_129 : memref<1x128xi32, #tpu.memory_space<vmem>> -> memref<128xi32, #tpu.memory_space<vmem>>
        %dma_start3A_131 = arith.constant 0 : i32
        %dma_start3A_132 = arith.constant 0 : i32
        %dma_start3A_133 = tpu.memref_slice %arg12[%dma_start3A_131, %dma_start3A_132] : memref<5120x128xf32, #tpu.memory_space<vmem_shared>> -> memref<5120x128xf32, #tpu.memory_space<vmem_shared>>
        tpu.enqueue_indirect_dma source(%arg10 : memref<128x128xf32, #tpu.memory_space<vmem>>) target(%dma_start3A_133 : memref<5120x128xf32, #tpu.memory_space<vmem_shared>>) offsets(%dma_start3A_130 : memref<128xi32, #tpu.memory_space<vmem>>) semaphore(%run_scoped3A_124 : memref<!tpu.dma_semaphore, #tpu.memory_space<semaphore_mem>>) {add = true}
        %dma_wait3A = arith.constant 0 : i32
        %dma_wait3A_134 = arith.constant 0 : i32
        %dma_wait3A_135 = tpu.memref_slice %arg9[%run_scoped3A_123, %dma_wait3A, %dma_wait3A_134] : memref<2x80x128xi32, #tpu.memory_space<vmem>> -> memref<1x80x128xi32, #tpu.memory_space<vmem>>
        %dma_wait3A_136 = tpu.memref_squeeze %dma_wait3A_135 : memref<1x80x128xi32, #tpu.memory_space<vmem>> -> memref<80x128xi32, #tpu.memory_space<vmem>>
        %dma_wait3A_137 = arith.constant 0 : i32
        %dma_wait3A_138 = tpu.memref_slice %dma_wait3A_136[%add3A_121, %dma_wait3A_137] : memref<80x128xi32, #tpu.memory_space<vmem>> -> memref<1x128xi32, #tpu.memory_space<vmem>>
        %dma_wait3A_139 = tpu.memref_squeeze %dma_wait3A_138 : memref<1x128xi32, #tpu.memory_space<vmem>> -> memref<128xi32, #tpu.memory_space<vmem>>
        %dma_wait3A_140 = arith.constant 0 : i32
        %dma_wait3A_141 = arith.constant 0 : i32
        %dma_wait3A_142 = tpu.memref_slice %arg12[%dma_wait3A_140, %dma_wait3A_141] : memref<5120x128xf32, #tpu.memory_space<vmem_shared>> -> memref<5120x128xf32, #tpu.memory_space<vmem_shared>>
        tpu.wait_indirect_dma semaphore(%run_scoped3A_124 : memref<!tpu.dma_semaphore, #tpu.memory_space<semaphore_mem>>) src(%arg10 : memref<128x128xf32, #tpu.memory_space<vmem>>) dst(%dma_wait3A_142 : memref<5120x128xf32, #tpu.memory_space<vmem_shared>>)
        tpu.yield
      }) : () -> ()
    }
    %get3A_92 = arith.constant 1 : i32
    %get3A_93 = arith.index_cast %get3A_92 : i32 to index
    %get3A_94 = memref.load %arg13[%get3A_93] : memref<2xi32, #tpu.memory_space<smem>>
    %sub3A_95 = arith.constant 0 : i32
    %sub3A_96 = arith.subi %get3A_94, %sub3A_95 : i32
    %sub3A_97 = arith.constant 1 : i32
    %sub3A_98 = arith.constant 1 : i32
    %sub3A_99 = arith.subi %sub3A_97, %sub3A_98 : i32
    %add3A_100 = arith.addi %sub3A_96, %sub3A_99 : i32
    %div3A_101 = arith.constant 1 : i32
    %div3A_102 = arith.divsi %add3A_100, %div3A_101 : i32
    %while3A_103 = arith.constant 1 : i32
    %while3A_104 = arith.constant 0 : i32
    %while3A_105 = arith.constant 0 : i32
    %while3A_106 = arith.subi %div3A_102, %while3A_105 : i32
    %while3A_107 = arith.addi %while3A_105, %while3A_106 : i32
    %while3A_108 = arith.constant 1 : i32
    %while3A_109 = arith.divsi %while3A_106, %while3A_108 : i32
    %while3A_110 = arith.muli %while3A_109, %while3A_108 : i32
    %while3A_111 = arith.addi %while3A_105, %while3A_110 : i32
    %while3A_112 = arith.constant 1 : i32
    scf.for %while3A_119 = %while3A_105 to %while3A_111 step %while3A_112  : i32 {
      %mul3A_120 = arith.muli %while3A_119, %while3A_103 : i32
      %add3A_121 = arith.addi %while3A_104, %mul3A_120 : i32
      %run_scoped3A_122 = arith.constant 1 : i32
      "tpu.region"() ({
        %run_scoped3A_124 = tpu.sem_alloc : memref<!tpu.dma_semaphore, #tpu.memory_space<semaphore_mem>>
        %dma_start3A = arith.constant 0 : i32
        %dma_start3A_125 = arith.constant 0 : i32
        %dma_start3A_126 = tpu.memref_slice %arg8[%run_scoped3A_122, %dma_start3A, %dma_start3A_125] : memref<2x80x128xi32, #tpu.memory_space<vmem>> -> memref<1x80x128xi32, #tpu.memory_space<vmem>>
        %dma_start3A_127 = tpu.memref_squeeze %dma_start3A_126 : memref<1x80x128xi32, #tpu.memory_space<vmem>> -> memref<80x128xi32, #tpu.memory_space<vmem>>
        %dma_start3A_128 = arith.constant 0 : i32
        %dma_start3A_129 = tpu.memref_slice %dma_start3A_127[%add3A_121, %dma_start3A_128] : memref<80x128xi32, #tpu.memory_space<vmem>> -> memref<1x128xi32, #tpu.memory_space<vmem>>
        %dma_start3A_130 = tpu.memref_squeeze %dma_start3A_129 : memref<1x128xi32, #tpu.memory_space<vmem>> -> memref<128xi32, #tpu.memory_space<vmem>>
        %dma_start3A_131 = arith.constant 0 : i32
        %dma_start3A_132 = arith.constant 0 : i32
        %dma_start3A_133 = tpu.memref_slice %arg2[%dma_start3A_131, %dma_start3A_132] : memref<10000x128xf32, #tpu.memory_space<hbm>> -> memref<10000x128xf32, #tpu.memory_space<hbm>>
        tpu.enqueue_indirect_dma source(%dma_start3A_133 : memref<10000x128xf32, #tpu.memory_space<hbm>>) target(%arg10 : memref<128x128xf32, #tpu.memory_space<vmem>>) offsets(%dma_start3A_130 : memref<128xi32, #tpu.memory_space<vmem>>) semaphore(%run_scoped3A_124 : memref<!tpu.dma_semaphore, #tpu.memory_space<semaphore_mem>>)
        %dma_wait3A = arith.constant 0 : i32
        %dma_wait3A_134 = arith.constant 0 : i32
        %dma_wait3A_135 = tpu.memref_slice %arg8[%run_scoped3A_122, %dma_wait3A, %dma_wait3A_134] : memref<2x80x128xi32, #tpu.memory_space<vmem>> -> memref<1x80x128xi32, #tpu.memory_space<vmem>>
        %dma_wait3A_136 = tpu.memref_squeeze %dma_wait3A_135 : memref<1x80x128xi32, #tpu.memory_space<vmem>> -> memref<80x128xi32, #tpu.memory_space<vmem>>
        %dma_wait3A_137 = arith.constant 0 : i32
        %dma_wait3A_138 = tpu.memref_slice %dma_wait3A_136[%add3A_121, %dma_wait3A_137] : memref<80x128xi32, #tpu.memory_space<vmem>> -> memref<1x128xi32, #tpu.memory_space<vmem>>
        %dma_wait3A_139 = tpu.memref_squeeze %dma_wait3A_138 : memref<1x128xi32, #tpu.memory_space<vmem>> -> memref<128xi32, #tpu.memory_space<vmem>>
        %dma_wait3A_140 = arith.constant 0 : i32
        %dma_wait3A_141 = arith.constant 0 : i32
        %dma_wait3A_142 = tpu.memref_slice %arg2[%dma_wait3A_140, %dma_wait3A_141] : memref<10000x128xf32, #tpu.memory_space<hbm>> -> memref<10000x128xf32, #tpu.memory_space<hbm>>
        tpu.wait_indirect_dma semaphore(%run_scoped3A_124 : memref<!tpu.dma_semaphore, #tpu.memory_space<semaphore_mem>>) src(%dma_wait3A_142 : memref<10000x128xf32, #tpu.memory_space<hbm>>) dst(%arg10 : memref<128x128xf32, #tpu.memory_space<vmem>>)
        tpu.yield
      }) : () -> ()
      %run_scoped3A_123 = arith.constant 1 : i32
      "tpu.region"() ({
        %run_scoped3A_124 = tpu.sem_alloc : memref<!tpu.dma_semaphore, #tpu.memory_space<semaphore_mem>>
        %dma_start3A = arith.constant 0 : i32
        %dma_start3A_125 = arith.constant 0 : i32
        %dma_start3A_126 = tpu.memref_slice %arg9[%run_scoped3A_123, %dma_start3A, %dma_start3A_125] : memref<2x80x128xi32, #tpu.memory_space<vmem>> -> memref<1x80x128xi32, #tpu.memory_space<vmem>>
        %dma_start3A_127 = tpu.memref_squeeze %dma_start3A_126 : memref<1x80x128xi32, #tpu.memory_space<vmem>> -> memref<80x128xi32, #tpu.memory_space<vmem>>
        %dma_start3A_128 = arith.constant 0 : i32
        %dma_start3A_129 = tpu.memref_slice %dma_start3A_127[%add3A_121, %dma_start3A_128] : memref<80x128xi32, #tpu.memory_space<vmem>> -> memref<1x128xi32, #tpu.memory_space<vmem>>
        %dma_start3A_130 = tpu.memref_squeeze %dma_start3A_129 : memref<1x128xi32, #tpu.memory_space<vmem>> -> memref<128xi32, #tpu.memory_space<vmem>>
        %dma_start3A_131 = arith.constant 0 : i32
        %dma_start3A_132 = arith.constant 0 : i32
        %dma_start3A_133 = tpu.memref_slice %arg12[%dma_start3A_131, %dma_start3A_132] : memref<5120x128xf32, #tpu.memory_space<vmem_shared>> -> memref<5120x128xf32, #tpu.memory_space<vmem_shared>>
        tpu.enqueue_indirect_dma source(%arg10 : memref<128x128xf32, #tpu.memory_space<vmem>>) target(%dma_start3A_133 : memref<5120x128xf32, #tpu.memory_space<vmem_shared>>) offsets(%dma_start3A_130 : memref<128xi32, #tpu.memory_space<vmem>>) semaphore(%run_scoped3A_124 : memref<!tpu.dma_semaphore, #tpu.memory_space<semaphore_mem>>) {add = true}
        %dma_wait3A = arith.constant 0 : i32
        %dma_wait3A_134 = arith.constant 0 : i32
        %dma_wait3A_135 = tpu.memref_slice %arg9[%run_scoped3A_123, %dma_wait3A, %dma_wait3A_134] : memref<2x80x128xi32, #tpu.memory_space<vmem>> -> memref<1x80x128xi32, #tpu.memory_space<vmem>>
        %dma_wait3A_136 = tpu.memref_squeeze %dma_wait3A_135 : memref<1x80x128xi32, #tpu.memory_space<vmem>> -> memref<80x128xi32, #tpu.memory_space<vmem>>
        %dma_wait3A_137 = arith.constant 0 : i32
        %dma_wait3A_138 = tpu.memref_slice %dma_wait3A_136[%add3A_121, %dma_wait3A_137] : memref<80x128xi32, #tpu.memory_space<vmem>> -> memref<1x128xi32, #tpu.memory_space<vmem>>
        %dma_wait3A_139 = tpu.memref_squeeze %dma_wait3A_138 : memref<1x128xi32, #tpu.memory_space<vmem>> -> memref<128xi32, #tpu.memory_space<vmem>>
        %dma_wait3A_140 = arith.constant 0 : i32
        %dma_wait3A_141 = arith.constant 0 : i32
        %dma_wait3A_142 = tpu.memref_slice %arg12[%dma_wait3A_140, %dma_wait3A_141] : memref<5120x128xf32, #tpu.memory_space<vmem_shared>> -> memref<5120x128xf32, #tpu.memory_space<vmem_shared>>
        tpu.wait_indirect_dma semaphore(%run_scoped3A_124 : memref<!tpu.dma_semaphore, #tpu.memory_space<semaphore_mem>>) src(%arg10 : memref<128x128xf32, #tpu.memory_space<vmem>>) dst(%dma_wait3A_142 : memref<5120x128xf32, #tpu.memory_space<vmem_shared>>)
        tpu.yield
      }) : () -> ()
    }
    %while3A_113 = arith.constant 1 : i32
    scf.for %while3A_119 = %while3A_111 to %while3A_107 step %while3A_113  : i32 {
      %mul3A_120 = arith.muli %while3A_119, %while3A_103 : i32
      %add3A_121 = arith.addi %while3A_104, %mul3A_120 : i32
      %run_scoped3A_122 = arith.constant 1 : i32
      "tpu.region"() ({
        %run_scoped3A_124 = tpu.sem_alloc : memref<!tpu.dma_semaphore, #tpu.memory_space<semaphore_mem>>
        %dma_start3A = arith.constant 0 : i32
        %dma_start3A_125 = arith.constant 0 : i32
        %dma_start3A_126 = tpu.memref_slice %arg8[%run_scoped3A_122, %dma_start3A, %dma_start3A_125] : memref<2x80x128xi32, #tpu.memory_space<vmem>> -> memref<1x80x128xi32, #tpu.memory_space<vmem>>
        %dma_start3A_127 = tpu.memref_squeeze %dma_start3A_126 : memref<1x80x128xi32, #tpu.memory_space<vmem>> -> memref<80x128xi32, #tpu.memory_space<vmem>>
        %dma_start3A_128 = arith.constant 0 : i32
        %dma_start3A_129 = tpu.memref_slice %dma_start3A_127[%add3A_121, %dma_start3A_128] : memref<80x128xi32, #tpu.memory_space<vmem>> -> memref<1x128xi32, #tpu.memory_space<vmem>>
        %dma_start3A_130 = tpu.memref_squeeze %dma_start3A_129 : memref<1x128xi32, #tpu.memory_space<vmem>> -> memref<128xi32, #tpu.memory_space<vmem>>
        %dma_start3A_131 = arith.constant 0 : i32
        %dma_start3A_132 = arith.constant 0 : i32
        %dma_start3A_133 = tpu.memref_slice %arg2[%dma_start3A_131, %dma_start3A_132] : memref<10000x128xf32, #tpu.memory_space<hbm>> -> memref<10000x128xf32, #tpu.memory_space<hbm>>
        tpu.enqueue_indirect_dma source(%dma_start3A_133 : memref<10000x128xf32, #tpu.memory_space<hbm>>) target(%arg10 : memref<128x128xf32, #tpu.memory_space<vmem>>) offsets(%dma_start3A_130 : memref<128xi32, #tpu.memory_space<vmem>>) semaphore(%run_scoped3A_124 : memref<!tpu.dma_semaphore, #tpu.memory_space<semaphore_mem>>)
        %dma_wait3A = arith.constant 0 : i32
        %dma_wait3A_134 = arith.constant 0 : i32
        %dma_wait3A_135 = tpu.memref_slice %arg8[%run_scoped3A_122, %dma_wait3A, %dma_wait3A_134] : memref<2x80x128xi32, #tpu.memory_space<vmem>> -> memref<1x80x128xi32, #tpu.memory_space<vmem>>
        %dma_wait3A_136 = tpu.memref_squeeze %dma_wait3A_135 : memref<1x80x128xi32, #tpu.memory_space<vmem>> -> memref<80x128xi32, #tpu.memory_space<vmem>>
        %dma_wait3A_137 = arith.constant 0 : i32
        %dma_wait3A_138 = tpu.memref_slice %dma_wait3A_136[%add3A_121, %dma_wait3A_137] : memref<80x128xi32, #tpu.memory_space<vmem>> -> memref<1x128xi32, #tpu.memory_space<vmem>>
        %dma_wait3A_139 = tpu.memref_squeeze %dma_wait3A_138 : memref<1x128xi32, #tpu.memory_space<vmem>> -> memref<128xi32, #tpu.memory_space<vmem>>
        %dma_wait3A_140 = arith.constant 0 : i32
        %dma_wait3A_141 = arith.constant 0 : i32
        %dma_wait3A_142 = tpu.memref_slice %arg2[%dma_wait3A_140, %dma_wait3A_141] : memref<10000x128xf32, #tpu.memory_space<hbm>> -> memref<10000x128xf32, #tpu.memory_space<hbm>>
        tpu.wait_indirect_dma semaphore(%run_scoped3A_124 : memref<!tpu.dma_semaphore, #tpu.memory_space<semaphore_mem>>) src(%dma_wait3A_142 : memref<10000x128xf32, #tpu.memory_space<hbm>>) dst(%arg10 : memref<128x128xf32, #tpu.memory_space<vmem>>)
        tpu.yield
      }) : () -> ()
      %run_scoped3A_123 = arith.constant 1 : i32
      "tpu.region"() ({
        %run_scoped3A_124 = tpu.sem_alloc : memref<!tpu.dma_semaphore, #tpu.memory_space<semaphore_mem>>
        %dma_start3A = arith.constant 0 : i32
        %dma_start3A_125 = arith.constant 0 : i32
        %dma_start3A_126 = tpu.memref_slice %arg9[%run_scoped3A_123, %dma_start3A, %dma_start3A_125] : memref<2x80x128xi32, #tpu.memory_space<vmem>> -> memref<1x80x128xi32, #tpu.memory_space<vmem>>
        %dma_start3A_127 = tpu.memref_squeeze %dma_start3A_126 : memref<1x80x128xi32, #tpu.memory_space<vmem>> -> memref<80x128xi32, #tpu.memory_space<vmem>>
        %dma_start3A_128 = arith.constant 0 : i32
        %dma_start3A_129 = tpu.memref_slice %dma_start3A_127[%add3A_121, %dma_start3A_128] : memref<80x128xi32, #tpu.memory_space<vmem>> -> memref<1x128xi32, #tpu.memory_space<vmem>>
        %dma_start3A_130 = tpu.memref_squeeze %dma_start3A_129 : memref<1x128xi32, #tpu.memory_space<vmem>> -> memref<128xi32, #tpu.memory_space<vmem>>
        %dma_start3A_131 = arith.constant 0 : i32
        %dma_start3A_132 = arith.constant 0 : i32
        %dma_start3A_133 = tpu.memref_slice %arg12[%dma_start3A_131, %dma_start3A_132] : memref<5120x128xf32, #tpu.memory_space<vmem_shared>> -> memref<5120x128xf32, #tpu.memory_space<vmem_shared>>
        tpu.enqueue_indirect_dma source(%arg10 : memref<128x128xf32, #tpu.memory_space<vmem>>) target(%dma_start3A_133 : memref<5120x128xf32, #tpu.memory_space<vmem_shared>>) offsets(%dma_start3A_130 : memref<128xi32, #tpu.memory_space<vmem>>) semaphore(%run_scoped3A_124 : memref<!tpu.dma_semaphore, #tpu.memory_space<semaphore_mem>>) {add = true}
        %dma_wait3A = arith.constant 0 : i32
        %dma_wait3A_134 = arith.constant 0 : i32
        %dma_wait3A_135 = tpu.memref_slice %arg9[%run_scoped3A_123, %dma_wait3A, %dma_wait3A_134] : memref<2x80x128xi32, #tpu.memory_space<vmem>> -> memref<1x80x128xi32, #tpu.memory_space<vmem>>
        %dma_wait3A_136 = tpu.memref_squeeze %dma_wait3A_135 : memref<1x80x128xi32, #tpu.memory_space<vmem>> -> memref<80x128xi32, #tpu.memory_space<vmem>>
        %dma_wait3A_137 = arith.constant 0 : i32
        %dma_wait3A_138 = tpu.memref_slice %dma_wait3A_136[%add3A_121, %dma_wait3A_137] : memref<80x128xi32, #tpu.memory_space<vmem>> -> memref<1x128xi32, #tpu.memory_space<vmem>>
        %dma_wait3A_139 = tpu.memref_squeeze %dma_wait3A_138 : memref<1x128xi32, #tpu.memory_space<vmem>> -> memref<128xi32, #tpu.memory_space<vmem>>
        %dma_wait3A_140 = arith.constant 0 : i32
        %dma_wait3A_141 = arith.constant 0 : i32
        %dma_wait3A_142 = tpu.memref_slice %arg12[%dma_wait3A_140, %dma_wait3A_141] : memref<5120x128xf32, #tpu.memory_space<vmem_shared>> -> memref<5120x128xf32, #tpu.memory_space<vmem_shared>>
        tpu.wait_indirect_dma semaphore(%run_scoped3A_124 : memref<!tpu.dma_semaphore, #tpu.memory_space<semaphore_mem>>) src(%arg10 : memref<128x128xf32, #tpu.memory_space<vmem>>) dst(%dma_wait3A_142 : memref<5120x128xf32, #tpu.memory_space<vmem_shared>>)
        tpu.yield
      }) : () -> ()
    }
    %barrier3A_114 = arith.constant 0 : index
    tpu.barrier barrier_id(%barrier3A_114)
    %mul3A_115 = arith.constant 320 : i32
    %mul3A_116 = arith.muli %arg1, %mul3A_115 : i32
    %mul3A_117 = arith.constant 320 : i32
    %mul3A_118 = arith.muli %arg1, %mul3A_117 : i32
    "tpu.region"() ({
      %run_scoped3A_119 = tpu.sem_alloc : memref<!tpu.dma_semaphore, #tpu.memory_space<semaphore_mem>>
      %dma_start3A = arith.constant 0 : i32
      %dma_start3A_120 = arith.constant 0 : i32
      %dma_start3A_121 = tpu.memref_slice %arg7[%arg0, %dma_start3A, %dma_start3A_120] : memref<2x5120x128xf32, #tpu.memory_space<hbm>> -> memref<1x5120x128xf32, #tpu.memory_space<hbm>>
      %dma_start3A_122 = tpu.memref_squeeze %dma_start3A_121 : memref<1x5120x128xf32, #tpu.memory_space<hbm>> -> memref<5120x128xf32, #tpu.memory_space<hbm>>
      %dma_start3A_123 = arith.constant 0 : i32
      %dma_start3A_124 = tpu.memref_slice %dma_start3A_122[%mul3A_118, %dma_start3A_123] : memref<5120x128xf32, #tpu.memory_space<hbm>> -> memref<320x128xf32, #tpu.memory_space<hbm>>
      %dma_start3A_125 = arith.constant 0 : i32
      %dma_start3A_126 = tpu.memref_slice %arg12[%mul3A_116, %dma_start3A_125] : memref<5120x128xf32, #tpu.memory_space<vmem_shared>> -> memref<320x128xf32, #tpu.memory_space<vmem_shared>>
      tpu.enqueue_dma source(%dma_start3A_126 : memref<320x128xf32, #tpu.memory_space<vmem_shared>>) target(%dma_start3A_124 : memref<320x128xf32, #tpu.memory_space<hbm>>) target_semaphore(%run_scoped3A_119 : memref<!tpu.dma_semaphore, #tpu.memory_space<semaphore_mem>>)
      %dma_wait3A = arith.constant 0 : i32
      %dma_wait3A_127 = arith.constant 0 : i32
      %dma_wait3A_128 = tpu.memref_slice %arg7[%arg0, %dma_wait3A, %dma_wait3A_127] : memref<2x5120x128xf32, #tpu.memory_space<hbm>> -> memref<1x5120x128xf32, #tpu.memory_space<hbm>>
      %dma_wait3A_129 = tpu.memref_squeeze %dma_wait3A_128 : memref<1x5120x128xf32, #tpu.memory_space<hbm>> -> memref<5120x128xf32, #tpu.memory_space<hbm>>
      %dma_wait3A_130 = arith.constant 0 : i32
      %dma_wait3A_131 = tpu.memref_slice %dma_wait3A_129[%mul3A_118, %dma_wait3A_130] : memref<5120x128xf32, #tpu.memory_space<hbm>> -> memref<320x128xf32, #tpu.memory_space<hbm>>
      %dma_wait3A_132 = arith.constant 0 : i32
      %dma_wait3A_133 = tpu.memref_slice %arg12[%mul3A_116, %dma_wait3A_132] : memref<5120x128xf32, #tpu.memory_space<vmem_shared>> -> memref<320x128xf32, #tpu.memory_space<vmem_shared>>
      tpu.wait_dma2 semaphore(%run_scoped3A_119 : memref<!tpu.dma_semaphore, #tpu.memory_space<semaphore_mem>>) src(%dma_wait3A_133 : memref<320x128xf32, #tpu.memory_space<vmem_shared>>) dst(%dma_wait3A_131 : memref<320x128xf32, #tpu.memory_space<hbm>>)
      tpu.yield
    }) : () -> ()
    return
  }
}

module attributes {stable_mosaic.version = 14 : i64} {
  func.func @_dinv_body(%arg0: i32, %arg1: memref<32x10112xf32, #tpu.memory_space<vmem>>, %arg2: memref<1x10112xf32, #tpu.memory_space<vmem>>) attributes {dimension_semantics = [#tpu.dimension_semantics<arbitrary>], iteration_bounds = array<i64: 1>, scalar_prefetch = 0 : i64, scratch_operands = 0 : i64, tpu.core_type = #tpu.core_type<tc>, window_params = [{pipeline_mode = #tpu.pipeline_mode<synchronous>, transform_indices = @transform_0, window_bounds = array<i64: 32, 10112>}, {pipeline_mode = #tpu.pipeline_mode<synchronous>, transform_indices = @transform_1, window_bounds = array<i64: 1, 10112>}]} {
    %get3A = arith.constant 0 : index
    %get3A_0 = arith.constant 0 : index
    %get3A_1 = vector.load %arg1[%get3A, %get3A_0] : memref<32x10112xf32, #tpu.memory_space<vmem>>, vector<32x10112xf32>
    %reduce_sum3A = arith.constant dense<0.000000e+00> : vector<10112xf32>
    %reduce_sum3A_2 = vector.multi_reduction <add>, %get3A_1, %reduce_sum3A [0] : vector<32x10112xf32> to vector<10112xf32>
    %broadcast_in_dim3A = vector.shape_cast %reduce_sum3A_2 : vector<10112xf32> to vector<1x10112xf32>
    %add3A = arith.constant 1.000000e+00 : f32
    %add3A_3 = vector.broadcast %add3A : f32 to vector<1x10112xf32>
    %add3A_4 = arith.addf %broadcast_in_dim3A, %add3A_3 : vector<1x10112xf32>
    %rsqrt3A = math.rsqrt %add3A_4 : vector<1x10112xf32>
    %swap3A = arith.constant 0 : index
    %swap3A_5 = arith.constant 0 : index
    %swap3A_6 = vector.load %arg2[%swap3A, %swap3A_5] : memref<1x10112xf32, #tpu.memory_space<vmem>>, vector<1x10112xf32>
    tpu.vector_store %arg2[%swap3A, %swap3A_5], %rsqrt3A {strides = array<i32>} : memref<1x10112xf32, #tpu.memory_space<vmem>>, vector<1x10112xf32>,
    return
  }
  func.func @transform_0(%arg0: i32) -> (i32, i32) {
    %c0_i32 = arith.constant 0 : i32
    %c0_i32_0 = arith.constant 0 : i32
    %c0_i32_1 = arith.constant 0 : i32
    return %c0_i32, %c0_i32_0 : i32, i32
  }
  func.func @transform_1(%arg0: i32) -> (i32, i32) {
    %c0_i32 = arith.constant 0 : i32
    %c0_i32_0 = arith.constant 0 : i32
    %c0_i32_1 = arith.constant 0 : i32
    return %c0_i32, %c0_i32_0 : i32, i32
  }
}

module attributes {stable_mosaic.version = 14 : i64} {
  func.func @_mm_scale_body(%arg0: i32, %arg1: memref<2000x128xf32, #tpu.memory_space<vmem>>, %arg2: memref<128x64xf32, #tpu.memory_space<vmem>>, %arg3: memref<2000x1xf32, #tpu.memory_space<vmem>>, %arg4: memref<2000x128xf32, #tpu.memory_space<vmem>>) attributes {dimension_semantics = [#tpu.dimension_semantics<arbitrary>], iteration_bounds = array<i64: 5>, scalar_prefetch = 0 : i64, scratch_operands = 0 : i64, tpu.core_type = #tpu.core_type<tc>, window_params = [{transform_indices = @transform_0, window_bounds = array<i64: 2000, 128>}, {pipeline_mode = #tpu.pipeline_mode<synchronous>, transform_indices = @transform_1, window_bounds = array<i64: 128, 64>}, {transform_indices = @transform_2, window_bounds = array<i64: 2000, 1>}, {transform_indices = @transform_3, window_bounds = array<i64: 2000, 128>}]} {
    %get3A = arith.constant 0 : index
    %get3A_0 = arith.constant 0 : index
    %get3A_1 = vector.load %arg1[%get3A, %get3A_0] : memref<2000x128xf32, #tpu.memory_space<vmem>>, vector<2000x128xf32>
    %get3A_2 = arith.constant 0 : index
    %get3A_3 = arith.constant 0 : index
    %get3A_4 = vector.load %arg2[%get3A_2, %get3A_3] : memref<128x64xf32, #tpu.memory_space<vmem>>, vector<128x64xf32>
    %dot_general3A = arith.constant dense<0.000000e+00> : vector<2000x64xf32>
    %dot_general3A_5 = tpu.matmul %get3A_1, %get3A_4, %dot_general3A {dimension_numbers = #tpu.dot_dimension_numbers<[1], [0], [0], [1], [0, 0, 1, 1], [], []>, transpose_lhs_hint = false} : vector<2000x128xf32>, vector<128x64xf32>, vector<2000x64xf32> -> vector<2000x64xf32>
    %get3A_6 = arith.constant 0 : index
    %get3A_7 = arith.constant 0 : index
    %get3A_8 = vector.load %arg3[%get3A_6, %get3A_7] : memref<2000x1xf32, #tpu.memory_space<vmem>>, vector<2000x1xf32>
    %mul3A = vector.broadcast %get3A_8 : vector<2000x1xf32> to vector<2000x64xf32>
    %mul3A_9 = arith.mulf %dot_general3A_5, %mul3A : vector<2000x64xf32>
    %broadcast_in_dim3A = arith.constant 0.000000e+00 : f32
    %broadcast_in_dim3A_10 = vector.broadcast %broadcast_in_dim3A : f32 to vector<2000x64xf32>
    %concatenate3A = tpu.concatenate %mul3A_9, %broadcast_in_dim3A_10 in 1 : vector<2000x64xf32>, vector<2000x64xf32> -> vector<2000x128xf32>
    %swap3A = arith.constant 0 : index
    %swap3A_11 = arith.constant 0 : index
    %swap3A_12 = vector.load %arg4[%swap3A, %swap3A_11] : memref<2000x128xf32, #tpu.memory_space<vmem>>, vector<2000x128xf32>
    tpu.vector_store %arg4[%swap3A, %swap3A_11], %concatenate3A {strides = array<i32>} : memref<2000x128xf32, #tpu.memory_space<vmem>>, vector<2000x128xf32>,
    return
  }
  func.func @transform_0(%arg0: i32) -> (i32, i32) {
    %c0_i32 = arith.constant 0 : i32
    %c0_i32_0 = arith.constant 0 : i32
    return %arg0, %c0_i32 : i32, i32
  }
  func.func @transform_1(%arg0: i32) -> (i32, i32) {
    %c0_i32 = arith.constant 0 : i32
    %c0_i32_0 = arith.constant 0 : i32
    %c0_i32_1 = arith.constant 0 : i32
    return %c0_i32, %c0_i32_0 : i32, i32
  }
  func.func @transform_2(%arg0: i32) -> (i32, i32) {
    %c0_i32 = arith.constant 0 : i32
    %c0_i32_0 = arith.constant 0 : i32
    return %arg0, %c0_i32 : i32, i32
  }
  func.func @transform_3(%arg0: i32) -> (i32, i32) {
    %c0_i32 = arith.constant 0 : i32
    %c0_i32_0 = arith.constant 0 : i32
    return %arg0, %c0_i32 : i32, i32
  }
}

module attributes {stable_mosaic.version = 14 : i64} {
  func.func @_stage2_body(%arg0: i32, %arg1: memref<2000x128xf32, #tpu.memory_space<vmem>>, %arg2: memref<2000x128xf32, #tpu.memory_space<vmem>>, %arg3: memref<2000x1xf32, #tpu.memory_space<vmem>>, %arg4: memref<64x128xf32, #tpu.memory_space<vmem>>, %arg5: memref<1x64xf32, #tpu.memory_space<vmem>>, %arg6: memref<2000x128xf32, #tpu.memory_space<vmem>>) attributes {dimension_semantics = [#tpu.dimension_semantics<arbitrary>], iteration_bounds = array<i64: 5>, scalar_prefetch = 0 : i64, scratch_operands = 0 : i64, tpu.core_type = #tpu.core_type<tc>, window_params = [{transform_indices = @transform_0, window_bounds = array<i64: 2000, 128>}, {transform_indices = @transform_1, window_bounds = array<i64: 2000, 128>}, {transform_indices = @transform_2, window_bounds = array<i64: 2000, 1>}, {pipeline_mode = #tpu.pipeline_mode<synchronous>, transform_indices = @transform_3, window_bounds = array<i64: 64, 128>}, {pipeline_mode = #tpu.pipeline_mode<synchronous>, transform_indices = @transform_4, window_bounds = array<i64: 1, 64>}, {transform_indices = @transform_5, window_bounds = array<i64: 2000, 128>}]} {
    %get3A = arith.constant 0 : index
    %get3A_0 = arith.constant 0 : index
    %get3A_1 = vector.load %arg3[%get3A, %get3A_0] : memref<2000x1xf32, #tpu.memory_space<vmem>>, vector<2000x1xf32>
    %get3A_2 = arith.constant 0 : index
    %get3A_3 = arith.constant 0 : index
    %get3A_4 = vector.load %arg1[%get3A_2, %get3A_3] : memref<2000x128xf32, #tpu.memory_space<vmem>>, vector<2000x128xf32>
    %slice3A = vector.extract_strided_slice %get3A_4 {offsets = [0, 0], sizes = [2000, 64], strides = [1, 1]} : vector<2000x128xf32> to vector<2000x64xf32>
    %get3A_5 = arith.constant 0 : index
    %get3A_6 = arith.constant 0 : index
    %get3A_7 = vector.load %arg2[%get3A_5, %get3A_6] : memref<2000x128xf32, #tpu.memory_space<vmem>>, vector<2000x128xf32>
    %slice3A_8 = vector.extract_strided_slice %get3A_7 {offsets = [0, 0], sizes = [2000, 64], strides = [1, 1]} : vector<2000x128xf32> to vector<2000x64xf32>
    %add3A = arith.addf %slice3A, %slice3A_8 : vector<2000x64xf32>
    %mul3A = vector.broadcast %get3A_1 : vector<2000x1xf32> to vector<2000x64xf32>
    %mul3A_9 = arith.mulf %add3A, %mul3A : vector<2000x64xf32>
    %get3A_10 = arith.constant 0 : index
    %get3A_11 = arith.constant 0 : index
    %get3A_12 = vector.load %arg5[%get3A_10, %get3A_11] : memref<1x64xf32, #tpu.memory_space<vmem>>, vector<1x64xf32>
    %add3A_13 = vector.broadcast %get3A_12 : vector<1x64xf32> to vector<2000x64xf32>
    %add3A_14 = arith.addf %mul3A_9, %add3A_13 : vector<2000x64xf32>
    %max3A = arith.constant 0.000000e+00 : f32
    %max3A_15 = vector.broadcast %max3A : f32 to vector<2000x64xf32>
    %max3A_16 = arith.maximumf %add3A_14, %max3A_15 : vector<2000x64xf32>
    %get3A_17 = arith.constant 0 : index
    %get3A_18 = arith.constant 0 : index
    %get3A_19 = vector.load %arg4[%get3A_17, %get3A_18] : memref<64x128xf32, #tpu.memory_space<vmem>>, vector<64x128xf32>
    %dot_general3A = arith.constant dense<0.000000e+00> : vector<2000x128xf32>
    %dot_general3A_20 = tpu.matmul %max3A_16, %get3A_19, %dot_general3A {dimension_numbers = #tpu.dot_dimension_numbers<[1], [0], [0], [1], [0, 0, 1, 1], [], []>, transpose_lhs_hint = false} : vector<2000x64xf32>, vector<64x128xf32>, vector<2000x128xf32> -> vector<2000x128xf32>
    %mul3A_21 = vector.broadcast %get3A_1 : vector<2000x1xf32> to vector<2000x128xf32>
    %mul3A_22 = arith.mulf %dot_general3A_20, %mul3A_21 : vector<2000x128xf32>
    %swap3A = arith.constant 0 : index
    %swap3A_23 = arith.constant 0 : index
    %swap3A_24 = vector.load %arg6[%swap3A, %swap3A_23] : memref<2000x128xf32, #tpu.memory_space<vmem>>, vector<2000x128xf32>
    tpu.vector_store %arg6[%swap3A, %swap3A_23], %mul3A_22 {strides = array<i32>} : memref<2000x128xf32, #tpu.memory_space<vmem>>, vector<2000x128xf32>,
    return
  }
  func.func @transform_0(%arg0: i32) -> (i32, i32) {
    %c0_i32 = arith.constant 0 : i32
    %c0_i32_0 = arith.constant 0 : i32
    return %arg0, %c0_i32 : i32, i32
  }
  func.func @transform_1(%arg0: i32) -> (i32, i32) {
    %c0_i32 = arith.constant 0 : i32
    %c0_i32_0 = arith.constant 0 : i32
    return %arg0, %c0_i32 : i32, i32
  }
  func.func @transform_2(%arg0: i32) -> (i32, i32) {
    %c0_i32 = arith.constant 0 : i32
    %c0_i32_0 = arith.constant 0 : i32
    return %arg0, %c0_i32 : i32, i32
  }
  func.func @transform_3(%arg0: i32) -> (i32, i32) {
    %c0_i32 = arith.constant 0 : i32
    %c0_i32_0 = arith.constant 0 : i32
    %c0_i32_1 = arith.constant 0 : i32
    return %c0_i32, %c0_i32_0 : i32, i32
  }
  func.func @transform_4(%arg0: i32) -> (i32, i32) {
    %c0_i32 = arith.constant 0 : i32
    %c0_i32_0 = arith.constant 0 : i32
    %c0_i32_1 = arith.constant 0 : i32
    return %c0_i32, %c0_i32_0 : i32, i32
  }
  func.func @transform_5(%arg0: i32) -> (i32, i32) {
    %c0_i32 = arith.constant 0 : i32
    %c0_i32_0 = arith.constant 0 : i32
    return %arg0, %c0_i32 : i32, i32
  }
}

module attributes {stable_mosaic.version = 14 : i64} {
  func.func @_stage3_body(%arg0: i32, %arg1: memref<2000x128xf32, #tpu.memory_space<vmem>>, %arg2: memref<2000x128xf32, #tpu.memory_space<vmem>>, %arg3: memref<2000x1xf32, #tpu.memory_space<vmem>>, %arg4: memref<1x128xf32, #tpu.memory_space<vmem>>, %arg5: memref<2000x128xf32, #tpu.memory_space<vmem>>) attributes {dimension_semantics = [#tpu.dimension_semantics<arbitrary>], iteration_bounds = array<i64: 5>, scalar_prefetch = 0 : i64, scratch_operands = 0 : i64, tpu.core_type = #tpu.core_type<tc>, window_params = [{transform_indices = @transform_0, window_bounds = array<i64: 2000, 128>}, {transform_indices = @transform_1, window_bounds = array<i64: 2000, 128>}, {transform_indices = @transform_2, window_bounds = array<i64: 2000, 1>}, {pipeline_mode = #tpu.pipeline_mode<synchronous>, transform_indices = @transform_3, window_bounds = array<i64: 1, 128>}, {transform_indices = @transform_4, window_bounds = array<i64: 2000, 128>}]} {
    %get3A = arith.constant 0 : index
    %get3A_0 = arith.constant 0 : index
    %get3A_1 = vector.load %arg1[%get3A, %get3A_0] : memref<2000x128xf32, #tpu.memory_space<vmem>>, vector<2000x128xf32>
    %get3A_2 = arith.constant 0 : index
    %get3A_3 = arith.constant 0 : index
    %get3A_4 = vector.load %arg2[%get3A_2, %get3A_3] : memref<2000x128xf32, #tpu.memory_space<vmem>>, vector<2000x128xf32>
    %add3A = arith.addf %get3A_1, %get3A_4 : vector<2000x128xf32>
    %get3A_5 = arith.constant 0 : index
    %get3A_6 = arith.constant 0 : index
    %get3A_7 = vector.load %arg3[%get3A_5, %get3A_6] : memref<2000x1xf32, #tpu.memory_space<vmem>>, vector<2000x1xf32>
    %mul3A = vector.broadcast %get3A_7 : vector<2000x1xf32> to vector<2000x128xf32>
    %mul3A_8 = arith.mulf %add3A, %mul3A : vector<2000x128xf32>
    %get3A_9 = arith.constant 0 : index
    %get3A_10 = arith.constant 0 : index
    %get3A_11 = vector.load %arg4[%get3A_9, %get3A_10] : memref<1x128xf32, #tpu.memory_space<vmem>>, vector<1x128xf32>
    %add3A_12 = vector.broadcast %get3A_11 : vector<1x128xf32> to vector<2000x128xf32>
    %add3A_13 = arith.addf %mul3A_8, %add3A_12 : vector<2000x128xf32>
    %swap3A = arith.constant 0 : index
    %swap3A_14 = arith.constant 0 : index
    %swap3A_15 = vector.load %arg5[%swap3A, %swap3A_14] : memref<2000x128xf32, #tpu.memory_space<vmem>>, vector<2000x128xf32>
    tpu.vector_store %arg5[%swap3A, %swap3A_14], %add3A_13 {strides = array<i32>} : memref<2000x128xf32, #tpu.memory_space<vmem>>, vector<2000x128xf32>,
    return
  }
  func.func @transform_0(%arg0: i32) -> (i32, i32) {
    %c0_i32 = arith.constant 0 : i32
    %c0_i32_0 = arith.constant 0 : i32
    return %arg0, %c0_i32 : i32, i32
  }
  func.func @transform_1(%arg0: i32) -> (i32, i32) {
    %c0_i32 = arith.constant 0 : i32
    %c0_i32_0 = arith.constant 0 : i32
    return %arg0, %c0_i32 : i32, i32
  }
  func.func @transform_2(%arg0: i32) -> (i32, i32) {
    %c0_i32 = arith.constant 0 : i32
    %c0_i32_0 = arith.constant 0 : i32
    return %arg0, %c0_i32 : i32, i32
  }
  func.func @transform_3(%arg0: i32) -> (i32, i32) {
    %c0_i32 = arith.constant 0 : i32
    %c0_i32_0 = arith.constant 0 : i32
    %c0_i32_1 = arith.constant 0 : i32
    return %c0_i32, %c0_i32_0 : i32, i32
  }
  func.func @transform_4(%arg0: i32) -> (i32, i32) {
    %c0_i32 = arith.constant 0 : i32
    %c0_i32_0 = arith.constant 0 : i32
    return %arg0, %c0_i32 : i32, i32
  }
}

</mosaic_0001>

<sc_bundles>
// kernel: kernel.12.cloned.1.call-start
scs
__scs_entry_jumppad:
0x0: {  	(pc) =	sbr.rel $0x88, $3  }
0x1: {  	(tag) =	ssettag $0x0;
	lr =	simm.s32 $0x1  }
0x2: {  	[smem:$0x3F9B] =	sst lr;
	_ =	strace $0xD0000000  }
0x3: {  	_ = 	snop  }
0x4: {  	_ = 	snop  }
0x5: {  	_ = 	snop  }
0x6: {  	_ = 	snop  }
0x7: {  	_ = 	snop  }
__scs_overlays_trampoline_lowered:
0x8: {  	[smem:$0x3FAA] =	sst s0  }
0x9: {  	[smem:$0x3FAB] =	sst s1  }
0xa: {  	[smem:$0x3FAC] =	sst s2  }
0xb: {  	[smem:$0x3FAD] =	sst s3  }
0xc: {  	[smem:$0x3FAE] =	sst s4  }
0xd: {  	[smem:$0x3FAF] =	sst s5  }
0xe: {  	[smem:$0x3FB0] =	sst s6  }
0xf: {  	[smem:$0x3FB1] =	sst s7  }
0x10: {  	[smem:$0x3FB2] =	sst s8  }
0x11: {  	[smem:$0x3FB3] =	sst s9;
	s0 =	simm.s32 @!p0 $0x0  }
0x12: {  	s1 =	sld [smem:$0x3F99];
	s0 =	simm.s32 @p0 $0x1  }
0x13: {  	[smem:$0x3FB4] =	sst s0;
	s0 =	simm.s32 @!p1 $0x0  }
0x14: {  	s2 =	sld [smem:$0x3F98];
	s0 =	simm.s32 @p1 $0x1  }
0x15: {  	[smem:$0x3FB5] =	sst s0;
	s0 =	simm.s32 @!p2 $0x0  }
0x16: {  	s3 =	sld [smem:$0x3FDB];
	s0 =	simm.s32 @p2 $0x1  }
0x17: {  	s4 =	simm.s32 $0x1BF5;
	[smem:$0x3FB7] =	sst s0  }
0x18: {  	s0 =	sld [smem:$0x3F9A];
	_ =	swait.ge [sflag:s4], $0x0  }
0x19: {  	s7 =	sld [smem:$0x3F9B]  }
0x1a: {  	s8 =	sadd.s32 $0xFFFFE003, lr  }
0x1b: {  	s9 =	sadd.s32 $0xFFFFFEF7, lr;
	s5 =	simm.s32 $0xFFFFFFFF;
	p2 =	slt.u32 s8, $0xFFFFF086  }
0x1c: {  	p1 =	slt.u32 s9, $0xF7A;
	s5 =	simm.s32 @!p2 $0x0  }
0x1d: {  	s5 =	simm.s32 @p1 $0x1;
	p0 =	seq.s32 s7, s2  }
0x1e: {  	s7 =	smul.u32 @!p0 $0xF7A, s2;
	p2 =	seq.s32 @!p0 s5, $0x0  }
0x1f: {  	s9 =	smul.u32 $0xF7A, s1;
	s8 =	simm.s32 @!p0 $0x1BF5;
	p2 =	por !p2, p0  }
0x20: {  	[sflag:s8] =	ssyncset.s32 @!p0 $0xFFFFF086;
	s6 =	sadd.s32 @!p0 s3, s7;
	s7 =	simm.s32 @!p0 $0x108  }
0x21: {  	s3 =	sadd.s32 s3, s9;
	s6 =	sadd.s32 @!p0 $0x88, s6;
	s7 =	simm.s32 @p2 $0x1082  }
0x22: {  	[simem:s7], [sflag:s8] =	dma.local @!p0 [hbm:s6], $0xF7A  }
0x23: {  	s9 =	sor.u32 $0xD0000000, s2;
	s6 =	simm.s32 $0x108;
	_ =	swait.ge @!p0 [sflag:s8], $0x0  }
0x24: {  	s3 =	sadd.s32 $0x88, s3;
	s6 =	simm.s32 @!p1 $0x1082;
	[sflag:s4] =	ssyncset.s32 $0xFFFFF086  }
0x25: {  	[simem:s6], [sflag:s4] =	dma.local [hbm:s3], $0xF7A  }
0x26: {  	[smem:$0x3F9B] =	sst s1;
	(tag) =	ssettag s2;
	_ =	strace s9  }
0x27: {  	s1 =	sld [smem:$0x3FAB]  }
0x28: {  	s2 =	sld [smem:$0x3FAC]  }
0x29: {  	s4 =	sld [smem:$0x3FAE]  }
0x2a: {  	p0 =	seq.s32 s5, $0x0;
	s5 =	sld [smem:$0x3FAF]  }
0x2b: {  	s6 =	sld [smem:$0x3FB0]  }
0x2c: {  	s7 =	sld [smem:$0x3FB1]  }
0x2d: {  	s3 =	simm.s32 $0x108;
	s8 =	sld [smem:$0x3FB2]  }
0x2e: {  	s3 =	simm.s32 @!p0 $0x1082;
	s9 =	sld [smem:$0x3FB3]  }
0x2f: {  	lr =	sadd.s32 s0, s3;
	s0 =	sld [smem:$0x3FAA]  }
0x30: {  	s3 =	sld [smem:$0x3FAD]  }
0x31: {  	[smem:$0x3FB6] =	sst s10  }
0x32: {  	s10 =	sld [smem:$0x3FB4];
	_ =	sdelay $0x3  }
0x33: {  	p0 =	seq.s32 s10, $0x1;
	s10 =	sld [smem:$0x3FB6];
	_ =	sdelay $0x3  }
0x34: {  	[smem:$0x3FB6] =	sst s10  }
0x35: {  	s10 =	sld [smem:$0x3FB5];
	_ =	sdelay $0x3  }
0x36: {  	p1 =	seq.s32 s10, $0x1;
	s10 =	sld [smem:$0x3FB6];
	_ =	sdelay $0x3  }
0x37: {  	[smem:$0x3FB6] =	sst s10  }
0x38: {  	s10 =	sld [smem:$0x3FB7]  }
0x39: {  	_ = 	snop;
	(pc) =	sbr.ind lr, $3  }
0x3a: {  	_ = 	snop  }
0x3b: {  	_ = 	snop  }
0x3c: {  	p2 =	seq.s32 s10, $0x1;
	s10 =	sld [smem:$0x3FB6]  }
0x3d: {  	_ =	shalt  }
0x3e: {  	_ =	shalt  }
0x3f: {  	_ =	shalt  }
0x40: {  	_ =	shalt  }
0x41: {  	_ =	shalt  }
0x42: {  	_ =	shalt  }
0x43: {  	_ =	shalt  }
0x44: {  	_ =	shalt  }
0x45: {  	_ =	shalt  }
0x46: {  	_ =	shalt  }
0x47: {  	_ =	shalt  }
0x48: {  	_ =	shalt  }
0x49: {  	_ =	shalt  }
0x4a: {  	_ =	shalt  }
0x4b: {  	_ =	shalt  }
0x4c: {  	_ =	shalt  }
0x4d: {  	_ =	shalt  }
0x4e: {  	_ =	shalt  }
0x4f: {  	_ =	shalt  }
0x50: {  	_ =	shalt  }
0x51: {  	_ =	shalt  }
0x52: {  	_ =	shalt  }
0x53: {  	_ =	shalt  }
0x54: {  	_ =	shalt  }
0x55: {  	_ =	shalt  }
0x56: {  	_ =	shalt  }
0x57: {  	_ =	shalt  }
0x58: {  	_ =	shalt  }
0x59: {  	_ =	shalt  }
0x5a: {  	_ =	shalt  }
0x5b: {  	_ =	shalt  }
0x5c: {  	_ =	shalt  }
0x5d: {  	_ =	shalt  }
0x5e: {  	_ =	shalt  }
0x5f: {  	_ =	shalt  }
0x60: {  	_ =	shalt  }
0x61: {  	_ =	shalt  }
0x62: {  	_ =	shalt  }
0x63: {  	_ =	shalt  }
0x64: {  	_ =	shalt  }
0x65: {  	_ =	shalt  }
0x66: {  	_ =	shalt  }
0x67: {  	_ =	shalt  }
0x68: {  	_ =	shalt  }
0x69: {  	_ =	shalt  }
0x6a: {  	_ =	shalt  }
0x6b: {  	_ =	shalt  }
0x6c: {  	_ =	shalt  }
0x6d: {  	_ =	shalt  }
0x6e: {  	_ =	shalt  }
0x6f: {  	_ =	shalt  }
0x70: {  	_ =	shalt  }
0x71: {  	_ =	shalt  }
0x72: {  	_ =	shalt  }
0x73: {  	_ =	shalt  }
0x74: {  	_ =	shalt  }
0x75: {  	_ =	shalt  }
0x76: {  	_ =	shalt  }
0x77: {  	_ =	shalt  }
0x78: {  	_ =	shalt  }
0x79: {  	_ =	shalt  }
0x7a: {  	_ =	shalt  }
0x7b: {  	_ =	shalt  }
0x7c: {  	_ =	shalt  }
0x7d: {  	_ =	shalt  }
0x7e: {  	_ =	shalt  }
0x7f: {  	_ =	shalt  }
0x80: {  	_ =	shalt  }
0x81: {  	_ =	shalt  }
0x82: {  	_ =	shalt  }
0x83: {  	_ =	shalt  }
0x84: {  	_ =	shalt  }
0x85: {  	_ =	shalt  }
0x86: {  	_ =	shalt  }
0x87: {  	_ =	shalt  }
.Lfunc_end0:
.L_simem_size_0:
called_computation.1_lowered:
.L_overlay_start_0:
0x88: {  	s2 =	sld [smem:$0x3FD9]  }
0x89: {  	s3 =	sld [smem:$0x3FFE];
	_ =	sdelay $0x1  }
0x8a: {  	s1 =	srdreg.scid  }
0x8b: {  	s0 =	sand.u32 $0x1, s1  }
0x8c: {  	s17 =	sshll.u32 s0, $0xA;
	s2 =	sadd.s32 s3, s2  }
0x8d: {  	s2 =	sadd.s32 s2, s17  }
0x8e: {  	[smem:$0x3FC2] =	sst s2  }
0x8f: {  	_ = 	snop  }
0x90: {  	s2 =	sld [smem:$0x3FD0];
	(tm) =	ssettm $0x1  }
0x91: {  	s18 =	sld [smem:$0x3FFB];
	_ =	sdelay $0x3  }
0x92: {  	_ =	strace s18  }
0x93: {  	s3 =	sld [smem:$0x3FFC];
	_ =	sdelay $0x3  }
0x94: {  	_ =	strace s3  }
0x95: {  	s3 =	sld [smem:$0x3FFD];
	_ =	sdelay $0x3  }
0x96: {  	_ =	strace s3  }
0x97: {  	_ =	strace $0x8FFFFFFF  }
0x98: {  	s19 =	sld [smem:$0x3FDB];
	_ =	sdelay $0x1  }
0x99: {  	s4 =	simm.s32 $_scs_section_size  }
0x9a: {  	s5 =	simm.s32 $_size__tile_overlayer_lowered;
	s6 =	simm.s32 $_tile_overlayer_lowered  }
0x9b: {  	s22 =	simm.s32 $0x1BFF;
	s21 =	sshll.u32 s6, $0x1;
	s3 =	sadd.s32 s4, s19  }
0x9c: {  	s7 =	simm.s32 $0x0;
	s20 =	sshll.u32 s5, $0x1;
	s5 =	sadd.s32 s21, s3  }
0x9d: {  	[timem:s7], [sflag:s22] =	dma.local [hbm:s5], s20  }
0x9e: {  	_ =	swait.ge [sflag:s22], s20  }
0x9f: {  	s4 =	ssub.s32 $0x0, s20;
	[sflag:s22] =	ssyncset.done $0x0  }
0xa0: {  	[sflag:s22] =	ssyncadd.s32 s4;
	_ =	sdelay $0x1  }
0xa1: {  	s23 =	simm.s32 $0x1B8B  }
0xa2: {  	_ =	swait.ge [sflag:s23], $0x1  }
0xa3: {  	[sflag:s23] =	ssyncset.done $0x0  }
0xa4: {  	s25 =	simm.s32 $0x1B8E;
	s24 =	sld [smem:$0x3FFE];
	[sflag:s23] =	ssyncadd.s32 $0xFFFFFFFF  }
0xa5: {  	s26 =	simm.s32 $execute0_lowered;
	[smem:$0x3FD2] =	sst s25  }
0xa6: {  	s5 =	sshll.u32 s26, $0x1;
	_ =	strace $0x80000049;
	[dreg:$0x1] =	wrdreg $0xFFFFFFFF  }
0xa7: {  	s28 =	simm.s32 $_size_execute0_lowered;
	s3 =	sadd.s32 s3, s5;
	[dreg:$0x0] =	wrdreg $0x0  }
0xa8: {  	s5 =	sshll.u32 s28, $0x1;
	[dreg:$0x2] =	wrdreg s3  }
0xa9: {  	[dreg:$0x3] =	wrdreg s5  }
0xaa: {  	[dreg:$0x4] =	wrdreg $0xC0  }
0xab: {  	_ =	task [dreg:s7], $0x5FFFF  }
0xac: {  	[dreg:$0x1] =	wrdreg $0xFFFFFFFF  }
0xad: {  	[dreg:$0x0] =	wrdreg $0x60  }
0xae: {  	[dreg:$0x2] =	wrdreg s2  }
0xaf: {  	[dreg:$0x3] =	wrdreg s24  }
0xb0: {  	[dreg:$0x4] =	wrdreg $0xE0800  }
0xb1: {  	[dreg:$0x5] =	wrdreg $0x9  }
0xb2: {  	_ =	task.clear_ibuf [dreg:s7], $0x6FFFF;
	_ =	strace $0x90000049  }
0xb3: {  	s29 =	simm.s32 $0x9;
	_ =	strace $0x8000004B  }
0xb4: {  	_ =	swait.ge [sflag:s29], $0x1  }
0xb5: {  	[sflag:s29] =	ssyncadd.s32 $0xFFFFFFFF  }
0xb6: {  	_ =	strace $0x9000004B  }
0xb7: {  	_ =	sfence  }
0xb8: {  	s30 =	sld [smem:$0x0];
	_ =	sdelay $0x2  }
0xb9: {  	s31 =	sshll.u32 s1, $0xD;
	s1 =	sshrl.u32 s1, $0x2  }
0xba: {  	s3 =	sand.u32 $0x4000, s31;
	s1 =	sadd.s32 s1, s30  }
0xbb: {  	s0 =	sor.u32 s3, s0;
	s1 =	sshll.u32 s1, $0x11  }
0xbc: {  	s0 =	sor.u32 s1, s0  }
0xbd: {  	s0 =	sadd.s32 $0x8F2B, s0  }
0xbe: {  	[sflag:s0] =	ssyncadd.remote.s32 $0x1  }
0xbf: {  	_ =	sfence.sel $0xFFFF  }
0xc0: {  	[dreg:$0x0] =	wrdreg $0xFFFFFFFF;
	(pc) =	sbr.abs _section_cstart, $3  }
0xc1: {  	[dreg:$0x1] =	wrdreg $0xFFFFFFFF  }
0xc2: {  	_ =	task.clear_ibuf [dreg:s7], $0x2FFFF;
	_ =	strace $0x9FFFFFFF  }
0xc3: {  	(tm) =	ssettm $0x7FFFFFFF  }
tec
execute0_lowered:
.L_overlay_start_1:
0x0: {  	(tag) =	ssettag $0x1  }
0x1: {  	s1 =	rddreg [dreg:$0x0]  }
0x2: {  	s6 =	rddreg [dreg:$0x1]  }
0x3: {  	s3 =	rddreg [dreg:$0x2]  }
0x4: {  	s0 =	rddreg [dreg:$0x3]  }
0x5: {  	s4 =	simm.s32 $0x0;
	s2 =	stileid.u32;
	s5 =	srdreg.scid  }
0x6: {  	[smem:$0x7FF] =	sst s4;
	s23 =	smul.u32 $0x1400, s2  }
0x7: {  	s5 =	sand.u32 $0x1, s5;
	s10 =	sadd.s32 $0x3000, s6;
	s11 =	sadd.s32 $0x17000, s6  }
0x8: {  	s12 =	sadd.s32 $0x34E00, s6;
	s9 =	smul.u32 $0x28000, s2;
	s28 =	sshll.u32 s2, $0x6  }
0x9: {  	s29 =	sshll.u32 s2, $0x5;
	s31 =	sshllo.u32 s2, $0x1;
	s7 =	smul.u32 $0x14000, s5  }
0xa: {  	_ =	strace $0x8000004A;
	s8 =	ssub.s32 $0x2, s5;
	s19 =	smul.u32 $0x500, s5  }
0xb: {  	s30 =	sand.u32 $0x180, s29;
	s20 =	smul.u32 $0xA00, s31;
	s21 =	sshll.u32 s31, $0x4  }
0xc: {  	s13 =	sadd.s32 s23, s6;
	s25 =	sshrl.u32 s8, $0x1;
	s26 =	sshrl.u32 s9, $0x2  }
0xd: {  	s17 =	sadd.s32 s10, s23;
	s18 =	sadd.s32 s11, s23;
	s9 =	sxor.u32 $0x1, s5  }
0xe: {  	s21 =	sand.u32 $0x70, s21;
	s14 =	sadd.s32 s7, s6;
	s15 =	ssub.s32 s8, s25  }
0xf: {  	s16 =	sadd.s32 s26, s3;
	s6 =	sadd.s32 $0x35000, s13;
	s7 =	sor.u32 $0x1C01, s28  }
0x10: {  	s8 =	sadd.s32 s12, s29;
	s12 =	sadd.s32 s12, s30;
	s22 =	sadd.s32 s10, s20  }
0x11: {  	s20 =	sadd.s32 s11, s20;
	s13 =	simm.s32 $0x1;
	s10 =	sadd.s32 s21, s12  }
.Ltmp0:
0x12: {  	s24 =	sadd.s32 $0x49000, s14;
	s11 =	smax.u32 s15, $0x1;
	(pc) =	sbr.rel .LBB2_1-.Ltmp0, $4  }
0x13: {  	s12 =	sshrl.u32 s16, $0x3;
	s14 =	sadd.s32 s19, s17;
	s15 =	sadd.s32 s19, s18  }
0x14: {  	s16 =	simm.s32 $0xE000;
	s17 =	sadd.s32 s19, s22;
	s18 =	simm.s32 $0x2800  }
0x15: {  	s19 =	sadd.s32 s19, s20;
	s20 =	simm.s32 $0x7800;
	s21 =	simm.s32 $0x80  }
0x16: {  	vm0 =	vmmov $0x1;
	vm1 =	vcmask $0x308;
	s22 =	simm.s32 $0xA000;
	s23 =	sadd.s32 s23, s24;
	s24 =	simm.s32 $0x0  }
.LBB2_8:
0x17: {  	[sflag:s13] =	ssyncadd.s32 $0xFFFFC000  }
.LBB2_9:
0x18: {  	s24 =	sadd.s32 $0x1, s24  }
0x19: {  	p0 =	sne.s32 s24, s11  }
.Ltmp1:
0x1a: {  	[bflag:$0x0] =	sbarrier.arrive $0xFFFF;
	(pc) =	sbr.rel @!p0 .LBB2_10-.Ltmp1, $4  }
0x1b: {  	[hbm:s23], [sflag:s7] =	dma.local [spmem:s12], $0x1400  }
0x1c: {  	_ =	swait.ge [sflag:s13], $0x1400  }
0x1d: {  	[sflag:s13] =	ssyncset.done $0x0  }
0x1e: {  	[sflag:s13] =	ssyncadd.s32 $0xFFFFEC00  }
.LBB2_1:
0x1f: {  	[spmem:s12], [sflag:s7] =	dma.local [hbm:s6], $0x1400  }
0x20: {  	_ =	swait.ge [sflag:s13], $0x1400  }
0x21: {  	[sflag:s13] =	ssyncset.done $0x0  }
0x22: {  	[sflag:s13] =	ssyncadd.s32 $0xFFFFEC00  }
0x23: {  	[tilespmem:s4], [sflag:$0x1] =	stream.linear.gather [hbm4b:s14+s4], $0x2800, $0x38;
	[tilespmem:$0x18080] =	vst v63  }
0x24: {  	_ =	swait.ge [sflag:s13], $0x2800  }
0x25: {  	[sflag:s13] =	ssyncset.done $0x0  }
0x26: {  	s25 =	simm.s32 $0x5000;
	[sflag:s13] =	ssyncadd.s32 $0xFFFFD800  }
0x27: {  	[tilespmem:s25], [sflag:$0x1] =	stream.linear.gather [hbm4b:s15+s4], $0x2800, $0x38;
	[tilespmem:$0x18080] =	vst v63  }
0x28: {  	_ =	swait.ge [sflag:s13], $0x2800  }
0x29: {  	[sflag:s13] =	ssyncset.done $0x0  }
0x2a: {  	[sflag:s13] =	ssyncadd.s32 $0xFFFFD800  }
0x2b: {  	[tilespmem:s16], [sflag:$0x1] =	stream.linear.gather [hbm4b:s8+s4], $0x80, $0x38;
	[tilespmem:$0x18080] =	vst v63  }
0x2c: {  	_ =	swait.ge [sflag:s13], $0x80  }
0x2d: {  	[sflag:s13] =	ssyncset.done $0x0  }
0x2e: {  	[sflag:s13] =	ssyncadd.s32 $0xFFFFFF80  }
0x2f: {  	v0 =	vld [tilespmem:$0xE000];
	_ =	sdelay $0x4  }
0x30: {  	v1 =	vnsel vm0, $0x0, v0  }
0x31: {  	v0 =	vsel vm1, $0x0, v0;
	(xrf0) =	vadd.scan.msk.s32 $0xffff, v1  }
0x32: {  	(xrf0) =	vadd.scan.msk.s32 $0xffff, v0;
	_ =	sdelay $0x4  }
0x33: {  	v58, _, _ =	vpop (xrf0)  }
0x34: {  	(v2sf) =	vpush v58, $0xF;
	v59, _, _ =	vpop (xrf0)  }
0x35: {  	(v2sf) =	vpush v59, $0xF;
	_ =	sdelay $0xd  }
0x36: {  	s26 =	spop (v2sf)  }
0x37: {  	s28 =	spop (v2sf);
	s26 =	smul.u32 s9, s26  }
0x38: {  	s28 =	smul.u32 s5, s28  }
0x39: {  	[tilespmem:s18], [sflag:$0x1] =	stream.linear.gather [hbm4b:s17+s4], $0x2800, $0x38;
	[tilespmem:$0x18080] =	vst v63  }
0x3a: {  	s26 =	sadd.s32 s28, s26  }
0x3b: {  	[smem:$0x0] =	sst s26  }
0x3c: {  	_ =	swait.ge [sflag:s13], $0x2800  }
0x3d: {  	[sflag:s13] =	ssyncset.done $0x0  }
0x3e: {  	[sflag:s13] =	ssyncadd.s32 $0xFFFFD800  }
0x3f: {  	[tilespmem:s20], [sflag:$0x1] =	stream.linear.gather [hbm4b:s19+s4], $0x2800, $0x38;
	[tilespmem:$0x18080] =	vst v63  }
0x40: {  	_ =	swait.ge [sflag:s13], $0x2800  }
0x41: {  	[sflag:s13] =	ssyncset.done $0x0  }
0x42: {  	[sflag:s13] =	ssyncadd.s32 $0xFFFFD800  }
0x43: {  	[tilespmem:s16], [sflag:$0x1] =	stream.linear.gather [hbm4b:s10+s4], $0x80, $0x38;
	[tilespmem:$0x18080] =	vst v63  }
0x44: {  	_ =	swait.ge [sflag:s13], $0x80  }
0x45: {  	[sflag:s13] =	ssyncset.done $0x0  }
0x46: {  	[sflag:s13] =	ssyncadd.s32 $0xFFFFFF80  }
0x47: {  	v60 =	vld [tilespmem:$0xE000];
	_ =	sdelay $0x4  }
0x48: {  	v61 =	vnsel vm0, $0x0, v60  }
0x49: {  	v0 =	vsel vm1, $0x0, v60;
	(xrf0) =	vadd.scan.msk.s32 $0xffff, v61  }
0x4a: {  	(xrf0) =	vadd.scan.msk.s32 $0xffff, v0;
	_ =	sdelay $0x4  }
0x4b: {  	v62, _, _ =	vpop (xrf0)  }
0x4c: {  	(v2sf) =	vpush v62, $0xF;
	v63, _, _ =	vpop (xrf0)  }
0x4d: {  	(v2sf) =	vpush v63, $0xF;
	_ =	sdelay $0xd  }
0x4e: {  	s30 =	spop (v2sf)  }
0x4f: {  	s31 =	spop (v2sf);
	s26 =	smul.u32 s9, s30  }
0x50: {  	s28 =	smul.u32 s5, s31;
	_ =	sdelay $0x1  }
0x51: {  	s26 =	sadd.s32 s28, s26  }
0x52: {  	[smem:$0x1] =	sst s26  }
0x53: {  	[bflag:$0x0] =	sbarrier.arrive $0xFFFF  }
0x54: {  	s26 =	sld [smem:$0x0];
	_ =	sdelay $0x2  }
0x55: {  	p0 =	slt.s32 s26, $0x1  }
.Ltmp2:
0x56: {  	_ = 	snop;
	(pc) =	sbr.rel @p0 .LBB2_5-.Ltmp2, $1  }
0x57: {  	_ =	sdelay $0x3  }
0x58: {  	[tilespmem:s22], [sflag:$0x1] =	stream.indirect.gather [hbm4b:s1+s21], $0x80, s4, s21, $0xb8;
	[tilespmem:$0x18080] =	vst v63  }
0x59: {  	p0 =	sne.s32 s26, $0x1;
	_ =	swait.ge [sflag:s13], $0x4000  }
.Ltmp3:
0x5a: {  	[sflag:s13] =	ssyncset.done $0x0;
	(pc) =	sbr.rel @!p0 .LBB2_4-.Ltmp3, $4  }
0x5b: {  	[sflag:s13] =	ssyncadd.s32 $0xFFFFC000  }
0x5c: {  	[spmem:s3] =	stream.indirect.scatter.add.f32 [tilespmem:s22], [sflag:$0x1], $0x80, s25, s21, $0xb8;
	[tilespmem:$0x18080] =	vst v63  }
0x5d: {  	_ =	swait.ge [sflag:s13], $0x4000  }
0x5e: {  	s26 =	sadd.s32 $0xFFFFFFFF, s26;
	s28 =	simm.s32 $0x0;
	[sflag:s13] =	ssyncset.done $0x0  }
.LBB2_3:
0x5f: {  	[sflag:s13] =	ssyncadd.s32 $0xFFFFC000;
	s28 =	sadd.s32 $0x80, s28;
	s25 =	sadd.s32 $0x80, s25  }
0x60: {  	[tilespmem:s22], [sflag:$0x1] =	stream.indirect.gather [hbm4b:s1+s21], $0x80, s28, s21, $0xb8;
	[tilespmem:$0x18080] =	vst v63  }
0x61: {  	p0 =	sne.s32 s26, $0x1;
	s26 =	sadd.s32 $0xFFFFFFFF, s26;
	_ =	swait.ge [sflag:s13], $0x4000  }
.Ltmp4:
0x62: {  	[sflag:s13] =	ssyncset.done $0x0;
	(pc) =	sbr.rel @p0 .LBB2_3-.Ltmp4, $4  }
0x63: {  	[sflag:s13] =	ssyncadd.s32 $0xFFFFC000  }
0x64: {  	[spmem:s3] =	stream.indirect.scatter.add.f32 [tilespmem:s22], [sflag:$0x1], $0x80, s25, s21, $0xb8;
	[tilespmem:$0x18080] =	vst v63  }
0x65: {  	_ =	swait.ge [sflag:s13], $0x4000  }
0x66: {  	[sflag:s13] =	ssyncset.done $0x0  }
.LBB2_4:
0x67: {  	[sflag:s13] =	ssyncadd.s32 $0xFFFFC000  }
.LBB2_5:
0x68: {  	s28 =	sld [smem:$0x1];
	_ =	sdelay $0x2  }
0x69: {  	p0 =	slt.s32 s28, $0x1  }
.Ltmp5:
0x6a: {  	_ = 	snop;
	(pc) =	sbr.rel @p0 .LBB2_9-.Ltmp5, $1  }
0x6b: {  	_ =	sdelay $0x3  }
0x6c: {  	s25 =	simm.s32 $0x2800  }
0x6d: {  	[tilespmem:s22], [sflag:$0x1] =	stream.indirect.gather [hbm4b:s1+s21], $0x80, s25, s21, $0xb8;
	[tilespmem:$0x18080] =	vst v63  }
0x6e: {  	p0 =	sne.s32 s28, $0x1;
	_ =	swait.ge [sflag:s13], $0x4000  }
.Ltmp6:
0x6f: {  	[sflag:s13] =	ssyncset.done $0x0;
	(pc) =	sbr.rel @!p0 .LBB2_8-.Ltmp6, $4  }
0x70: {  	s26 =	simm.s32 $0x7800;
	[sflag:s13] =	ssyncadd.s32 $0xFFFFC000  }
0x71: {  	[spmem:s3] =	stream.indirect.scatter.add.f32 [tilespmem:s22], [sflag:$0x1], $0x80, s26, s21, $0xb8;
	[tilespmem:$0x18080] =	vst v63  }
0x72: {  	_ =	swait.ge [sflag:s13], $0x4000  }
0x73: {  	s28 =	sadd.s32 $0xFFFFFFFF, s28;
	[sflag:s13] =	ssyncset.done $0x0  }
.LBB2_7:
0x74: {  	[sflag:s13] =	ssyncadd.s32 $0xFFFFC000;
	s25 =	sadd.s32 $0x80, s25;
	s26 =	sadd.s32 $0x80, s26  }
0x75: {  	[tilespmem:s22], [sflag:$0x1] =	stream.indirect.gather [hbm4b:s1+s21], $0x80, s25, s21, $0xb8;
	[tilespmem:$0x18080] =	vst v63  }
0x76: {  	p0 =	sne.s32 s28, $0x1;
	s28 =	sadd.s32 $0xFFFFFFFF, s28;
	_ =	swait.ge [sflag:s13], $0x4000  }
.Ltmp7:
0x77: {  	[sflag:s13] =	ssyncset.done $0x0;
	(pc) =	sbr.rel @p0 .LBB2_7-.Ltmp7, $4  }
0x78: {  	[sflag:s13] =	ssyncadd.s32 $0xFFFFC000  }
0x79: {  	[spmem:s3] =	stream.indirect.scatter.add.f32 [tilespmem:s22], [sflag:$0x1], $0x80, s26, s21, $0xb8;
	[tilespmem:$0x18080] =	vst v63  }
0x7a: {  	_ =	swait.ge [sflag:s13], $0x4000  }
0x7b: {  	[sflag:s13] =	ssyncset.done $0x0  }
.Ltmp8:
0x7c: {  	_ = 	snop;
	(pc) =	sbr.rel .LBB2_8-.Ltmp8, $1  }
0x7d: {  	_ =	sdelay $0x3  }
.LBB2_10:
0x7e: {  	_ =	sfence.sel $0x180000  }
0x7f: {  	[bflag:$0x0] =	sbarrier.arrive $0xFFFF  }
0x80: {  	p0 =	sne.s32 s2, $0x0;
	_ =	strace $0x9000004A  }
0x81: {  	s0 =	sadd.s32 @!p0 $0x100000, s0;
	[bflag:$0x2] =	sbarrier.arrive $0xFFFF  }
0x82: {  	[sflag:s0] =	ssyncadd.tile.s32 @!p0 $0x1;
	_ =	shalt  }
.Lfunc_end2:
_tile_overlayer_lowered:
.L_overlay_start_2:
0x83: {  	(tag) =	ssettag $0x2  }
0x84: {  	s0 =	rddreg [dreg:$0x0];
	s2 =	stileid.u32  }
0x85: {  	s1 =	rddreg [dreg:$0x1];
	p0 =	sne.s32 s2, $0x0  }
0x86: {  	s3 =	rddreg [dreg:$0x2];
	[bflag:$0x3] =	sbarrier.arrive $0xFFFF;
	s2 =	simm.s32 @!p0 $0x1C01  }
0x87: {  	[timem:s3], [sflag:s2] =	dma.local @!p0 [hbm:s0], s1  }
0x88: {  	s0 =	simm.s32 @!p0 $0x1  }
0x89: {  	_ =	swait.ge @!p0 [sflag:s0], s1  }
0x8a: {  	s1 =	ssub.s32 @!p0 $0x0, s1;
	[sflag:s0] =	ssyncset.done @!p0 $0x0  }
0x8b: {  	[sflag:s0] =	ssyncadd.s32 @!p0 s1  }
0x8c: {  	[bflag:$0x3] =	sbarrier.arrive $0xFFFF  }
0x8d: {  	_ =	shalt  }

// kernel: kernel.15.cloned.1.call-start
scs
__scs_entry_jumppad:
0x0: {  	(pc) =	sbr.rel $0x88, $3  }
0x1: {  	(tag) =	ssettag $0x0;
	lr =	simm.s32 $0x1  }
0x2: {  	[smem:$0x3F9B] =	sst lr;
	_ =	strace $0xD0000000  }
0x3: {  	_ = 	snop  }
0x4: {  	_ = 	snop  }
0x5: {  	_ = 	snop  }
0x6: {  	_ = 	snop  }
0x7: {  	_ = 	snop  }
__scs_overlays_trampoline_lowered:
0x8: {  	[smem:$0x3FAA] =	sst s0  }
0x9: {  	[smem:$0x3FAB] =	sst s1  }
0xa: {  	[smem:$0x3FAC] =	sst s2  }
0xb: {  	[smem:$0x3FAD] =	sst s3  }
0xc: {  	[smem:$0x3FAE] =	sst s4  }
0xd: {  	[smem:$0x3FAF] =	sst s5  }
0xe: {  	[smem:$0x3FB0] =	sst s6  }
0xf: {  	[smem:$0x3FB1] =	sst s7  }
0x10: {  	[smem:$0x3FB2] =	sst s8  }
0x11: {  	[smem:$0x3FB3] =	sst s9;
	s0 =	simm.s32 @!p0 $0x0  }
0x12: {  	s1 =	sld [smem:$0x3F99];
	s0 =	simm.s32 @p0 $0x1  }
0x13: {  	[smem:$0x3FB4] =	sst s0;
	s0 =	simm.s32 @!p1 $0x0  }
0x14: {  	s2 =	sld [smem:$0x3F98];
	s0 =	simm.s32 @p1 $0x1  }
0x15: {  	[smem:$0x3FB5] =	sst s0;
	s0 =	simm.s32 @!p2 $0x0  }
0x16: {  	s3 =	sld [smem:$0x3FDB];
	s0 =	simm.s32 @p2 $0x1  }
0x17: {  	s4 =	simm.s32 $0x1BF5;
	[smem:$0x3FB7] =	sst s0  }
0x18: {  	s0 =	sld [smem:$0x3F9A];
	_ =	swait.ge [sflag:s4], $0x0  }
0x19: {  	s7 =	sld [smem:$0x3F9B]  }
0x1a: {  	s8 =	sadd.s32 $0xFFFFE003, lr  }
0x1b: {  	s9 =	sadd.s32 $0xFFFFFEF7, lr;
	s5 =	simm.s32 $0xFFFFFFFF;
	p2 =	slt.u32 s8, $0xFFFFF086  }
0x1c: {  	p1 =	slt.u32 s9, $0xF7A;
	s5 =	simm.s32 @!p2 $0x0  }
0x1d: {  	s5 =	simm.s32 @p1 $0x1;
	p0 =	seq.s32 s7, s2  }
0x1e: {  	s7 =	smul.u32 @!p0 $0xF7A, s2;
	p2 =	seq.s32 @!p0 s5, $0x0  }
0x1f: {  	s9 =	smul.u32 $0xF7A, s1;
	s8 =	simm.s32 @!p0 $0x1BF5;
	p2 =	por !p2, p0  }
0x20: {  	[sflag:s8] =	ssyncset.s32 @!p0 $0xFFFFF086;
	s6 =	sadd.s32 @!p0 s3, s7;
	s7 =	simm.s32 @!p0 $0x108  }
0x21: {  	s3 =	sadd.s32 s3, s9;
	s6 =	sadd.s32 @!p0 $0x88, s6;
	s7 =	simm.s32 @p2 $0x1082  }
0x22: {  	[simem:s7], [sflag:s8] =	dma.local @!p0 [hbm:s6], $0xF7A  }
0x23: {  	s9 =	sor.u32 $0xD0000000, s2;
	s6 =	simm.s32 $0x108;
	_ =	swait.ge @!p0 [sflag:s8], $0x0  }
0x24: {  	s3 =	sadd.s32 $0x88, s3;
	s6 =	simm.s32 @!p1 $0x1082;
	[sflag:s4] =	ssyncset.s32 $0xFFFFF086  }
0x25: {  	[simem:s6], [sflag:s4] =	dma.local [hbm:s3], $0xF7A  }
0x26: {  	[smem:$0x3F9B] =	sst s1;
	(tag) =	ssettag s2;
	_ =	strace s9  }
0x27: {  	s1 =	sld [smem:$0x3FAB]  }
0x28: {  	s2 =	sld [smem:$0x3FAC]  }
0x29: {  	s4 =	sld [smem:$0x3FAE]  }
0x2a: {  	p0 =	seq.s32 s5, $0x0;
	s5 =	sld [smem:$0x3FAF]  }
0x2b: {  	s6 =	sld [smem:$0x3FB0]  }
0x2c: {  	s7 =	sld [smem:$0x3FB1]  }
0x2d: {  	s3 =	simm.s32 $0x108;
	s8 =	sld [smem:$0x3FB2]  }
0x2e: {  	s3 =	simm.s32 @!p0 $0x1082;
	s9 =	sld [smem:$0x3FB3]  }
0x2f: {  	lr =	sadd.s32 s0, s3;
	s0 =	sld [smem:$0x3FAA]  }
0x30: {  	s3 =	sld [smem:$0x3FAD]  }
0x31: {  	[smem:$0x3FB6] =	sst s10  }
0x32: {  	s10 =	sld [smem:$0x3FB4];
	_ =	sdelay $0x3  }
0x33: {  	p0 =	seq.s32 s10, $0x1;
	s10 =	sld [smem:$0x3FB6];
	_ =	sdelay $0x3  }
0x34: {  	[smem:$0x3FB6] =	sst s10  }
0x35: {  	s10 =	sld [smem:$0x3FB5];
	_ =	sdelay $0x3  }
0x36: {  	p1 =	seq.s32 s10, $0x1;
	s10 =	sld [smem:$0x3FB6];
	_ =	sdelay $0x3  }
0x37: {  	[smem:$0x3FB6] =	sst s10  }
0x38: {  	s10 =	sld [smem:$0x3FB7]  }
0x39: {  	_ = 	snop;
	(pc) =	sbr.ind lr, $3  }
0x3a: {  	_ = 	snop  }
0x3b: {  	_ = 	snop  }
0x3c: {  	p2 =	seq.s32 s10, $0x1;
	s10 =	sld [smem:$0x3FB6]  }
0x3d: {  	_ =	shalt  }
0x3e: {  	_ =	shalt  }
0x3f: {  	_ =	shalt  }
0x40: {  	_ =	shalt  }
0x41: {  	_ =	shalt  }
0x42: {  	_ =	shalt  }
0x43: {  	_ =	shalt  }
0x44: {  	_ =	shalt  }
0x45: {  	_ =	shalt  }
0x46: {  	_ =	shalt  }
0x47: {  	_ =	shalt  }
0x48: {  	_ =	shalt  }
0x49: {  	_ =	shalt  }
0x4a: {  	_ =	shalt  }
0x4b: {  	_ =	shalt  }
0x4c: {  	_ =	shalt  }
0x4d: {  	_ =	shalt  }
0x4e: {  	_ =	shalt  }
0x4f: {  	_ =	shalt  }
0x50: {  	_ =	shalt  }
0x51: {  	_ =	shalt  }
0x52: {  	_ =	shalt  }
0x53: {  	_ =	shalt  }
0x54: {  	_ =	shalt  }
0x55: {  	_ =	shalt  }
0x56: {  	_ =	shalt  }
0x57: {  	_ =	shalt  }
0x58: {  	_ =	shalt  }
0x59: {  	_ =	shalt  }
0x5a: {  	_ =	shalt  }
0x5b: {  	_ =	shalt  }
0x5c: {  	_ =	shalt  }
0x5d: {  	_ =	shalt  }
0x5e: {  	_ =	shalt  }
0x5f: {  	_ =	shalt  }
0x60: {  	_ =	shalt  }
0x61: {  	_ =	shalt  }
0x62: {  	_ =	shalt  }
0x63: {  	_ =	shalt  }
0x64: {  	_ =	shalt  }
0x65: {  	_ =	shalt  }
0x66: {  	_ =	shalt  }
0x67: {  	_ =	shalt  }
0x68: {  	_ =	shalt  }
0x69: {  	_ =	shalt  }
0x6a: {  	_ =	shalt  }
0x6b: {  	_ =	shalt  }
0x6c: {  	_ =	shalt  }
0x6d: {  	_ =	shalt  }
0x6e: {  	_ =	shalt  }
0x6f: {  	_ =	shalt  }
0x70: {  	_ =	shalt  }
0x71: {  	_ =	shalt  }
0x72: {  	_ =	shalt  }
0x73: {  	_ =	shalt  }
0x74: {  	_ =	shalt  }
0x75: {  	_ =	shalt  }
0x76: {  	_ =	shalt  }
0x77: {  	_ =	shalt  }
0x78: {  	_ =	shalt  }
0x79: {  	_ =	shalt  }
0x7a: {  	_ =	shalt  }
0x7b: {  	_ =	shalt  }
0x7c: {  	_ =	shalt  }
0x7d: {  	_ =	shalt  }
0x7e: {  	_ =	shalt  }
0x7f: {  	_ =	shalt  }
0x80: {  	_ =	shalt  }
0x81: {  	_ =	shalt  }
0x82: {  	_ =	shalt  }
0x83: {  	_ =	shalt  }
0x84: {  	_ =	shalt  }
0x85: {  	_ =	shalt  }
0x86: {  	_ =	shalt  }
0x87: {  	_ =	shalt  }
.Lfunc_end0:
.L_simem_size_0:
called_computation.2_lowered:
.L_overlay_start_0:
0x88: {  	s2 =	sld [smem:$0x3FD9]  }
0x89: {  	s3 =	sld [smem:$0x3FFE];
	_ =	sdelay $0x1  }
0x8a: {  	s1 =	srdreg.scid  }
0x8b: {  	s0 =	sand.u32 $0x1, s1  }
0x8c: {  	s17 =	sshll.u32 s0, $0xA;
	s2 =	sadd.s32 s3, s2  }
0x8d: {  	s2 =	sadd.s32 s2, s17  }
0x8e: {  	[smem:$0x3FC2] =	sst s2  }
0x8f: {  	_ = 	snop  }
0x90: {  	s2 =	sld [smem:$0x3FD0];
	(tm) =	ssettm $0x1  }
0x91: {  	s18 =	sld [smem:$0x3FFB];
	_ =	sdelay $0x3  }
0x92: {  	_ =	strace s18  }
0x93: {  	s3 =	sld [smem:$0x3FFC];
	_ =	sdelay $0x3  }
0x94: {  	_ =	strace s3  }
0x95: {  	s3 =	sld [smem:$0x3FFD];
	_ =	sdelay $0x3  }
0x96: {  	_ =	strace s3  }
0x97: {  	_ =	strace $0x8FFFFFFF  }
0x98: {  	s19 =	sld [smem:$0x3FDB];
	_ =	sdelay $0x1  }
0x99: {  	s4 =	simm.s32 $_scs_section_size  }
0x9a: {  	s5 =	simm.s32 $_size__tile_overlayer_lowered;
	s6 =	simm.s32 $_tile_overlayer_lowered  }
0x9b: {  	s22 =	simm.s32 $0x1BFF;
	s21 =	sshll.u32 s6, $0x1;
	s3 =	sadd.s32 s4, s19  }
0x9c: {  	s7 =	simm.s32 $0x0;
	s20 =	sshll.u32 s5, $0x1;
	s5 =	sadd.s32 s21, s3  }
0x9d: {  	[timem:s7], [sflag:s22] =	dma.local [hbm:s5], s20  }
0x9e: {  	_ =	swait.ge [sflag:s22], s20  }
0x9f: {  	s4 =	ssub.s32 $0x0, s20;
	[sflag:s22] =	ssyncset.done $0x0  }
0xa0: {  	[sflag:s22] =	ssyncadd.s32 s4;
	_ =	sdelay $0x1  }
0xa1: {  	s23 =	simm.s32 $0x1B8B  }
0xa2: {  	_ =	swait.ge [sflag:s23], $0x1  }
0xa3: {  	[sflag:s23] =	ssyncset.done $0x0  }
0xa4: {  	s25 =	simm.s32 $0x1B8E;
	s24 =	sld [smem:$0x3FFE];
	[sflag:s23] =	ssyncadd.s32 $0xFFFFFFFF  }
0xa5: {  	s26 =	simm.s32 $execute0_lowered;
	[smem:$0x3FD2] =	sst s25  }
0xa6: {  	s5 =	sshll.u32 s26, $0x1;
	_ =	strace $0x8000004C;
	[dreg:$0x1] =	wrdreg $0xFFFFFFFF  }
0xa7: {  	s28 =	simm.s32 $_size_execute0_lowered;
	s3 =	sadd.s32 s3, s5;
	[dreg:$0x0] =	wrdreg $0x0  }
0xa8: {  	s5 =	sshll.u32 s28, $0x1;
	[dreg:$0x2] =	wrdreg s3  }
0xa9: {  	[dreg:$0x3] =	wrdreg s5  }
0xaa: {  	[dreg:$0x4] =	wrdreg $0xC0  }
0xab: {  	_ =	task [dreg:s7], $0x5FFFF  }
0xac: {  	[dreg:$0x1] =	wrdreg $0xFFFFFFFF  }
0xad: {  	[dreg:$0x0] =	wrdreg $0x60  }
0xae: {  	[dreg:$0x2] =	wrdreg s2  }
0xaf: {  	[dreg:$0x3] =	wrdreg s24  }
0xb0: {  	[dreg:$0x4] =	wrdreg $0xE0800  }
0xb1: {  	[dreg:$0x5] =	wrdreg $0x9  }
0xb2: {  	_ =	task.clear_ibuf [dreg:s7], $0x6FFFF;
	_ =	strace $0x9000004C  }
0xb3: {  	s29 =	simm.s32 $0x9;
	_ =	strace $0x8000004E  }
0xb4: {  	_ =	swait.ge [sflag:s29], $0x1  }
0xb5: {  	[sflag:s29] =	ssyncadd.s32 $0xFFFFFFFF  }
0xb6: {  	_ =	strace $0x9000004E  }
0xb7: {  	_ =	sfence  }
0xb8: {  	s30 =	sld [smem:$0x0];
	_ =	sdelay $0x2  }
0xb9: {  	s31 =	sshll.u32 s1, $0xD;
	s1 =	sshrl.u32 s1, $0x2  }
0xba: {  	s3 =	sand.u32 $0x4000, s31;
	s1 =	sadd.s32 s1, s30  }
0xbb: {  	s0 =	sor.u32 s3, s0;
	s1 =	sshll.u32 s1, $0x11  }
0xbc: {  	s0 =	sor.u32 s1, s0  }
0xbd: {  	s0 =	sadd.s32 $0x8F2B, s0  }
0xbe: {  	[sflag:s0] =	ssyncadd.remote.s32 $0x1  }
0xbf: {  	_ =	sfence.sel $0xFFFF  }
0xc0: {  	[dreg:$0x0] =	wrdreg $0xFFFFFFFF;
	(pc) =	sbr.abs _section_cstart, $3  }
0xc1: {  	[dreg:$0x1] =	wrdreg $0xFFFFFFFF  }
0xc2: {  	_ =	task.clear_ibuf [dreg:s7], $0x2FFFF;
	_ =	strace $0x9FFFFFFF  }
0xc3: {  	(tm) =	ssettm $0x7FFFFFFF  }
tec
execute0_lowered:
.L_overlay_start_1:
0x0: {  	(tag) =	ssettag $0x1  }
0x1: {  	s1 =	rddreg [dreg:$0x0]  }
0x2: {  	s6 =	rddreg [dreg:$0x1]  }
0x3: {  	s3 =	rddreg [dreg:$0x2]  }
0x4: {  	s0 =	rddreg [dreg:$0x3]  }
0x5: {  	s4 =	simm.s32 $0x0;
	s2 =	stileid.u32;
	s5 =	srdreg.scid  }
0x6: {  	[smem:$0x7FF] =	sst s4;
	s23 =	smul.u32 $0x1400, s2  }
0x7: {  	s5 =	sand.u32 $0x1, s5;
	s10 =	sadd.s32 $0x3000, s6;
	s11 =	sadd.s32 $0x17000, s6  }
0x8: {  	s12 =	sadd.s32 $0x34E00, s6;
	s9 =	smul.u32 $0x28000, s2;
	s28 =	sshll.u32 s2, $0x6  }
0x9: {  	s29 =	sshll.u32 s2, $0x5;
	s31 =	sshllo.u32 s2, $0x1;
	s7 =	smul.u32 $0x14000, s5  }
0xa: {  	_ =	strace $0x8000004D;
	s8 =	ssub.s32 $0x2, s5;
	s19 =	smul.u32 $0x500, s5  }
0xb: {  	s30 =	sand.u32 $0x180, s29;
	s20 =	smul.u32 $0xA00, s31;
	s21 =	sshll.u32 s31, $0x4  }
0xc: {  	s13 =	sadd.s32 s23, s6;
	s25 =	sshrl.u32 s8, $0x1;
	s26 =	sshrl.u32 s9, $0x2  }
0xd: {  	s17 =	sadd.s32 s10, s23;
	s18 =	sadd.s32 s11, s23;
	s9 =	sxor.u32 $0x1, s5  }
0xe: {  	s21 =	sand.u32 $0x70, s21;
	s14 =	sadd.s32 s7, s6;
	s15 =	ssub.s32 s8, s25  }
0xf: {  	s16 =	sadd.s32 s26, s3;
	s6 =	sadd.s32 $0x35000, s13;
	s7 =	sor.u32 $0x1C01, s28  }
0x10: {  	s8 =	sadd.s32 s12, s29;
	s12 =	sadd.s32 s12, s30;
	s22 =	sadd.s32 s10, s20  }
0x11: {  	s20 =	sadd.s32 s11, s20;
	s13 =	simm.s32 $0x1;
	s10 =	sadd.s32 s21, s12  }
.Ltmp0:
0x12: {  	s24 =	sadd.s32 $0x49000, s14;
	s11 =	smax.u32 s15, $0x1;
	(pc) =	sbr.rel .LBB2_1-.Ltmp0, $4  }
0x13: {  	s12 =	sshrl.u32 s16, $0x3;
	s14 =	sadd.s32 s19, s17;
	s15 =	sadd.s32 s19, s18  }
0x14: {  	s16 =	simm.s32 $0xE000;
	s17 =	sadd.s32 s19, s22;
	s18 =	simm.s32 $0x2800  }
0x15: {  	s19 =	sadd.s32 s19, s20;
	s20 =	simm.s32 $0x7800;
	s21 =	simm.s32 $0x80  }
0x16: {  	vm0 =	vmmov $0x1;
	vm1 =	vcmask $0x308;
	s22 =	simm.s32 $0xA000;
	s23 =	sadd.s32 s23, s24;
	s24 =	simm.s32 $0x0  }
.LBB2_8:
0x17: {  	[sflag:s13] =	ssyncadd.s32 $0xFFFFC000  }
.LBB2_9:
0x18: {  	s24 =	sadd.s32 $0x1, s24  }
0x19: {  	p0 =	sne.s32 s24, s11  }
.Ltmp1:
0x1a: {  	[bflag:$0x0] =	sbarrier.arrive $0xFFFF;
	(pc) =	sbr.rel @!p0 .LBB2_10-.Ltmp1, $4  }
0x1b: {  	[hbm:s23], [sflag:s7] =	dma.local [spmem:s12], $0x1400  }
0x1c: {  	_ =	swait.ge [sflag:s13], $0x1400  }
0x1d: {  	[sflag:s13] =	ssyncset.done $0x0  }
0x1e: {  	[sflag:s13] =	ssyncadd.s32 $0xFFFFEC00  }
.LBB2_1:
0x1f: {  	[spmem:s12], [sflag:s7] =	dma.local [hbm:s6], $0x1400  }
0x20: {  	_ =	swait.ge [sflag:s13], $0x1400  }
0x21: {  	[sflag:s13] =	ssyncset.done $0x0  }
0x22: {  	[sflag:s13] =	ssyncadd.s32 $0xFFFFEC00  }
0x23: {  	[tilespmem:s4], [sflag:$0x1] =	stream.linear.gather [hbm4b:s14+s4], $0x2800, $0x38;
	[tilespmem:$0x18080] =	vst v63  }
0x24: {  	_ =	swait.ge [sflag:s13], $0x2800  }
0x25: {  	[sflag:s13] =	ssyncset.done $0x0  }
0x26: {  	s25 =	simm.s32 $0x5000;
	[sflag:s13] =	ssyncadd.s32 $0xFFFFD800  }
0x27: {  	[tilespmem:s25], [sflag:$0x1] =	stream.linear.gather [hbm4b:s15+s4], $0x2800, $0x38;
	[tilespmem:$0x18080] =	vst v63  }
0x28: {  	_ =	swait.ge [sflag:s13], $0x2800  }
0x29: {  	[sflag:s13] =	ssyncset.done $0x0  }
0x2a: {  	[sflag:s13] =	ssyncadd.s32 $0xFFFFD800  }
0x2b: {  	[tilespmem:s16], [sflag:$0x1] =	stream.linear.gather [hbm4b:s8+s4], $0x80, $0x38;
	[tilespmem:$0x18080] =	vst v63  }
0x2c: {  	_ =	swait.ge [sflag:s13], $0x80  }
0x2d: {  	[sflag:s13] =	ssyncset.done $0x0  }
0x2e: {  	[sflag:s13] =	ssyncadd.s32 $0xFFFFFF80  }
0x2f: {  	v0 =	vld [tilespmem:$0xE000];
	_ =	sdelay $0x4  }
0x30: {  	v1 =	vnsel vm0, $0x0, v0  }
0x31: {  	v0 =	vsel vm1, $0x0, v0;
	(xrf0) =	vadd.scan.msk.s32 $0xffff, v1  }
0x32: {  	(xrf0) =	vadd.scan.msk.s32 $0xffff, v0;
	_ =	sdelay $0x4  }
0x33: {  	v58, _, _ =	vpop (xrf0)  }
0x34: {  	(v2sf) =	vpush v58, $0xF;
	v59, _, _ =	vpop (xrf0)  }
0x35: {  	(v2sf) =	vpush v59, $0xF;
	_ =	sdelay $0xd  }
0x36: {  	s26 =	spop (v2sf)  }
0x37: {  	s28 =	spop (v2sf);
	s26 =	smul.u32 s9, s26  }
0x38: {  	s28 =	smul.u32 s5, s28  }
0x39: {  	[tilespmem:s18], [sflag:$0x1] =	stream.linear.gather [hbm4b:s17+s4], $0x2800, $0x38;
	[tilespmem:$0x18080] =	vst v63  }
0x3a: {  	s26 =	sadd.s32 s28, s26  }
0x3b: {  	[smem:$0x0] =	sst s26  }
0x3c: {  	_ =	swait.ge [sflag:s13], $0x2800  }
0x3d: {  	[sflag:s13] =	ssyncset.done $0x0  }
0x3e: {  	[sflag:s13] =	ssyncadd.s32 $0xFFFFD800  }
0x3f: {  	[tilespmem:s20], [sflag:$0x1] =	stream.linear.gather [hbm4b:s19+s4], $0x2800, $0x38;
	[tilespmem:$0x18080] =	vst v63  }
0x40: {  	_ =	swait.ge [sflag:s13], $0x2800  }
0x41: {  	[sflag:s13] =	ssyncset.done $0x0  }
0x42: {  	[sflag:s13] =	ssyncadd.s32 $0xFFFFD800  }
0x43: {  	[tilespmem:s16], [sflag:$0x1] =	stream.linear.gather [hbm4b:s10+s4], $0x80, $0x38;
	[tilespmem:$0x18080] =	vst v63  }
0x44: {  	_ =	swait.ge [sflag:s13], $0x80  }
0x45: {  	[sflag:s13] =	ssyncset.done $0x0  }
0x46: {  	[sflag:s13] =	ssyncadd.s32 $0xFFFFFF80  }
0x47: {  	v60 =	vld [tilespmem:$0xE000];
	_ =	sdelay $0x4  }
0x48: {  	v61 =	vnsel vm0, $0x0, v60  }
0x49: {  	v0 =	vsel vm1, $0x0, v60;
	(xrf0) =	vadd.scan.msk.s32 $0xffff, v61  }
0x4a: {  	(xrf0) =	vadd.scan.msk.s32 $0xffff, v0;
	_ =	sdelay $0x4  }
0x4b: {  	v62, _, _ =	vpop (xrf0)  }
0x4c: {  	(v2sf) =	vpush v62, $0xF;
	v63, _, _ =	vpop (xrf0)  }
0x4d: {  	(v2sf) =	vpush v63, $0xF;
	_ =	sdelay $0xd  }
0x4e: {  	s30 =	spop (v2sf)  }
0x4f: {  	s31 =	spop (v2sf);
	s26 =	smul.u32 s9, s30  }
0x50: {  	s28 =	smul.u32 s5, s31;
	_ =	sdelay $0x1  }
0x51: {  	s26 =	sadd.s32 s28, s26  }
0x52: {  	[smem:$0x1] =	sst s26  }
0x53: {  	[bflag:$0x0] =	sbarrier.arrive $0xFFFF  }
0x54: {  	s26 =	sld [smem:$0x0];
	_ =	sdelay $0x2  }
0x55: {  	p0 =	slt.s32 s26, $0x1  }
.Ltmp2:
0x56: {  	_ = 	snop;
	(pc) =	sbr.rel @p0 .LBB2_5-.Ltmp2, $1  }
0x57: {  	_ =	sdelay $0x3  }
0x58: {  	[tilespmem:s22], [sflag:$0x1] =	stream.indirect.gather [hbm4b:s1+s21], $0x80, s4, s21, $0xb8;
	[tilespmem:$0x18080] =	vst v63  }
0x59: {  	p0 =	sne.s32 s26, $0x1;
	_ =	swait.ge [sflag:s13], $0x4000  }
.Ltmp3:
0x5a: {  	[sflag:s13] =	ssyncset.done $0x0;
	(pc) =	sbr.rel @!p0 .LBB2_4-.Ltmp3, $4  }
0x5b: {  	[sflag:s13] =	ssyncadd.s32 $0xFFFFC000  }
0x5c: {  	[spmem:s3] =	stream.indirect.scatter.add.f32 [tilespmem:s22], [sflag:$0x1], $0x80, s25, s21, $0xb8;
	[tilespmem:$0x18080] =	vst v63  }
0x5d: {  	_ =	swait.ge [sflag:s13], $0x4000  }
0x5e: {  	s26 =	sadd.s32 $0xFFFFFFFF, s26;
	s28 =	simm.s32 $0x0;
	[sflag:s13] =	ssyncset.done $0x0  }
.LBB2_3:
0x5f: {  	[sflag:s13] =	ssyncadd.s32 $0xFFFFC000;
	s28 =	sadd.s32 $0x80, s28;
	s25 =	sadd.s32 $0x80, s25  }
0x60: {  	[tilespmem:s22], [sflag:$0x1] =	stream.indirect.gather [hbm4b:s1+s21], $0x80, s28, s21, $0xb8;
	[tilespmem:$0x18080] =	vst v63  }
0x61: {  	p0 =	sne.s32 s26, $0x1;
	s26 =	sadd.s32 $0xFFFFFFFF, s26;
	_ =	swait.ge [sflag:s13], $0x4000  }
.Ltmp4:
0x62: {  	[sflag:s13] =	ssyncset.done $0x0;
	(pc) =	sbr.rel @p0 .LBB2_3-.Ltmp4, $4  }
0x63: {  	[sflag:s13] =	ssyncadd.s32 $0xFFFFC000  }
0x64: {  	[spmem:s3] =	stream.indirect.scatter.add.f32 [tilespmem:s22], [sflag:$0x1], $0x80, s25, s21, $0xb8;
	[tilespmem:$0x18080] =	vst v63  }
0x65: {  	_ =	swait.ge [sflag:s13], $0x4000  }
0x66: {  	[sflag:s13] =	ssyncset.done $0x0  }
.LBB2_4:
0x67: {  	[sflag:s13] =	ssyncadd.s32 $0xFFFFC000  }
.LBB2_5:
0x68: {  	s28 =	sld [smem:$0x1];
	_ =	sdelay $0x2  }
0x69: {  	p0 =	slt.s32 s28, $0x1  }
.Ltmp5:
0x6a: {  	_ = 	snop;
	(pc) =	sbr.rel @p0 .LBB2_9-.Ltmp5, $1  }
0x6b: {  	_ =	sdelay $0x3  }
0x6c: {  	s25 =	simm.s32 $0x2800  }
0x6d: {  	[tilespmem:s22], [sflag:$0x1] =	stream.indirect.gather [hbm4b:s1+s21], $0x80, s25, s21, $0xb8;
	[tilespmem:$0x18080] =	vst v63  }
0x6e: {  	p0 =	sne.s32 s28, $0x1;
	_ =	swait.ge [sflag:s13], $0x4000  }
.Ltmp6:
0x6f: {  	[sflag:s13] =	ssyncset.done $0x0;
	(pc) =	sbr.rel @!p0 .LBB2_8-.Ltmp6, $4  }
0x70: {  	s26 =	simm.s32 $0x7800;
	[sflag:s13] =	ssyncadd.s32 $0xFFFFC000  }
0x71: {  	[spmem:s3] =	stream.indirect.scatter.add.f32 [tilespmem:s22], [sflag:$0x1], $0x80, s26, s21, $0xb8;
	[tilespmem:$0x18080] =	vst v63  }
0x72: {  	_ =	swait.ge [sflag:s13], $0x4000  }
0x73: {  	s28 =	sadd.s32 $0xFFFFFFFF, s28;
	[sflag:s13] =	ssyncset.done $0x0  }
.LBB2_7:
0x74: {  	[sflag:s13] =	ssyncadd.s32 $0xFFFFC000;
	s25 =	sadd.s32 $0x80, s25;
	s26 =	sadd.s32 $0x80, s26  }
0x75: {  	[tilespmem:s22], [sflag:$0x1] =	stream.indirect.gather [hbm4b:s1+s21], $0x80, s25, s21, $0xb8;
	[tilespmem:$0x18080] =	vst v63  }
0x76: {  	p0 =	sne.s32 s28, $0x1;
	s28 =	sadd.s32 $0xFFFFFFFF, s28;
	_ =	swait.ge [sflag:s13], $0x4000  }
.Ltmp7:
0x77: {  	[sflag:s13] =	ssyncset.done $0x0;
	(pc) =	sbr.rel @p0 .LBB2_7-.Ltmp7, $4  }
0x78: {  	[sflag:s13] =	ssyncadd.s32 $0xFFFFC000  }
0x79: {  	[spmem:s3] =	stream.indirect.scatter.add.f32 [tilespmem:s22], [sflag:$0x1], $0x80, s26, s21, $0xb8;
	[tilespmem:$0x18080] =	vst v63  }
0x7a: {  	_ =	swait.ge [sflag:s13], $0x4000  }
0x7b: {  	[sflag:s13] =	ssyncset.done $0x0  }
.Ltmp8:
0x7c: {  	_ = 	snop;
	(pc) =	sbr.rel .LBB2_8-.Ltmp8, $1  }
0x7d: {  	_ =	sdelay $0x3  }
.LBB2_10:
0x7e: {  	_ =	sfence.sel $0x180000  }
0x7f: {  	[bflag:$0x0] =	sbarrier.arrive $0xFFFF  }
0x80: {  	p0 =	sne.s32 s2, $0x0;
	_ =	strace $0x9000004D  }
0x81: {  	s0 =	sadd.s32 @!p0 $0x100000, s0;
	[bflag:$0x2] =	sbarrier.arrive $0xFFFF  }
0x82: {  	[sflag:s0] =	ssyncadd.tile.s32 @!p0 $0x1;
	_ =	shalt  }
.Lfunc_end2:
_tile_overlayer_lowered:
.L_overlay_start_2:
0x83: {  	(tag) =	ssettag $0x2  }
0x84: {  	s0 =	rddreg [dreg:$0x0];
	s2 =	stileid.u32  }
0x85: {  	s1 =	rddreg [dreg:$0x1];
	p0 =	sne.s32 s2, $0x0  }
0x86: {  	s3 =	rddreg [dreg:$0x2];
	[bflag:$0x3] =	sbarrier.arrive $0xFFFF;
	s2 =	simm.s32 @!p0 $0x1C01  }
0x87: {  	[timem:s3], [sflag:s2] =	dma.local @!p0 [hbm:s0], s1  }
0x88: {  	s0 =	simm.s32 @!p0 $0x1  }
0x89: {  	_ =	swait.ge @!p0 [sflag:s0], s1  }
0x8a: {  	s1 =	ssub.s32 @!p0 $0x0, s1;
	[sflag:s0] =	ssyncset.done @!p0 $0x0  }
0x8b: {  	[sflag:s0] =	ssyncadd.s32 @!p0 s1  }
0x8c: {  	[bflag:$0x3] =	sbarrier.arrive $0xFFFF  }
0x8d: {  	_ =	shalt  }

// kernel: kernel.9.cloned.1.call-start
scs
__scs_entry_jumppad:
0x0: {  	(pc) =	sbr.rel $0x88, $3  }
0x1: {  	(tag) =	ssettag $0x0;
	lr =	simm.s32 $0x1  }
0x2: {  	[smem:$0x3F9B] =	sst lr;
	_ =	strace $0xD0000000  }
0x3: {  	_ = 	snop  }
0x4: {  	_ = 	snop  }
0x5: {  	_ = 	snop  }
0x6: {  	_ = 	snop  }
0x7: {  	_ = 	snop  }
__scs_overlays_trampoline_lowered:
0x8: {  	[smem:$0x3FAA] =	sst s0  }
0x9: {  	[smem:$0x3FAB] =	sst s1  }
0xa: {  	[smem:$0x3FAC] =	sst s2  }
0xb: {  	[smem:$0x3FAD] =	sst s3  }
0xc: {  	[smem:$0x3FAE] =	sst s4  }
0xd: {  	[smem:$0x3FAF] =	sst s5  }
0xe: {  	[smem:$0x3FB0] =	sst s6  }
0xf: {  	[smem:$0x3FB1] =	sst s7  }
0x10: {  	[smem:$0x3FB2] =	sst s8  }
0x11: {  	[smem:$0x3FB3] =	sst s9;
	s0 =	simm.s32 @!p0 $0x0  }
0x12: {  	s1 =	sld [smem:$0x3F99];
	s0 =	simm.s32 @p0 $0x1  }
0x13: {  	[smem:$0x3FB4] =	sst s0;
	s0 =	simm.s32 @!p1 $0x0  }
0x14: {  	s2 =	sld [smem:$0x3F98];
	s0 =	simm.s32 @p1 $0x1  }
0x15: {  	[smem:$0x3FB5] =	sst s0;
	s0 =	simm.s32 @!p2 $0x0  }
0x16: {  	s3 =	sld [smem:$0x3FDB];
	s0 =	simm.s32 @p2 $0x1  }
0x17: {  	s4 =	simm.s32 $0x1BF5;
	[smem:$0x3FB7] =	sst s0  }
0x18: {  	s0 =	sld [smem:$0x3F9A];
	_ =	swait.ge [sflag:s4], $0x0  }
0x19: {  	s7 =	sld [smem:$0x3F9B]  }
0x1a: {  	s8 =	sadd.s32 $0xFFFFE003, lr  }
0x1b: {  	s9 =	sadd.s32 $0xFFFFFEF7, lr;
	s5 =	simm.s32 $0xFFFFFFFF;
	p2 =	slt.u32 s8, $0xFFFFF086  }
0x1c: {  	p1 =	slt.u32 s9, $0xF7A;
	s5 =	simm.s32 @!p2 $0x0  }
0x1d: {  	s5 =	simm.s32 @p1 $0x1;
	p0 =	seq.s32 s7, s2  }
0x1e: {  	s7 =	smul.u32 @!p0 $0xF7A, s2;
	p2 =	seq.s32 @!p0 s5, $0x0  }
0x1f: {  	s9 =	smul.u32 $0xF7A, s1;
	s8 =	simm.s32 @!p0 $0x1BF5;
	p2 =	por !p2, p0  }
0x20: {  	[sflag:s8] =	ssyncset.s32 @!p0 $0xFFFFF086;
	s6 =	sadd.s32 @!p0 s3, s7;
	s7 =	simm.s32 @!p0 $0x108  }
0x21: {  	s3 =	sadd.s32 s3, s9;
	s6 =	sadd.s32 @!p0 $0x88, s6;
	s7 =	simm.s32 @p2 $0x1082  }
0x22: {  	[simem:s7], [sflag:s8] =	dma.local @!p0 [hbm:s6], $0xF7A  }
0x23: {  	s9 =	sor.u32 $0xD0000000, s2;
	s6 =	simm.s32 $0x108;
	_ =	swait.ge @!p0 [sflag:s8], $0x0  }
0x24: {  	s3 =	sadd.s32 $0x88, s3;
	s6 =	simm.s32 @!p1 $0x1082;
	[sflag:s4] =	ssyncset.s32 $0xFFFFF086  }
0x25: {  	[simem:s6], [sflag:s4] =	dma.local [hbm:s3], $0xF7A  }
0x26: {  	[smem:$0x3F9B] =	sst s1;
	(tag) =	ssettag s2;
	_ =	strace s9  }
0x27: {  	s1 =	sld [smem:$0x3FAB]  }
0x28: {  	s2 =	sld [smem:$0x3FAC]  }
0x29: {  	s4 =	sld [smem:$0x3FAE]  }
0x2a: {  	p0 =	seq.s32 s5, $0x0;
	s5 =	sld [smem:$0x3FAF]  }
0x2b: {  	s6 =	sld [smem:$0x3FB0]  }
0x2c: {  	s7 =	sld [smem:$0x3FB1]  }
0x2d: {  	s3 =	simm.s32 $0x108;
	s8 =	sld [smem:$0x3FB2]  }
0x2e: {  	s3 =	simm.s32 @!p0 $0x1082;
	s9 =	sld [smem:$0x3FB3]  }
0x2f: {  	lr =	sadd.s32 s0, s3;
	s0 =	sld [smem:$0x3FAA]  }
0x30: {  	s3 =	sld [smem:$0x3FAD]  }
0x31: {  	[smem:$0x3FB6] =	sst s10  }
0x32: {  	s10 =	sld [smem:$0x3FB4];
	_ =	sdelay $0x3  }
0x33: {  	p0 =	seq.s32 s10, $0x1;
	s10 =	sld [smem:$0x3FB6];
	_ =	sdelay $0x3  }
0x34: {  	[smem:$0x3FB6] =	sst s10  }
0x35: {  	s10 =	sld [smem:$0x3FB5];
	_ =	sdelay $0x3  }
0x36: {  	p1 =	seq.s32 s10, $0x1;
	s10 =	sld [smem:$0x3FB6];
	_ =	sdelay $0x3  }
0x37: {  	[smem:$0x3FB6] =	sst s10  }
0x38: {  	s10 =	sld [smem:$0x3FB7]  }
0x39: {  	_ = 	snop;
	(pc) =	sbr.ind lr, $3  }
0x3a: {  	_ = 	snop  }
0x3b: {  	_ = 	snop  }
0x3c: {  	p2 =	seq.s32 s10, $0x1;
	s10 =	sld [smem:$0x3FB6]  }
0x3d: {  	_ =	shalt  }
0x3e: {  	_ =	shalt  }
0x3f: {  	_ =	shalt  }
0x40: {  	_ =	shalt  }
0x41: {  	_ =	shalt  }
0x42: {  	_ =	shalt  }
0x43: {  	_ =	shalt  }
0x44: {  	_ =	shalt  }
0x45: {  	_ =	shalt  }
0x46: {  	_ =	shalt  }
0x47: {  	_ =	shalt  }
0x48: {  	_ =	shalt  }
0x49: {  	_ =	shalt  }
0x4a: {  	_ =	shalt  }
0x4b: {  	_ =	shalt  }
0x4c: {  	_ =	shalt  }
0x4d: {  	_ =	shalt  }
0x4e: {  	_ =	shalt  }
0x4f: {  	_ =	shalt  }
0x50: {  	_ =	shalt  }
0x51: {  	_ =	shalt  }
0x52: {  	_ =	shalt  }
0x53: {  	_ =	shalt  }
0x54: {  	_ =	shalt  }
0x55: {  	_ =	shalt  }
0x56: {  	_ =	shalt  }
0x57: {  	_ =	shalt  }
0x58: {  	_ =	shalt  }
0x59: {  	_ =	shalt  }
0x5a: {  	_ =	shalt  }
0x5b: {  	_ =	shalt  }
0x5c: {  	_ =	shalt  }
0x5d: {  	_ =	shalt  }
0x5e: {  	_ =	shalt  }
0x5f: {  	_ =	shalt  }
0x60: {  	_ =	shalt  }
0x61: {  	_ =	shalt  }
0x62: {  	_ =	shalt  }
0x63: {  	_ =	shalt  }
0x64: {  	_ =	shalt  }
0x65: {  	_ =	shalt  }
0x66: {  	_ =	shalt  }
0x67: {  	_ =	shalt  }
0x68: {  	_ =	shalt  }
0x69: {  	_ =	shalt  }
0x6a: {  	_ =	shalt  }
0x6b: {  	_ =	shalt  }
0x6c: {  	_ =	shalt  }
0x6d: {  	_ =	shalt  }
0x6e: {  	_ =	shalt  }
0x6f: {  	_ =	shalt  }
0x70: {  	_ =	shalt  }
0x71: {  	_ =	shalt  }
0x72: {  	_ =	shalt  }
0x73: {  	_ =	shalt  }
0x74: {  	_ =	shalt  }
0x75: {  	_ =	shalt  }
0x76: {  	_ =	shalt  }
0x77: {  	_ =	shalt  }
0x78: {  	_ =	shalt  }
0x79: {  	_ =	shalt  }
0x7a: {  	_ =	shalt  }
0x7b: {  	_ =	shalt  }
0x7c: {  	_ =	shalt  }
0x7d: {  	_ =	shalt  }
0x7e: {  	_ =	shalt  }
0x7f: {  	_ =	shalt  }
0x80: {  	_ =	shalt  }
0x81: {  	_ =	shalt  }
0x82: {  	_ =	shalt  }
0x83: {  	_ =	shalt  }
0x84: {  	_ =	shalt  }
0x85: {  	_ =	shalt  }
0x86: {  	_ =	shalt  }
0x87: {  	_ =	shalt  }
.Lfunc_end0:
.L_simem_size_0:
called_computation_lowered:
.L_overlay_start_0:
0x88: {  	s2 =	sld [smem:$0x3FD9]  }
0x89: {  	s3 =	sld [smem:$0x3FFE];
	_ =	sdelay $0x1  }
0x8a: {  	s1 =	srdreg.scid  }
0x8b: {  	s0 =	sand.u32 $0x1, s1  }
0x8c: {  	s17 =	sshll.u32 s0, $0xA;
	s2 =	sadd.s32 s3, s2  }
0x8d: {  	s2 =	sadd.s32 s2, s17  }
0x8e: {  	[smem:$0x3FC2] =	sst s2  }
0x8f: {  	_ = 	snop  }
0x90: {  	s2 =	sld [smem:$0x3FD0];
	(tm) =	ssettm $0x1  }
0x91: {  	s18 =	sld [smem:$0x3FFB];
	_ =	sdelay $0x3  }
0x92: {  	_ =	strace s18  }
0x93: {  	s3 =	sld [smem:$0x3FFC];
	_ =	sdelay $0x3  }
0x94: {  	_ =	strace s3  }
0x95: {  	s3 =	sld [smem:$0x3FFD];
	_ =	sdelay $0x3  }
0x96: {  	_ =	strace s3  }
0x97: {  	_ =	strace $0x8FFFFFFF  }
0x98: {  	s19 =	sld [smem:$0x3FDB];
	_ =	sdelay $0x1  }
0x99: {  	s4 =	simm.s32 $_scs_section_size  }
0x9a: {  	s5 =	simm.s32 $_size__tile_overlayer_lowered;
	s6 =	simm.s32 $_tile_overlayer_lowered  }
0x9b: {  	s22 =	simm.s32 $0x1BFF;
	s21 =	sshll.u32 s6, $0x1;
	s3 =	sadd.s32 s4, s19  }
0x9c: {  	s7 =	simm.s32 $0x0;
	s20 =	sshll.u32 s5, $0x1;
	s5 =	sadd.s32 s21, s3  }
0x9d: {  	[timem:s7], [sflag:s22] =	dma.local [hbm:s5], s20  }
0x9e: {  	_ =	swait.ge [sflag:s22], s20  }
0x9f: {  	s4 =	ssub.s32 $0x0, s20;
	[sflag:s22] =	ssyncset.done $0x0  }
0xa0: {  	[sflag:s22] =	ssyncadd.s32 s4;
	_ =	sdelay $0x1  }
0xa1: {  	s23 =	simm.s32 $0x1B8B  }
0xa2: {  	_ =	swait.ge [sflag:s23], $0x1  }
0xa3: {  	[sflag:s23] =	ssyncset.done $0x0  }
0xa4: {  	s25 =	simm.s32 $0x1B8E;
	s24 =	sld [smem:$0x3FFE];
	[sflag:s23] =	ssyncadd.s32 $0xFFFFFFFF  }
0xa5: {  	s26 =	simm.s32 $execute0_lowered;
	[smem:$0x3FD2] =	sst s25  }
0xa6: {  	s5 =	sshll.u32 s26, $0x1;
	_ =	strace $0x80000046;
	[dreg:$0x1] =	wrdreg $0xFFFFFFFF  }
0xa7: {  	s28 =	simm.s32 $_size_execute0_lowered;
	s3 =	sadd.s32 s3, s5;
	[dreg:$0x0] =	wrdreg $0x0  }
0xa8: {  	s5 =	sshll.u32 s28, $0x1;
	[dreg:$0x2] =	wrdreg s3  }
0xa9: {  	[dreg:$0x3] =	wrdreg s5  }
0xaa: {  	[dreg:$0x4] =	wrdreg $0xC0  }
0xab: {  	_ =	task [dreg:s7], $0x5FFFF  }
0xac: {  	[dreg:$0x1] =	wrdreg $0xFFFFFFFF  }
0xad: {  	[dreg:$0x0] =	wrdreg $0x60  }
0xae: {  	[dreg:$0x2] =	wrdreg s24  }
0xaf: {  	[dreg:$0x3] =	wrdreg s2  }
0xb0: {  	[dreg:$0x4] =	wrdreg $0x9  }
0xb1: {  	_ =	task.clear_ibuf [dreg:s7], $0x5FFFF;
	_ =	strace $0x90000046  }
0xb2: {  	s29 =	simm.s32 $0x9;
	_ =	strace $0x80000048  }
0xb3: {  	_ =	swait.ge [sflag:s29], $0x1  }
0xb4: {  	[sflag:s29] =	ssyncadd.s32 $0xFFFFFFFF  }
0xb5: {  	_ =	strace $0x90000048  }
0xb6: {  	_ =	sfence  }
0xb7: {  	s30 =	sld [smem:$0x0];
	_ =	sdelay $0x2  }
0xb8: {  	s31 =	sshll.u32 s1, $0xD;
	s1 =	sshrl.u32 s1, $0x2  }
0xb9: {  	s3 =	sand.u32 $0x4000, s31;
	s1 =	sadd.s32 s1, s30  }
0xba: {  	s0 =	sor.u32 s3, s0;
	s1 =	sshll.u32 s1, $0x11  }
0xbb: {  	s0 =	sor.u32 s1, s0  }
0xbc: {  	s0 =	sadd.s32 $0x8F2B, s0  }
0xbd: {  	[sflag:s0] =	ssyncadd.remote.s32 $0x1  }
0xbe: {  	_ =	sfence.sel $0xFFFF  }
0xbf: {  	[dreg:$0x0] =	wrdreg $0xFFFFFFFF;
	(pc) =	sbr.abs _section_cstart, $3  }
0xc0: {  	[dreg:$0x1] =	wrdreg $0xFFFFFFFF  }
0xc1: {  	_ =	task.clear_ibuf [dreg:s7], $0x2FFFF;
	_ =	strace $0x9FFFFFFF  }
0xc2: {  	(tm) =	ssettm $0x7FFFFFFF  }
0xc3: {  	_ =	shalt  }
tec
execute0_lowered:
.L_overlay_start_1:
0x0: {  	(tag) =	ssettag $0x1  }
0x1: {  	s0 =	srdreg.scid  }
0x2: {  	s1 =	rddreg [dreg:$0x0];
	s7 =	stileid.u32  }
0x3: {  	s6 =	rddreg [dreg:$0x1];
	s10 =	simm.s32 $0x1;
	s30 =	simm.s32 $0x2800  }
0x4: {  	s12 =	simm.s32 $0x5000;
	s13 =	simm.s32 $0x80;
	s14 =	simm.s32 $0x400  }
0x5: {  	s15 =	simm.s32 $0x100;
	s16 =	simm.s32 $0x7780;
	s17 =	simm.s32 $0x9F80  }
0x6: {  	s18 =	simm.s32 $0xC780;
	s19 =	simm.s32 $0xEF80;
	s0 =	sand.u32 $0x1, s0  }
0x7: {  	s20 =	simm.s32 $0x11780;
	s21 =	simm.s32 $0x0;
	s2 =	sshll.u32 s0, $0x4  }
0x8: {  	s0 =	ssub.s32 $0x2, s0;
	s3 =	sor.u32 s7, s2;
	s2 =	simm.s32 $0x0  }
0x9: {  	s7 =	sshll.u32 s7, $0x7;
	s31 =	sshrl.u32 s0, $0x1;
	s4 =	smul.u32 $0x500, s3  }
0xa: {  	s5 =	sshrl.u32 s3, $0x3;
	[smem:$0x7FF] =	sst s2;
	s9 =	smul.u32 $0xA00, s3  }
0xb: {  	s7 =	sand.u32 $0x380, s7;
	s0 =	ssub.s32 s0, s31;
	s8 =	smul.u32 $0x13C00, s5  }
0xc: {  	_ =	strace $0x80000047;
	s26 =	sshll.u32 s5, $0xA;
	s4 =	sadd.s32 s4, s1  }
.Ltmp0:
0xd: {  	s3 =	sor.u32 s7, s26;
	s29 =	sadd.s32 s9, s1;
	(pc) =	sbr.rel .LBB2_1-.Ltmp0, $4  }
0xe: {  	s6 =	sadd.s32 s6, s9;
	s9 =	smax.u32 s0, $0x1;
	s8 =	sor.u32 s7, s8  }
0xf: {  	v0 =	vimm.f32 $0.0e+00;
	s3 =	sshrl.u32 s3, $0x3;
	s7 =	sadd.s32 $0x20E00, s29;
	s8 =	sshrl.u32 s8, $0x3  }
0x10: {  	v1 =	vimm.f32 $1.000000000e+00;
	v2 =	vimm.s32 $0x0;
	v3 =	vlaneseq.u32;
	s28 =	sadd.s32 s8, s1;
	s1 =	sadd.s32 s3, s1;
	s3 =	sadd.s32 $0xD000, s4  }
0x11: {  	vm0 =	vcmask $0x300;
	vm1 =	vcmask $0x704;
	v4 =	vor.u32 $0x13C0, v3;
	s4 =	sadd.s32 $0x3000, s4;
	s5 =	sadd.s32 $0x17000, s28;
	s8 =	sadd.s32 $0x34E00, s1  }
.LBB2_16:
0x12: {  	s29 =	smov.u32 s23;
	s24 =	smov.u32 s22  }
.LBB2_20:
0x13: {  	s0 =	sshll.u32 s0, $0x4  }
0x14: {  	s1 =	sadd.s32 @p1 $0x10, s29;
	s0 =	sand.u32 $0x30, s0  }
0x15: {  	s23 =	smov.u32 @p1 s1;
	s1 =	sadd.s32 @p1 $0x10, s24;
	v5 =	vor.u32 s0, v3  }
0x16: {  	s22 =	smov.u32 @p1 s1;
	[tilespmem:s23+$0x0] =	vst v5;
	v5 =	vor.u32 s0, v4  }
0x17: {  	[tilespmem:s22+$0x0] =	vst v5  }
.LBB2_21:
0x18: {  	v5 =	vmov s25  }
0x19: {  	s0 =	sshra.s32 s26, $0x7;
	v5 =	vnsel vm0, $0x0, v5  }
0x1a: {  	v5 =	vsel vm1, s0, v5  }
0x1b: {  	[smem:$0x1] =	sst s0;
	[tilespmem:$0x11780] =	vst v5  }
0x1c: {  	[hbm4b:s6+s13] =	stream.strided.scatter [tilespmem:s16], [sflag:$0x1], $0x2800, s15, s13, $0x38;
	[tilespmem:$0x11800] =	vst v63  }
0x1d: {  	_ =	swait.ge [sflag:s10], $0x2800  }
0x1e: {  	[sflag:s10] =	ssyncset.done $0x0  }
0x1f: {  	s29 =	sadd.s32 $0x10, s6;
	[sflag:s10] =	ssyncadd.s32 $0xFFFFD800  }
0x20: {  	[hbm4b:s29+s13] =	stream.strided.scatter [tilespmem:s17], [sflag:$0x1], $0x2800, s15, s13, $0x38;
	[tilespmem:$0x11800] =	vst v63  }
0x21: {  	_ =	swait.ge [sflag:s10], $0x2800  }
0x22: {  	[sflag:s10] =	ssyncset.done $0x0  }
0x23: {  	[sflag:s10] =	ssyncadd.s32 $0xFFFFD800  }
0x24: {  	[hbm4b:s7+s13] =	stream.strided.scatter [tilespmem:s18], [sflag:$0x1], $0x2800, s15, s13, $0x38;
	[tilespmem:$0x11800] =	vst v63  }
0x25: {  	_ =	swait.ge [sflag:s10], $0x2800  }
0x26: {  	[sflag:s10] =	ssyncset.done $0x0  }
0x27: {  	s31 =	sadd.s32 $0x10, s7;
	[sflag:s10] =	ssyncadd.s32 $0xFFFFD800  }
0x28: {  	[hbm4b:s31+s13] =	stream.strided.scatter [tilespmem:s19], [sflag:$0x1], $0x2800, s15, s13, $0x38;
	[tilespmem:$0x11800] =	vst v63  }
0x29: {  	s21 =	sadd.s32 $0x1, s21;
	_ =	swait.ge [sflag:s10], $0x2800  }
0x2a: {  	p0 =	sne.s32 s21, s9;
	[sflag:s10] =	ssyncset.done $0x0  }
.Ltmp1:
0x2b: {  	[sflag:s10] =	ssyncadd.s32 $0xFFFFD800;
	(pc) =	sbr.rel @!p0 .LBB2_22-.Ltmp1, $4  }
0x2c: {  	[hbm4b:s8+s2] =	stream.linear.scatter [tilespmem:s20], [sflag:$0x1], $0x80, $0x38;
	[tilespmem:$0x11800] =	vst v63  }
0x2d: {  	_ =	swait.ge [sflag:s10], $0x80  }
0x2e: {  	[sflag:s10] =	ssyncset.done $0x0  }
0x2f: {  	[sflag:s10] =	ssyncadd.s32 $0xFFFFFF80  }
.LBB2_1:
0x30: {  	[tilespmem:s2], [sflag:$0x1] =	stream.linear.gather [hbm4b:s3+s2], $0x2800, $0x38;
	[tilespmem:$0x11800] =	vst v63  }
0x31: {  	_ =	swait.ge [sflag:s10], $0x2800  }
0x32: {  	[sflag:s10] =	ssyncset.done $0x0  }
0x33: {  	[sflag:s10] =	ssyncadd.s32 $0xFFFFD800  }
0x34: {  	[tilespmem:s30], [sflag:$0x1] =	stream.linear.gather [hbm4b:s4+s2], $0x2800, $0x38;
	[tilespmem:$0x11800] =	vst v63  }
0x35: {  	_ =	swait.ge [sflag:s10], $0x2800  }
0x36: {  	[sflag:s10] =	ssyncset.done $0x0  }
0x37: {  	s0 =	simm.s32 $0x40;
	s1 =	simm.s32 $0x0;
	[sflag:s10] =	ssyncadd.s32 $0xFFFFD800  }
.LBB2_2:
0x38: {  	p0 =	sne.s32 s0, $0x9DC0;
	[tilespmem:s1+$0x5000] =	vst v0;
	s1 =	smov.u32 s0;
	s0 =	sadd.s32 $0x40, s0  }
.Ltmp2:
0x39: {  	(pc) =	sbr.rel @p0 .LBB2_2-.Ltmp2, $2  }
0x3a: {  	_ =	sdelay $0x2  }
0x3b: {  	s1 =	sshra.s32 s1, $0x2  }
0x3c: {  	s25 =	simm.s32 $0x0;
	s26 =	simm.s32 $0x2800;
	s22 =	simm.s32 $0x0  }
0x3d: {  	[tilespmem:s1+$0x5000] =	vst v0;
	s28 =	simm.s32 $0x0;
	s29 =	simm.s32 $0x0;
	[smem:$0x1] =	sst s25  }
.LBB2_4:
0x3e: {  	v5 =	vmov s26;
	_ =	sdelay $0x3  }
0x3f: {  	s0 =	simm.s32 $0x0  }
0x40: {  	v7 =	vld.idx.msk [tilespmem:v5+s0+$0x0 ss:$0x1], $0xffff;
	_ =	sdelay $0x4  }
0x41: {  	vm2 =	vlt.s32 v7, $0x13C0  }
0x42: {  	v6 =	vsel vm2, $0x1, v2  }
0x43: {  	v8 =	vadd.s32 $0xFFFFEC40, v7;
	(xrf0) =	vadd.scan.msk.s32 $0xffff, v6;
	v6 =	vmov s25  }
0x44: {  	vm3 =	vlt.u32 v8, $0x1350  }
0x45: {  	v9 =	vsel vm3, $0x1, v2  }
0x46: {  	(xrf0) =	vadd.scan.msk.s32 $0xffff, v9;
	_ =	sdelay $0x1  }
0x47: {  	v9 =	vld.idx.msk [tilespmem:v6+s0+$0x0 ss:$0x1], $0xffff;
	_ =	sdelay $0x2  }
0x48: {  	v10, _, _ =	vpop (xrf0)  }
0x49: {  	[tilespmem:v7+s12+$0x0] =	vst.idx.add.f32.msk $0xffff, v1;
	(v2sf) =	vpush v10, $0xF;
	v10, _, _ =	vpop (xrf0)  }
0x4a: {  	(v2sf) =	vpush v10, $0xF;
	[tilespmem:s29+$0x7780] =	vst.msk vm2, v9  }
0x4b: {  	[tilespmem:s29+$0xC780] =	vst.msk vm2, v7  }
0x4c: {  	[tilespmem:s22+$0x9F80] =	vst.msk vm3, v9  }
0x4d: {  	s24 =	simm.s32 $0x10;
	[tilespmem:s22+$0xEF80] =	vst.msk vm3, v8  }
0x4e: {  	v8 =	vld.idx.msk [tilespmem:v5+s24+$0x0 ss:$0x1], $0xffff;
	_ =	sdelay $0x4  }
0x4f: {  	vm3 =	vlt.s32 v8, $0x13C0;
	v7 =	vadd.s32 $0xFFFFEC40, v8  }
0x50: {  	v10 =	vsel vm3, $0x1, v2;
	vm2 =	vlt.u32 v7, $0x1350  }
0x51: {  	v11 =	vsel vm2, $0x1, v2;
	(xrf0) =	vadd.scan.msk.s32 $0xffff, v10  }
0x52: {  	v9 =	vld.idx.msk [tilespmem:v6+s24+$0x0 ss:$0x1], $0xffff;
	(xrf0) =	vadd.scan.msk.s32 $0xffff, v11;
	_ =	sdelay $0x1  }
0x53: {  	s31 =	spop (v2sf)  }
0x54: {  	s23 =	simm.s32 $0x80;
	[tilespmem:v8+s12+$0x0] =	vst.idx.add.f32.msk $0xffff, v1;
	s24 =	sadd.s32 s29, s31;
	s0 =	spop (v2sf)  }
.LBB2_5:
0x55: {  	p0 =	sne.s32 s23, $0x1C0  }
0x56: {  	[tilespmem:s24+$0x7780] =	vst.msk vm3, v9;
	v10, _, _ =	vpop (xrf0);
	s22 =	sadd.s32 s0, s22;
	s0 =	smov.u32 s23;
	s23 =	sadd.s32 $0x40, s23  }
0x57: {  	[tilespmem:s24+$0xC780] =	vst.msk vm3, v8;
	(v2sf) =	vpush v10, $0xF;
	v8, _, _ =	vpop (xrf0)  }
0x58: {  	[tilespmem:s22+$0x9F80] =	vst.msk vm2, v9;
	(v2sf) =	vpush v8, $0xF  }
0x59: {  	s0 =	sshra.s32 s0, $0x2;
	[tilespmem:s22+$0xEF80] =	vst.msk vm2, v7  }
0x5a: {  	v8 =	vld.idx.msk [tilespmem:v5+s0+$0x0 ss:$0x1], $0xffff;
	_ =	sdelay $0x5  }
0x5b: {  	vm3 =	vlt.s32 v8, $0x13C0;
	v7 =	vadd.s32 $0xFFFFEC40, v8  }
0x5c: {  	v10 =	vsel vm3, $0x1, v2;
	vm2 =	vlt.u32 v7, $0x1350  }
0x5d: {  	v11 =	vsel vm2, $0x1, v2;
	v9 =	vld.idx.msk [tilespmem:v6+s0+$0x0 ss:$0x1], $0xffff;
	(xrf0) =	vadd.scan.msk.s32 $0xffff, v10  }
.Ltmp3:
0x5e: {  	(xrf0) =	vadd.scan.msk.s32 $0xffff, v11;
	(pc) =	sbr.rel @p0 .LBB2_5-.Ltmp3, $3  }
0x5f: {  	_ =	sdelay $0x1  }
0x60: {  	s0 =	spop (v2sf)  }
0x61: {  	[tilespmem:v8+s12+$0x0] =	vst.idx.add.f32.msk $0xffff, v1;
	s24 =	sadd.s32 s24, s0;
	s0 =	spop (v2sf)  }
0x62: {  	v5, _, _ =	vpop (xrf0)  }
0x63: {  	(v2sf) =	vpush v5, $0xF;
	v5, _, _ =	vpop (xrf0)  }
0x64: {  	(v2sf) =	vpush v5, $0xF;
	_ =	sdelay $0x9  }
0x65: {  	s28 =	sadd.s32 $0x1, s28  }
0x66: {  	p0 =	sne.s32 s28, $0x50  }
.Ltmp4:
0x67: {  	_ = 	snop;
	(pc) =	sbr.rel @p0 .LBB2_4-.Ltmp4, $4  }
0x68: {  	[tilespmem:s24+$0x7780] =	vst.msk vm3, v9  }
0x69: {  	s23 =	sadd.s32 s0, s22;
	[tilespmem:s24+$0xC780] =	vst.msk vm3, v8;
	s31 =	spop (v2sf)  }
0x6a: {  	[tilespmem:s23+$0x9F80] =	vst.msk vm2, v9;
	s29 =	sadd.s32 s24, s31;
	s24 =	spop (v2sf)  }
0x6b: {  	s25 =	sadd.s32 $0x80, s25;
	s26 =	sadd.s32 $0x80, s26;
	[tilespmem:s23+$0xEF80] =	vst.msk vm2, v7;
	s22 =	sadd.s32 s24, s23  }
0x6c: {  	s0 =	sadd.s32 $0x7F, s29  }
0x6d: {  	s1 =	sand.u32 $0x7F, s0  }
0x6e: {  	s31 =	sshra.s32 s0, $0x1F;
	p1 =	slt.s32 s0, $0x1;
	p0 =	sne.s32 s1, $0x0  }
0x6f: {  	s1 =	sshrl.u32 s31, $0x19;
	p0 =	por !p1, !p0  }
0x70: {  	s0 =	sadd.s32 s1, s0;
	s1 =	simm.s32 $0x1;
	p0 =	por !p0, !p0  }
0x71: {  	s0 =	sshrl.u32 s0, $0x7;
	s1 =	simm.s32 @!p0 $0x0  }
0x72: {  	s0 =	ssub.s32 s0, s1  }
0x73: {  	s25 =	sshll.u32 s0, $0x7  }
0x74: {  	s0 =	ssub.s32 s25, s29  }
0x75: {  	s0 =	sadd.s32 $0xF, s0  }
0x76: {  	p0 =	slt.s32 s0, $0x10  }
.Ltmp5:
0x77: {  	_ = 	snop;
	(pc) =	sbr.rel @p0 .LBB2_14-.Ltmp5, $4  }
0x78: {  	[hbm4b:s5+s13] =	stream.strided.scatter [tilespmem:s12], [sflag:$0x1], $0x2780, s14, s13, $0x38;
	[tilespmem:$0x11800] =	vst v63  }
0x79: {  	_ =	swait.ge [sflag:s10], $0x2780  }
0x7a: {  	[sflag:s10] =	ssyncset.done $0x0  }
0x7b: {  	[sflag:s10] =	ssyncadd.s32 $0xFFFFD880  }
0x7c: {  	s1 =	sshra.s32 s0, $0x1F  }
0x7d: {  	s1 =	sshrl.u32 s1, $0x1C  }
0x7e: {  	s26 =	sshll.u32 s29, $0x2;
	s11 =	sadd.s32 s1, s0  }
0x7f: {  	s30 =	sand.u32 $0xF, s29;
	s31 =	sshra.s32 s29, $0x1F;
	s0 =	sshra.s32 s11, $0x4  }
0x80: {  	p1 =	slt.s32 s29, $0x1;
	p0 =	sne.s32 s30, $0x0;
	p2 =	sne.s32 s0, $0x1  }
.Ltmp6:
0x81: {  	s1 =	sshra.s32 s26, $0x2;
	p1 =	por !p0, !p1;
	(pc) =	sbr.rel @!p2 .LBB2_9-.Ltmp6, $4  }
0x82: {  	s28 =	sadd.s32 $0x7780, s1;
	s26 =	sadd.s32 $0xC780, s1;
	s1 =	sshrl.u32 s31, $0x1C  }
0x83: {  	p1 =	por !p1, !p1;
	s31 =	simm.s32 $0x1;
	s1 =	sadd.s32 s1, s29  }
0x84: {  	s30 =	sadd.s32 $0xFFFFFFFF, s0;
	s31 =	simm.s32 @!p1 $0x0;
	s11 =	sshrl.u32 s1, $0x4  }
0x85: {  	p1 =	por $0x0, $0x0;
	s1 =	sadd.s32 $0x10, s29;
	s0 =	ssub.s32 s11, s31  }
0x86: {  	s29 =	sshra.s32 s1, $0x1F  }
0x87: {  	s0 =	sshll.u32 s0, $0x4;
	p1 =	slt.s32 s1, $0x1;
	p2 =	sne.s32 s30, $0x1  }
.Ltmp7:
0x88: {  	s31 =	simm.s32 $0x1;
	s30 =	sadd.s32 $0xFFFFFFFF, s30;
	(pc) =	sbr.rel @!p2 .LBB2_11-.Ltmp7, $4  }
0x89: {  	s29 =	sshrl.u32 s29, $0x1C;
	s0 =	sand.u32 $0x30, s0;
	p1 =	por !p0, !p1  }
0x8a: {  	v5 =	vor.u32 s0, v3;
	s29 =	sadd.s32 s29, s1;
	p1 =	por !p1, !p1;
	s1 =	sadd.s32 $0x10, s1  }
0x8b: {  	[tilespmem:s28+$0x0] =	vst v5;
	v5 =	vor.u32 s0, v4;
	s11 =	sshrl.u32 s29, $0x4;
	s31 =	simm.s32 @!p1 $0x0;
	p1 =	por $0x1, $0x1  }
0x8c: {  	s29 =	smov.u32 s26;
	[tilespmem:s26+$0x0] =	vst v5;
	s0 =	ssub.s32 s11, s31;
	s31 =	smov.u32 s28  }
.LBB2_12:
0x8d: {  	s11 =	sshra.s32 s1, $0x1F;
	s0 =	sshll.u32 s0, $0x4;
	p2 =	slt.s32 s1, $0x1  }
0x8e: {  	s31 =	sadd.s32 $0x10, s31;
	p3 =	por !p0, !p2;
	p2 =	sne.s32 s30, $0x1  }
.Ltmp8:
0x8f: {  	s11 =	sshrl.u32 s11, $0x1C;
	s0 =	sand.u32 $0x30, s0;
	(pc) =	sbr.rel @p2 .LBB2_12-.Ltmp8, $4  }
0x90: {  	s29 =	sadd.s32 $0x10, s29;
	s30 =	sadd.s32 $0xFFFFFFFF, s30;
	v5 =	vor.u32 s0, v3;
	s11 =	sadd.s32 s11, s1  }
0x91: {  	p3 =	por !p3, !p3;
	[tilespmem:s31+$0x0] =	vst v5;
	v5 =	vor.u32 s0, v4;
	s0 =	sshrl.u32 s11, $0x4;
	s11 =	simm.s32 $0x1  }
0x92: {  	s11 =	simm.s32 @!p3 $0x0;
	[tilespmem:s29+$0x0] =	vst v5  }
0x93: {  	s1 =	sadd.s32 $0x10, s1;
	s0 =	ssub.s32 s0, s11  }
.LBB2_13:
0x94: {  	s0 =	sshll.u32 s0, $0x4  }
0x95: {  	s1 =	sadd.s32 @p1 $0x10, s31;
	s0 =	sand.u32 $0x30, s0  }
0x96: {  	s28 =	smov.u32 @p1 s1;
	s1 =	sadd.s32 @p1 $0x10, s29;
	v5 =	vor.u32 s0, v3  }
0x97: {  	s26 =	smov.u32 @p1 s1;
	[tilespmem:s28+$0x0] =	vst v5;
	v5 =	vor.u32 s0, v4  }
0x98: {  	s30 =	simm.s32 $0x2800;
	[tilespmem:s26+$0x0] =	vst v5  }
.LBB2_14:
0x99: {  	s0 =	sadd.s32 $0x7F, s22  }
0x9a: {  	s1 =	sand.u32 $0x7F, s0  }
0x9b: {  	s31 =	sshra.s32 s0, $0x1F;
	p1 =	slt.s32 s0, $0x1;
	p0 =	sne.s32 s1, $0x0  }
0x9c: {  	s1 =	sshrl.u32 s31, $0x19;
	p0 =	por !p1, !p0  }
0x9d: {  	s0 =	sadd.s32 s1, s0;
	s1 =	simm.s32 $0x1;
	p0 =	por !p0, !p0  }
0x9e: {  	s0 =	sshrl.u32 s0, $0x7;
	s1 =	simm.s32 @!p0 $0x0  }
0x9f: {  	s0 =	ssub.s32 s0, s1  }
0xa0: {  	s26 =	sshll.u32 s0, $0x7  }
0xa1: {  	s0 =	ssub.s32 s26, s22  }
0xa2: {  	s0 =	sadd.s32 $0xF, s0  }
0xa3: {  	p0 =	slt.s32 s0, $0x10  }
.Ltmp9:
0xa4: {  	_ = 	snop;
	(pc) =	sbr.rel @p0 .LBB2_21-.Ltmp9, $3  }
0xa5: {  	_ =	sdelay $0x1  }
0xa6: {  	s25 =	sshra.s32 s25, $0x7  }
0xa7: {  	[smem:$0x0] =	sst s25  }
0xa8: {  	s1 =	sshra.s32 s0, $0x1F  }
0xa9: {  	s1 =	sshrl.u32 s1, $0x1C  }
0xaa: {  	s11 =	sadd.s32 s23, s24;
	s28 =	sand.u32 $0xF, s22;
	s23 =	sadd.s32 s1, s0  }
0xab: {  	s24 =	sshll.u32 s11, $0x2;
	p0 =	sne.s32 s28, $0x0;
	s0 =	sshra.s32 s23, $0x4  }
0xac: {  	s29 =	sshra.s32 s11, $0x1F;
	p1 =	slt.s32 s11, $0x1;
	p2 =	sne.s32 s0, $0x1  }
.Ltmp10:
0xad: {  	s1 =	sshra.s32 s24, $0x2;
	p1 =	por !p0, !p1;
	(pc) =	sbr.rel @!p2 .LBB2_16-.Ltmp10, $4  }
0xae: {  	s23 =	sadd.s32 $0x9F80, s1;
	s22 =	sadd.s32 $0xEF80, s1;
	s1 =	sshrl.u32 s29, $0x1C  }
0xaf: {  	s28 =	simm.s32 $0x1;
	p1 =	por !p1, !p1;
	s1 =	sadd.s32 s1, s11  }
0xb0: {  	s24 =	sadd.s32 $0xFFFFFFFF, s0;
	s28 =	simm.s32 @!p1 $0x0;
	s31 =	sshrl.u32 s1, $0x4  }
0xb1: {  	p1 =	por $0x0, $0x0;
	s1 =	sadd.s32 $0x10, s11;
	s0 =	ssub.s32 s31, s28  }
0xb2: {  	s11 =	sshra.s32 s1, $0x1F  }
0xb3: {  	s0 =	sshll.u32 s0, $0x4;
	p1 =	slt.s32 s1, $0x1;
	p2 =	sne.s32 s24, $0x1  }
.Ltmp11:
0xb4: {  	s29 =	simm.s32 $0x1;
	s28 =	sadd.s32 $0xFFFFFFFF, s24;
	(pc) =	sbr.rel @!p2 .LBB2_18-.Ltmp11, $4  }
0xb5: {  	s11 =	sshrl.u32 s11, $0x1C;
	s0 =	sand.u32 $0x30, s0;
	p1 =	por !p0, !p1  }
0xb6: {  	s24 =	smov.u32 s22;
	v5 =	vor.u32 s0, v3;
	s11 =	sadd.s32 s11, s1;
	p1 =	por !p1, !p1  }
0xb7: {  	s1 =	sadd.s32 $0x10, s1;
	[tilespmem:s23+$0x0] =	vst v5;
	v5 =	vor.u32 s0, v4;
	s31 =	sshrl.u32 s11, $0x4;
	s29 =	simm.s32 @!p1 $0x0  }
0xb8: {  	p1 =	por $0x1, $0x1;
	[tilespmem:s22+$0x0] =	vst v5;
	s0 =	ssub.s32 s31, s29;
	s29 =	smov.u32 s23  }
.LBB2_19:
0xb9: {  	s11 =	sshra.s32 s1, $0x1F;
	s0 =	sshll.u32 s0, $0x4;
	p2 =	slt.s32 s1, $0x1  }
0xba: {  	s29 =	sadd.s32 $0x10, s29;
	p3 =	por !p0, !p2;
	p2 =	sne.s32 s28, $0x1  }
.Ltmp12:
0xbb: {  	s11 =	sshrl.u32 s11, $0x1C;
	s0 =	sand.u32 $0x30, s0;
	(pc) =	sbr.rel @p2 .LBB2_19-.Ltmp12, $4  }
0xbc: {  	s24 =	sadd.s32 $0x10, s24;
	s28 =	sadd.s32 $0xFFFFFFFF, s28;
	v5 =	vor.u32 s0, v3;
	s11 =	sadd.s32 s11, s1  }
0xbd: {  	p3 =	por !p3, !p3;
	[tilespmem:s29+$0x0] =	vst v5;
	v5 =	vor.u32 s0, v4;
	s0 =	sshrl.u32 s11, $0x4;
	s11 =	simm.s32 $0x1  }
0xbe: {  	s11 =	simm.s32 @!p3 $0x0;
	[tilespmem:s24+$0x0] =	vst v5  }
0xbf: {  	s1 =	sadd.s32 $0x10, s1;
	s0 =	ssub.s32 s0, s11  }
.Ltmp13:
0xc0: {  	_ = 	snop;
	(pc) =	sbr.rel .LBB2_20-.Ltmp13, $1  }
0xc1: {  	_ =	sdelay $0x3  }
.LBB2_9:
.Ltmp14:
0xc2: {  	(pc) =	sbr.rel .LBB2_13-.Ltmp14, $2  }
0xc3: {  	_ =	sdelay $0x2  }
0xc4: {  	s31 =	smov.u32 s28;
	s29 =	smov.u32 s26  }
.LBB2_11:
.Ltmp15:
0xc5: {  	(pc) =	sbr.rel .LBB2_13-.Ltmp15, $2  }
0xc6: {  	_ =	sdelay $0x2  }
0xc7: {  	s31 =	smov.u32 s28;
	s29 =	smov.u32 s26  }
.LBB2_18:
.Ltmp16:
0xc8: {  	(pc) =	sbr.rel .LBB2_20-.Ltmp16, $2  }
0xc9: {  	_ =	sdelay $0x2  }
0xca: {  	s29 =	smov.u32 s23;
	s24 =	smov.u32 s22  }
.LBB2_22:
0xcb: {  	_ =	sfence.sel $0x180000  }
0xcc: {  	[bflag:$0x0] =	sbarrier.arrive $0xFFFF  }
0xcd: {  	_ =	strace $0x90000047  }
0xce: {  	s0 =	stileid.u32;
	[bflag:$0x2] =	sbarrier.arrive $0xFFFF  }
0xcf: {  	p0 =	sne.s32 s0, $0x0;
	s0 =	rddreg [dreg:$0x2]  }
0xd0: {  	s0 =	sadd.s32 @!p0 $0x100000, s0  }
0xd1: {  	[sflag:s0] =	ssyncadd.tile.s32 @!p0 $0x1;
	_ =	shalt  }
.Lfunc_end2:
_tile_overlayer_lowered:
.L_overlay_start_2:
0xd2: {  	(tag) =	ssettag $0x2  }
0xd3: {  	s0 =	rddreg [dreg:$0x0];
	s2 =	stileid.u32  }
0xd4: {  	s1 =	rddreg [dreg:$0x1];
	p0 =	sne.s32 s2, $0x0  }
0xd5: {  	s3 =	rddreg [dreg:$0x2];
	[bflag:$0x3] =	sbarrier.arrive $0xFFFF;
	s2 =	simm.s32 @!p0 $0x1C01  }
0xd6: {  	[timem:s3], [sflag:s2] =	dma.local @!p0 [hbm:s0], s1  }
0xd7: {  	s0 =	simm.s32 @!p0 $0x1  }
0xd8: {  	_ =	swait.ge @!p0 [sflag:s0], s1  }
0xd9: {  	s1 =	ssub.s32 @!p0 $0x0, s1;
	[sflag:s0] =	ssyncset.done @!p0 $0x0  }
0xda: {  	[sflag:s0] =	ssyncadd.s32 @!p0 s1  }
0xdb: {  	[bflag:$0x3] =	sbarrier.arrive $0xFFFF  }
0xdc: {  	_ =	shalt  }

</sc_bundles>
